<compile_context>
chip_gen: v7x
topology: tpu7x:2x2x1
jax: 0.10.2.dev20260603
libtpu: 0.0.44.dev20260713+nightly
codegen_flags: <defaults>
</compile_context>

<pallas_src>
import functools

import jax
import jax.numpy as jnp
from jax import lax
from jax.experimental import pallas as pl
from jax.experimental.pallas import tpu as pltpu
from jax.experimental.pallas import tpu_sc as plsc

N_NODES = 10000
N_EDGES = 2000
D_FEAT = 256
N_INC = 160000
Q = 64
NS = 16
KB = 80
NB = 125
PER_TILE = KB * NB
N_ROWS = N_NODES
E_ROWS = N_EDGES
E_SLAB = N_EDGES // NS
N_SLAB = N_NODES // NS
CHUNK = 125

_mesh = plsc.VectorSubcoreMesh(
    core_axis_name="c", subcore_axis_name="s", num_cores=2, num_subcores=NS
)


@functools.partial(
    pl.kernel,
    out_type=jax.ShapeDtypeStruct((N_NODES, D_FEAT), jnp.float32),
    mesh=_mesh,
    compiler_params=pltpu.CompilerParams(use_tc_tiling_on_sc=False),
    scratch_types=[
        pltpu.VMEM((2, KB, Q), jnp.float32),
        pltpu.VMEM((NB, KB), jnp.int32),
        pltpu.VMEM((NB, KB), jnp.int32),
        pltpu.VMEM((2, KB), jnp.int32),
        pltpu.VMEM((KB, 16), jnp.float32),
        pltpu.VMEM((CHUNK, Q), jnp.float32),
        pltpu.VMEM((CHUNK, 16), jnp.float32),
        pltpu.VMEM((CHUNK, Q), jnp.float32),
        pltpu.VMEM((2 * Q,), jnp.float32),
        pltpu.VMEM_SHARED((E_ROWS, Q), jnp.float32),
        pltpu.VMEM_SHARED((N_ROWS, Q), jnp.float32),
        pltpu.VMEM_SHARED((E_ROWS, 16), jnp.float32),
        pltpu.VMEM_SHARED((N_ROWS, 16), jnp.float32),
        pltpu.SemaphoreType.DMA((2,)),
        pltpu.SemaphoreType.DMA((2,)),
        pltpu.SemaphoreType.DMA,
    ],
)
def _hyper_gcn_sc(
    x4, nidx_hbm, eidx_hbm, bias_hbm, out_hbm,
    rows2, nidx_all, eidx_all, nadj, ones_v, wbuf, cbuf, obuf, bias_v,
    e_acc, n_acc, e_cnt, n_cnt, sem_g, sem_s, sem_c,
):
    cid = lax.axis_index("c")
    sid = lax.axis_index("s")
    zeros16 = jnp.zeros((16,), jnp.float32)
    ones16 = jnp.ones((16,), jnp.float32)
    ebase = sid * E_SLAB

    pltpu.sync_copy(nidx_hbm.at[pl.ds(sid * NB, NB)], nidx_all)
    pltpu.sync_copy(eidx_hbm.at[pl.ds(sid * NB, NB)], eidx_all)
    pltpu.sync_copy(bias_hbm.at[pl.ds(cid * 2 * Q, 2 * Q)], bias_v)

    def _fill_ones(r, carry):
        ones_v[r, :] = ones16
        return carry

    lax.fori_loop(0, KB, _fill_ones, 0)

    def _zero_cnt_row(r, carry):
        cbuf[r, :] = zeros16
        return carry

    lax.fori_loop(0, CHUNK, _zero_cnt_row, 0)

    def _stage_loop(stage, rnd, q):
        counts = stage == 1 and rnd == 0

        def adjust(b, g):
            for i in range(KB // 16):
                v = nidx_all[b, pl.ds(i * 16, 16)]
                nadj[g, pl.ds(i * 16, 16)] = v * 4 + q

        def issue_gather(b, g):
            if stage == 1:
                pltpu.async_copy(x4.at[nadj.at[g]], rows2.at[g], sem_g.at[g])
            else:
                pltpu.async_copy(
                    e_acc.at[eidx_all.at[b]], rows2.at[g], sem_g.at[g]
                )

        def wait_gather(b, g):
            if stage == 1:
                pltpu.make_async_copy(
                    x4.at[nadj.at[g]], rows2.at[g], sem_g.at[g]
                ).wait()
            else:
                pltpu.make_async_copy(
                    e_acc.at[eidx_all.at[b]], rows2.at[g], sem_g.at[g]
                ).wait()

        def issue_scatter(b, g):
            if stage == 1:
                pltpu.async_copy(
                    rows2.at[g], e_acc.at[eidx_all.at[b]], sem_s.at[g], add=True
                )
            else:
                pltpu.async_copy(
                    rows2.at[g], n_acc.at[nidx_all.at[b]], sem_s.at[g], add=True
                )

        def wait_scatter(b, g):
            if stage == 1:
                pltpu.make_async_copy(
                    rows2.at[g], e_acc.at[eidx_all.at[b]], sem_s.at[g]
                ).wait()
            else:
                pltpu.make_async_copy(
                    rows2.at[g], n_acc.at[nidx_all.at[b]], sem_s.at[g]
                ).wait()

        if stage == 1:
            adjust(0, 0)
        issue_gather(0, 0)

        def body(b, carry):
            g = lax.rem(b, 2)
            g1 = lax.rem(b + 1, 2)

            @pl.when(b >= 1)
            def _():
                wait_scatter(b - 1, g1)

            @pl.when(b + 1 < NB)
            def _():
                if stage == 1:
                    adjust(b + 1, g1)
                issue_gather(b + 1, g1)

            if counts:
                pltpu.async_copy(
                    ones_v, n_cnt.at[nidx_all.at[b]], sem_c, add=True
                )
                pltpu.async_copy(
                    ones_v, e_cnt.at[eidx_all.at[b]], sem_c, add=True
                )

            wait_gather(b, g)
            issue_scatter(b, g)
            return carry

        lax.fori_loop(0, NB, body, 0)
        wait_scatter(NB - 1, lax.rem(NB - 1, 2))
        if counts:
            def _drain(i, carry):
                pltpu.make_async_copy(
                    ones_v, n_cnt.at[nidx_all.at[0]], sem_c
                ).wait()
                pltpu.make_async_copy(
                    ones_v, e_cnt.at[eidx_all.at[0]], sem_c
                ).wait()
                return carry

            lax.fori_loop(0, NB, _drain, 0)

    for rnd in range(2):
        q = 2 * cid + rnd

        def _zero_row(r, carry):
            for c in range(Q // 16):
                wbuf[r, pl.ds(c * 16, 16)] = zeros16
            return carry

        lax.fori_loop(0, CHUNK, _zero_row, 0)
        pltpu.sync_copy(wbuf, e_acc.at[pl.ds(ebase, CHUNK)])
        if rnd == 0:
            pltpu.sync_copy(cbuf, e_cnt.at[pl.ds(ebase, CHUNK)])

        def _zero_nodes(j, carry):
            nb = sid * N_SLAB + j * CHUNK
            pltpu.sync_copy(wbuf, n_acc.at[pl.ds(nb, CHUNK)])
            if rnd == 0:
                pltpu.sync_copy(cbuf, n_cnt.at[pl.ds(nb, CHUNK)])
            return carry

        lax.fori_loop(0, N_SLAB // CHUNK, _zero_nodes, 0)
        plsc.subcore_barrier()

        _stage_loop(1, rnd, q)
        plsc.subcore_barrier()

        pltpu.sync_copy(e_acc.at[pl.ds(ebase, E_SLAB)], wbuf.at[pl.ds(0, E_SLAB)])
        pltpu.sync_copy(e_cnt.at[pl.ds(ebase, E_SLAB)], cbuf.at[pl.ds(0, E_SLAB)])

        def _scale_edge(r, carry):
            cnt = cbuf[r, :]
            rs = jnp.where(cnt > 0.0, 1.0 / cnt, 0.0)
            for c in range(Q // 16):
                wbuf[r, pl.ds(c * 16, 16)] = wbuf[r, pl.ds(c * 16, 16)] * rs
            return carry

        lax.fori_loop(0, E_SLAB, _scale_edge, 0)
        pltpu.sync_copy(wbuf.at[pl.ds(0, E_SLAB)], e_acc.at[pl.ds(ebase, E_SLAB)])
        plsc.subcore_barrier()

        _stage_loop(2, rnd, q)
        plsc.subcore_barrier()

        def _final(j, carry):
            nb = sid * N_SLAB + j * CHUNK
            pltpu.sync_copy(n_acc.at[pl.ds(nb, CHUNK)], wbuf)
            pltpu.sync_copy(n_cnt.at[pl.ds(nb, CHUNK)], cbuf)

            def _row(r, c2):
                cnt = cbuf[r, :]
                rs = jnp.where(cnt > 0.0, 1.0 / cnt, 0.0)
                for c in range(Q // 16):
                    v = (
                        wbuf[r, pl.ds(c * 16, 16)] * rs
                        + bias_v[pl.ds(rnd * Q + c * 16, 16)]
                    )
                    obuf[r, pl.ds(c * 16, 16)] = jnp.maximum(v, 0.01 * v)
                return c2

            lax.fori_loop(0, CHUNK, _row, 0)
            pltpu.sync_copy(
                obuf, out_hbm.at[pl.ds(nb, CHUNK), pl.ds(q * Q, Q)]
            )
            return carry

        lax.fori_loop(0, N_SLAB // CHUNK, _final, 0)
        if rnd == 0:
            plsc.subcore_barrier()


@jax.jit
def kernel(x, hyperedge_index, bias):
    x4 = x.reshape(4 * N_NODES, Q)
    nidx = hyperedge_index[0].reshape(NS * NB, KB)
    eidx = hyperedge_index[1].reshape(NS * NB, KB)
    return _hyper_gcn_sc(x4, nidx, eidx, bias)

# --- scband reference (transcript-rebuilt; emitter-appended) ---
"""Pipeline reference for scband-hyper-gcn-39384850104858 (READ-ONLY COPY).

The authoritative reference and input builder live on the scoring server;
editing this copy changes nothing except your own understanding.
"""

import jax, jax.numpy as jnp
import numpy as np

N_NODES = 10000
N_INCIDENCE = 160000
D_FEAT = 256
N_HYPEREDGES = 2000


def setup_inputs(seed: int = 0) -> dict:
    key = jax.random.key(seed)
    k1, k2, k3, k4 = jax.random.split(key, 4)
    x = jax.random.normal(k1, (N_NODES, D_FEAT), dtype=jnp.float32)
    node_idx = jax.random.randint(k2, (N_INCIDENCE,), 0, N_NODES, dtype=jnp.int32)
    edge_idx = jax.random.randint(k3, (N_INCIDENCE,), 0, N_HYPEREDGES, dtype=jnp.int32)
    hyperedge_index = jnp.stack([node_idx, edge_idx], axis=0)
    bias = jnp.zeros((D_FEAT,), dtype=jnp.float32)
    return {"x": x, "hyperedge_index": hyperedge_index, "bias": bias}


def reference(x, hyperedge_index, bias):
    # Faithful JAX port of HypergraphConv.forward (use_attention=False,
    # hyperedge_weight=None, EW_weight=None), which is the core layer
    # applied num_L times inside HyperGCN.
    num_nodes = x.shape[0]
    he_node = hyperedge_index[0]
    he_edge = hyperedge_index[1]
    num_edges = N_HYPEREDGES

    hyperedge_weight = jnp.ones((num_edges,), dtype=x.dtype)

    # D: node-degree normalization (sum of incident hyperedge weights per node)
    D = jax.ops.segment_sum(hyperedge_weight[he_edge], he_node, num_segments=num_nodes)
    D = jnp.where(D > 0, 1.0 / D, 0.0)

    # B: hyperedge-size normalization
    B = jax.ops.segment_sum(jnp.ones((he_node.shape[0],), dtype=x.dtype), he_edge, num_segments=num_edges)
    B = jnp.where(B > 0, 1.0 / B, 0.0)

    # propagate 1 (source_to_target): gather node feats, scatter-add into hyperedges
    msg1 = B[he_edge][:, None] * x[he_node]
    out_edges = jax.ops.segment_sum(msg1, he_edge, num_segments=num_edges)

    # propagate 2 (target_to_source): gather hyperedge feats, scatter-add into nodes
    msg2 = D[he_node][:, None] * out_edges[he_edge]
    out = jax.ops.segment_sum(msg2, he_node, num_segments=num_nodes)

    out = out + bias
    return jax.nn.leaky_relu(out, negative_slope=0.01)

if __name__ == "__main__":
    import jax
    _d = setup_inputs()
    print(jax.jit(kernel)(*tuple(_d.values())))

</pallas_src>

<mosaic_0001>
#map = affine_map<(d0, d1) -> (0, 0)>
#map1 = affine_map<(d0, d1) -> (0)>
module attributes {stable_mosaic.version = 14 : i64} {
  func.func @_hyper_gcn_sc(%arg0: i32, %arg1: i32, %arg2: memref<40000x64xf32, #tpu.memory_space<hbm>>, %arg3: memref<2000x80xi32, #tpu.memory_space<hbm>>, %arg4: memref<2000x80xi32, #tpu.memory_space<hbm>>, %arg5: memref<256xf32, #tpu.memory_space<hbm>>, %arg6: memref<10000x256xf32, #tpu.memory_space<hbm>>, %arg7: memref<2x80x64xf32, #tpu.memory_space<vmem>>, %arg8: memref<125x80xi32, #tpu.memory_space<vmem>>, %arg9: memref<125x80xi32, #tpu.memory_space<vmem>>, %arg10: memref<2x80xi32, #tpu.memory_space<vmem>>, %arg11: memref<80x16xf32, #tpu.memory_space<vmem>>, %arg12: memref<125x64xf32, #tpu.memory_space<vmem>>, %arg13: memref<125x16xf32, #tpu.memory_space<vmem>>, %arg14: memref<125x64xf32, #tpu.memory_space<vmem>>, %arg15: memref<128xf32, #tpu.memory_space<vmem>>, %arg16: memref<2000x64xf32, #tpu.memory_space<vmem_shared>>, %arg17: memref<10000x64xf32, #tpu.memory_space<vmem_shared>>, %arg18: memref<2000x16xf32, #tpu.memory_space<vmem_shared>>, %arg19: memref<10000x16xf32, #tpu.memory_space<vmem_shared>>, %arg20: memref<2x!tpu.dma_semaphore, #tpu.memory_space<semaphore_mem>>, %arg21: memref<2x!tpu.dma_semaphore, #tpu.memory_space<semaphore_mem>>, %arg22: memref<!tpu.dma_semaphore, #tpu.memory_space<semaphore_mem>>) attributes {dimension_semantics = [#tpu.dimension_semantics<core_parallel>, #tpu.dimension_semantics<subcore_parallel>], iteration_bounds = array<i64: 2, 16>, scalar_prefetch = 0 : i64, scratch_operands = 16 : i64, tpu.core_type = #tpu.core_type<sc_vector_subcore>, window_params = [{transform_indices = #map}, {transform_indices = #map}, {transform_indices = #map}, {transform_indices = #map1}, {transform_indices = #map}]} {
    %broadcast_in_dim3A = arith.constant 0.000000e+00 : f32
    %broadcast_in_dim3A_0 = vector.broadcast %broadcast_in_dim3A : f32 to vector<16xf32>
    %broadcast_in_dim3A_1 = arith.constant 1.000000e+00 : f32
    %broadcast_in_dim3A_2 = vector.broadcast %broadcast_in_dim3A_1 : f32 to vector<16xf32>
    %mul3A = arith.constant 125 : i32
    %mul3A_3 = arith.muli %arg1, %mul3A : i32
    %mul3A_4 = arith.constant 125 : i32
    %mul3A_5 = arith.muli %arg1, %mul3A_4 : i32
    "tpu.region"() ({
      %run_scoped3A = tpu.sem_alloc : memref<!tpu.dma_semaphore, #tpu.memory_space<semaphore_mem>>
      %dma_start3A_395 = arith.constant 0 : i32
      %dma_start3A_396 = tpu.memref_slice %arg3[%mul3A_5, %dma_start3A_395] : memref<2000x80xi32, #tpu.memory_space<hbm>> -> memref<125x80xi32, #tpu.memory_space<hbm>>
      %dma_start3A_397 = arith.constant 0 : i32
      %dma_start3A_398 = tpu.memref_slice %arg3[%mul3A_5, %dma_start3A_397] : memref<2000x80xi32, #tpu.memory_space<hbm>> -> memref<125x80xi32, #tpu.memory_space<hbm>>
      tpu.enqueue_dma source(%dma_start3A_398 : memref<125x80xi32, #tpu.memory_space<hbm>>) target(%arg8 : memref<125x80xi32, #tpu.memory_space<vmem>>) target_semaphore(%run_scoped3A : memref<!tpu.dma_semaphore, #tpu.memory_space<semaphore_mem>>)
      %dma_wait3A_399 = arith.constant 0 : i32
      %dma_wait3A_400 = tpu.memref_slice %arg3[%mul3A_5, %dma_wait3A_399] : memref<2000x80xi32, #tpu.memory_space<hbm>> -> memref<125x80xi32, #tpu.memory_space<hbm>>
      %dma_wait3A_401 = arith.constant 0 : i32
      %dma_wait3A_402 = tpu.memref_slice %arg3[%mul3A_5, %dma_wait3A_401] : memref<2000x80xi32, #tpu.memory_space<hbm>> -> memref<125x80xi32, #tpu.memory_space<hbm>>
      tpu.wait_dma2 semaphore(%run_scoped3A : memref<!tpu.dma_semaphore, #tpu.memory_space<semaphore_mem>>) src(%dma_wait3A_402 : memref<125x80xi32, #tpu.memory_space<hbm>>) dst(%arg8 : memref<125x80xi32, #tpu.memory_space<vmem>>)
      tpu.yield
    }) : () -> ()
    %mul3A_6 = arith.constant 125 : i32
    %mul3A_7 = arith.muli %arg1, %mul3A_6 : i32
    "tpu.region"() ({
      %run_scoped3A = tpu.sem_alloc : memref<!tpu.dma_semaphore, #tpu.memory_space<semaphore_mem>>
      %dma_start3A_395 = arith.constant 0 : i32
      %dma_start3A_396 = tpu.memref_slice %arg4[%mul3A_7, %dma_start3A_395] : memref<2000x80xi32, #tpu.memory_space<hbm>> -> memref<125x80xi32, #tpu.memory_space<hbm>>
      %dma_start3A_397 = arith.constant 0 : i32
      %dma_start3A_398 = tpu.memref_slice %arg4[%mul3A_7, %dma_start3A_397] : memref<2000x80xi32, #tpu.memory_space<hbm>> -> memref<125x80xi32, #tpu.memory_space<hbm>>
      tpu.enqueue_dma source(%dma_start3A_398 : memref<125x80xi32, #tpu.memory_space<hbm>>) target(%arg9 : memref<125x80xi32, #tpu.memory_space<vmem>>) target_semaphore(%run_scoped3A : memref<!tpu.dma_semaphore, #tpu.memory_space<semaphore_mem>>)
      %dma_wait3A_399 = arith.constant 0 : i32
      %dma_wait3A_400 = tpu.memref_slice %arg4[%mul3A_7, %dma_wait3A_399] : memref<2000x80xi32, #tpu.memory_space<hbm>> -> memref<125x80xi32, #tpu.memory_space<hbm>>
      %dma_wait3A_401 = arith.constant 0 : i32
      %dma_wait3A_402 = tpu.memref_slice %arg4[%mul3A_7, %dma_wait3A_401] : memref<2000x80xi32, #tpu.memory_space<hbm>> -> memref<125x80xi32, #tpu.memory_space<hbm>>
      tpu.wait_dma2 semaphore(%run_scoped3A : memref<!tpu.dma_semaphore, #tpu.memory_space<semaphore_mem>>) src(%dma_wait3A_402 : memref<125x80xi32, #tpu.memory_space<hbm>>) dst(%arg9 : memref<125x80xi32, #tpu.memory_space<vmem>>)
      tpu.yield
    }) : () -> ()
    %mul3A_8 = arith.constant 2 : i32
    %mul3A_9 = arith.muli %arg0, %mul3A_8 : i32
    %mul3A_10 = arith.constant 64 : i32
    %mul3A_11 = arith.muli %mul3A_9, %mul3A_10 : i32
    "tpu.region"() ({
      %run_scoped3A = tpu.sem_alloc : memref<!tpu.dma_semaphore, #tpu.memory_space<semaphore_mem>>
      %dma_start3A_395 = tpu.memref_slice %arg5[%mul3A_11] : memref<256xf32, #tpu.memory_space<hbm>> -> memref<128xf32, #tpu.memory_space<hbm>>
      %dma_start3A_396 = tpu.memref_slice %arg5[%mul3A_11] : memref<256xf32, #tpu.memory_space<hbm>> -> memref<128xf32, #tpu.memory_space<hbm>>
      tpu.enqueue_dma source(%dma_start3A_396 : memref<128xf32, #tpu.memory_space<hbm>>) target(%arg15 : memref<128xf32, #tpu.memory_space<vmem>>) target_semaphore(%run_scoped3A : memref<!tpu.dma_semaphore, #tpu.memory_space<semaphore_mem>>)
      %dma_wait3A_397 = tpu.memref_slice %arg5[%mul3A_11] : memref<256xf32, #tpu.memory_space<hbm>> -> memref<128xf32, #tpu.memory_space<hbm>>
      %dma_wait3A_398 = tpu.memref_slice %arg5[%mul3A_11] : memref<256xf32, #tpu.memory_space<hbm>> -> memref<128xf32, #tpu.memory_space<hbm>>
      tpu.wait_dma2 semaphore(%run_scoped3A : memref<!tpu.dma_semaphore, #tpu.memory_space<semaphore_mem>>) src(%dma_wait3A_398 : memref<128xf32, #tpu.memory_space<hbm>>) dst(%arg15 : memref<128xf32, #tpu.memory_space<vmem>>)
      tpu.yield
    }) : () -> ()
    %scan3A = arith.constant 0 : i32
    %scan3A_12 = arith.constant 0 : i32
    %scan3A_13 = arith.constant 80 : i32
    %scan3A_14 = arith.addi %scan3A_12, %scan3A_13 : i32
    %scan3A_15 = arith.constant 1 : i32
    scf.for %scan3A_395 = %scan3A_12 to %scan3A_14 step %scan3A_15  : i32 {
      %swap3A_396 = arith.index_cast %scan3A_395 : i32 to index
      %swap3A_397 = arith.constant 0 : index
      %swap3A_398 = tpu.vector_load %arg11[%swap3A_396, %swap3A_397] {strides = array<i32>} : memref<80x16xf32, #tpu.memory_space<vmem>>, vector<1x16xf32>,
      %swap3A_399 = vector.shape_cast %swap3A_398 : vector<1x16xf32> to vector<16xf32>
      %swap3A_400 = vector.shape_cast %broadcast_in_dim3A_2 : vector<16xf32> to vector<1x16xf32>
      tpu.vector_store %arg11[%swap3A_396, %swap3A_397], %swap3A_400 {strides = array<i32>} : memref<80x16xf32, #tpu.memory_space<vmem>>, vector<1x16xf32>,
    }
    %scan3A_16 = arith.constant 80 : i32
    %scan3A_17 = arith.constant 0 : i32
    %scan3A_18 = arith.constant 0 : i32
    %scan3A_19 = arith.constant 125 : i32
    %scan3A_20 = arith.addi %scan3A_18, %scan3A_19 : i32
    %scan3A_21 = arith.constant 1 : i32
    scf.for %scan3A_395 = %scan3A_18 to %scan3A_20 step %scan3A_21  : i32 {
      %swap3A_396 = arith.index_cast %scan3A_395 : i32 to index
      %swap3A_397 = arith.constant 0 : index
      %swap3A_398 = tpu.vector_load %arg13[%swap3A_396, %swap3A_397] {strides = array<i32>} : memref<125x16xf32, #tpu.memory_space<vmem>>, vector<1x16xf32>,
      %swap3A_399 = vector.shape_cast %swap3A_398 : vector<1x16xf32> to vector<16xf32>
      %swap3A_400 = vector.shape_cast %broadcast_in_dim3A_0 : vector<16xf32> to vector<1x16xf32>
      tpu.vector_store %arg13[%swap3A_396, %swap3A_397], %swap3A_400 {strides = array<i32>} : memref<125x16xf32, #tpu.memory_space<vmem>>, vector<1x16xf32>,
    }
    %scan3A_22 = arith.constant 125 : i32
    %mul3A_23 = arith.constant 2 : i32
    %mul3A_24 = arith.muli %mul3A_23, %arg0 : i32
    %add3A = arith.constant 0 : i32
    %add3A_25 = arith.addi %mul3A_24, %add3A : i32
    %scan3A_26 = arith.constant 0 : i32
    %scan3A_27 = arith.constant 0 : i32
    %scan3A_28 = arith.constant 125 : i32
    %scan3A_29 = arith.addi %scan3A_27, %scan3A_28 : i32
    %scan3A_30 = arith.constant 1 : i32
    scf.for %scan3A_395 = %scan3A_27 to %scan3A_29 step %scan3A_30  : i32 {
      %swap3A_396 = arith.index_cast %scan3A_395 : i32 to index
      %swap3A_397 = arith.constant 0 : index
      %swap3A_398 = tpu.vector_load %arg12[%swap3A_396, %swap3A_397] {strides = array<i32>} : memref<125x64xf32, #tpu.memory_space<vmem>>, vector<1x16xf32>,
      %swap3A_399 = vector.shape_cast %swap3A_398 : vector<1x16xf32> to vector<16xf32>
      %swap3A_400 = vector.shape_cast %broadcast_in_dim3A_0 : vector<16xf32> to vector<1x16xf32>
      tpu.vector_store %arg12[%swap3A_396, %swap3A_397], %swap3A_400 {strides = array<i32>} : memref<125x64xf32, #tpu.memory_space<vmem>>, vector<1x16xf32>,
      %swap3A_401 = arith.index_cast %scan3A_395 : i32 to index
      %swap3A_402 = arith.constant 16 : index
      %swap3A_403 = tpu.vector_load %arg12[%swap3A_401, %swap3A_402] {strides = array<i32>} : memref<125x64xf32, #tpu.memory_space<vmem>>, vector<1x16xf32>,
      %swap3A_404 = vector.shape_cast %swap3A_403 : vector<1x16xf32> to vector<16xf32>
      %swap3A_405 = vector.shape_cast %broadcast_in_dim3A_0 : vector<16xf32> to vector<1x16xf32>
      tpu.vector_store %arg12[%swap3A_401, %swap3A_402], %swap3A_405 {strides = array<i32>} : memref<125x64xf32, #tpu.memory_space<vmem>>, vector<1x16xf32>,
      %swap3A_406 = arith.index_cast %scan3A_395 : i32 to index
      %swap3A_407 = arith.constant 32 : index
      %swap3A_408 = tpu.vector_load %arg12[%swap3A_406, %swap3A_407] {strides = array<i32>} : memref<125x64xf32, #tpu.memory_space<vmem>>, vector<1x16xf32>,
      %swap3A_409 = vector.shape_cast %swap3A_408 : vector<1x16xf32> to vector<16xf32>
      %swap3A_410 = vector.shape_cast %broadcast_in_dim3A_0 : vector<16xf32> to vector<1x16xf32>
      tpu.vector_store %arg12[%swap3A_406, %swap3A_407], %swap3A_410 {strides = array<i32>} : memref<125x64xf32, #tpu.memory_space<vmem>>, vector<1x16xf32>,
      %swap3A_411 = arith.index_cast %scan3A_395 : i32 to index
      %swap3A_412 = arith.constant 48 : index
      %swap3A_413 = tpu.vector_load %arg12[%swap3A_411, %swap3A_412] {strides = array<i32>} : memref<125x64xf32, #tpu.memory_space<vmem>>, vector<1x16xf32>,
      %swap3A_414 = vector.shape_cast %swap3A_413 : vector<1x16xf32> to vector<16xf32>
      %swap3A_415 = vector.shape_cast %broadcast_in_dim3A_0 : vector<16xf32> to vector<1x16xf32>
      tpu.vector_store %arg12[%swap3A_411, %swap3A_412], %swap3A_415 {strides = array<i32>} : memref<125x64xf32, #tpu.memory_space<vmem>>, vector<1x16xf32>,
    }
    %scan3A_31 = arith.constant 125 : i32
    "tpu.region"() ({
      %run_scoped3A = tpu.sem_alloc : memref<!tpu.dma_semaphore, #tpu.memory_space<semaphore_mem>>
      %dma_start3A_395 = arith.constant 0 : i32
      %dma_start3A_396 = tpu.memref_slice %arg16[%mul3A_3, %dma_start3A_395] : memref<2000x64xf32, #tpu.memory_space<vmem_shared>> -> memref<125x64xf32, #tpu.memory_space<vmem_shared>>
      %dma_start3A_397 = arith.constant 0 : i32
      %dma_start3A_398 = tpu.memref_slice %arg16[%mul3A_3, %dma_start3A_397] : memref<2000x64xf32, #tpu.memory_space<vmem_shared>> -> memref<125x64xf32, #tpu.memory_space<vmem_shared>>
      tpu.enqueue_dma source(%arg12 : memref<125x64xf32, #tpu.memory_space<vmem>>) target(%dma_start3A_398 : memref<125x64xf32, #tpu.memory_space<vmem_shared>>) target_semaphore(%run_scoped3A : memref<!tpu.dma_semaphore, #tpu.memory_space<semaphore_mem>>)
      %dma_wait3A_399 = arith.constant 0 : i32
      %dma_wait3A_400 = tpu.memref_slice %arg16[%mul3A_3, %dma_wait3A_399] : memref<2000x64xf32, #tpu.memory_space<vmem_shared>> -> memref<125x64xf32, #tpu.memory_space<vmem_shared>>
      %dma_wait3A_401 = arith.constant 0 : i32
      %dma_wait3A_402 = tpu.memref_slice %arg16[%mul3A_3, %dma_wait3A_401] : memref<2000x64xf32, #tpu.memory_space<vmem_shared>> -> memref<125x64xf32, #tpu.memory_space<vmem_shared>>
      tpu.wait_dma2 semaphore(%run_scoped3A : memref<!tpu.dma_semaphore, #tpu.memory_space<semaphore_mem>>) src(%arg12 : memref<125x64xf32, #tpu.memory_space<vmem>>) dst(%dma_wait3A_402 : memref<125x64xf32, #tpu.memory_space<vmem_shared>>)
      tpu.yield
    }) : () -> ()
    "tpu.region"() ({
      %run_scoped3A = tpu.sem_alloc : memref<!tpu.dma_semaphore, #tpu.memory_space<semaphore_mem>>
      %dma_start3A_395 = arith.constant 0 : i32
      %dma_start3A_396 = tpu.memref_slice %arg18[%mul3A_3, %dma_start3A_395] : memref<2000x16xf32, #tpu.memory_space<vmem_shared>> -> memref<125x16xf32, #tpu.memory_space<vmem_shared>>
      %dma_start3A_397 = arith.constant 0 : i32
      %dma_start3A_398 = tpu.memref_slice %arg18[%mul3A_3, %dma_start3A_397] : memref<2000x16xf32, #tpu.memory_space<vmem_shared>> -> memref<125x16xf32, #tpu.memory_space<vmem_shared>>
      tpu.enqueue_dma source(%arg13 : memref<125x16xf32, #tpu.memory_space<vmem>>) target(%dma_start3A_398 : memref<125x16xf32, #tpu.memory_space<vmem_shared>>) target_semaphore(%run_scoped3A : memref<!tpu.dma_semaphore, #tpu.memory_space<semaphore_mem>>)
      %dma_wait3A_399 = arith.constant 0 : i32
      %dma_wait3A_400 = tpu.memref_slice %arg18[%mul3A_3, %dma_wait3A_399] : memref<2000x16xf32, #tpu.memory_space<vmem_shared>> -> memref<125x16xf32, #tpu.memory_space<vmem_shared>>
      %dma_wait3A_401 = arith.constant 0 : i32
      %dma_wait3A_402 = tpu.memref_slice %arg18[%mul3A_3, %dma_wait3A_401] : memref<2000x16xf32, #tpu.memory_space<vmem_shared>> -> memref<125x16xf32, #tpu.memory_space<vmem_shared>>
      tpu.wait_dma2 semaphore(%run_scoped3A : memref<!tpu.dma_semaphore, #tpu.memory_space<semaphore_mem>>) src(%arg13 : memref<125x16xf32, #tpu.memory_space<vmem>>) dst(%dma_wait3A_402 : memref<125x16xf32, #tpu.memory_space<vmem_shared>>)
      tpu.yield
    }) : () -> ()
    %scan3A_32 = arith.constant 0 : i32
    %scan3A_33 = arith.constant 0 : i32
    %scan3A_34 = arith.constant 5 : i32
    %scan3A_35 = arith.addi %scan3A_33, %scan3A_34 : i32
    %scan3A_36 = arith.constant 1 : i32
    scf.for %scan3A_395 = %scan3A_33 to %scan3A_35 step %scan3A_36  : i32 {
      %mul3A_396 = arith.constant 625 : i32
      %mul3A_397 = arith.muli %arg1, %mul3A_396 : i32
      %mul3A_398 = arith.constant 125 : i32
      %mul3A_399 = arith.muli %scan3A_395, %mul3A_398 : i32
      %add3A_400 = arith.addi %mul3A_397, %mul3A_399 : i32
      "tpu.region"() ({
        %run_scoped3A = tpu.sem_alloc : memref<!tpu.dma_semaphore, #tpu.memory_space<semaphore_mem>>
        %dma_start3A_401 = arith.constant 0 : i32
        %dma_start3A_402 = tpu.memref_slice %arg17[%add3A_400, %dma_start3A_401] : memref<10000x64xf32, #tpu.memory_space<vmem_shared>> -> memref<125x64xf32, #tpu.memory_space<vmem_shared>>
        %dma_start3A_403 = arith.constant 0 : i32
        %dma_start3A_404 = tpu.memref_slice %arg17[%add3A_400, %dma_start3A_403] : memref<10000x64xf32, #tpu.memory_space<vmem_shared>> -> memref<125x64xf32, #tpu.memory_space<vmem_shared>>
        tpu.enqueue_dma source(%arg12 : memref<125x64xf32, #tpu.memory_space<vmem>>) target(%dma_start3A_404 : memref<125x64xf32, #tpu.memory_space<vmem_shared>>) target_semaphore(%run_scoped3A : memref<!tpu.dma_semaphore, #tpu.memory_space<semaphore_mem>>)
        %dma_wait3A_405 = arith.constant 0 : i32
        %dma_wait3A_406 = tpu.memref_slice %arg17[%add3A_400, %dma_wait3A_405] : memref<10000x64xf32, #tpu.memory_space<vmem_shared>> -> memref<125x64xf32, #tpu.memory_space<vmem_shared>>
        %dma_wait3A_407 = arith.constant 0 : i32
        %dma_wait3A_408 = tpu.memref_slice %arg17[%add3A_400, %dma_wait3A_407] : memref<10000x64xf32, #tpu.memory_space<vmem_shared>> -> memref<125x64xf32, #tpu.memory_space<vmem_shared>>
        tpu.wait_dma2 semaphore(%run_scoped3A : memref<!tpu.dma_semaphore, #tpu.memory_space<semaphore_mem>>) src(%arg12 : memref<125x64xf32, #tpu.memory_space<vmem>>) dst(%dma_wait3A_408 : memref<125x64xf32, #tpu.memory_space<vmem_shared>>)
        tpu.yield
      }) : () -> ()
      "tpu.region"() ({
        %run_scoped3A = tpu.sem_alloc : memref<!tpu.dma_semaphore, #tpu.memory_space<semaphore_mem>>
        %dma_start3A_401 = arith.constant 0 : i32
        %dma_start3A_402 = tpu.memref_slice %arg19[%add3A_400, %dma_start3A_401] : memref<10000x16xf32, #tpu.memory_space<vmem_shared>> -> memref<125x16xf32, #tpu.memory_space<vmem_shared>>
        %dma_start3A_403 = arith.constant 0 : i32
        %dma_start3A_404 = tpu.memref_slice %arg19[%add3A_400, %dma_start3A_403] : memref<10000x16xf32, #tpu.memory_space<vmem_shared>> -> memref<125x16xf32, #tpu.memory_space<vmem_shared>>
        tpu.enqueue_dma source(%arg13 : memref<125x16xf32, #tpu.memory_space<vmem>>) target(%dma_start3A_404 : memref<125x16xf32, #tpu.memory_space<vmem_shared>>) target_semaphore(%run_scoped3A : memref<!tpu.dma_semaphore, #tpu.memory_space<semaphore_mem>>)
        %dma_wait3A_405 = arith.constant 0 : i32
        %dma_wait3A_406 = tpu.memref_slice %arg19[%add3A_400, %dma_wait3A_405] : memref<10000x16xf32, #tpu.memory_space<vmem_shared>> -> memref<125x16xf32, #tpu.memory_space<vmem_shared>>
        %dma_wait3A_407 = arith.constant 0 : i32
        %dma_wait3A_408 = tpu.memref_slice %arg19[%add3A_400, %dma_wait3A_407] : memref<10000x16xf32, #tpu.memory_space<vmem_shared>> -> memref<125x16xf32, #tpu.memory_space<vmem_shared>>
        tpu.wait_dma2 semaphore(%run_scoped3A : memref<!tpu.dma_semaphore, #tpu.memory_space<semaphore_mem>>) src(%arg13 : memref<125x16xf32, #tpu.memory_space<vmem>>) dst(%dma_wait3A_408 : memref<125x16xf32, #tpu.memory_space<vmem_shared>>)
        tpu.yield
      }) : () -> ()
    }
    %scan3A_37 = arith.constant 5 : i32
    %barrier3A = arith.constant 0 : index
    tpu.barrier barrier_id(%barrier3A)
    %get3A = arith.constant 0 : i32
    %get3A_38 = arith.index_cast %get3A : i32 to index
    %get3A_39 = arith.constant 0 : index
    %get3A_40 = tpu.vector_load %arg8[%get3A_38, %get3A_39] {strides = array<i32>} : memref<125x80xi32, #tpu.memory_space<vmem>>, vector<1x16xi32>,
    %get3A_41 = vector.shape_cast %get3A_40 : vector<1x16xi32> to vector<16xi32>
    %mul3A_42 = arith.constant 4 : i32
    %mul3A_43 = vector.broadcast %mul3A_42 : i32 to vector<16xi32>
    %mul3A_44 = arith.muli %get3A_41, %mul3A_43 : vector<16xi32>
    %add3A_45 = vector.broadcast %add3A_25 : i32 to vector<16xi32>
    %add3A_46 = arith.addi %mul3A_44, %add3A_45 : vector<16xi32>
    %swap3A = arith.constant 0 : i32
    %swap3A_47 = arith.index_cast %swap3A : i32 to index
    %swap3A_48 = arith.constant 0 : index
    %swap3A_49 = tpu.vector_load %arg10[%swap3A_47, %swap3A_48] {strides = array<i32>} : memref<2x80xi32, #tpu.memory_space<vmem>>, vector<1x16xi32>,
    %swap3A_50 = vector.shape_cast %swap3A_49 : vector<1x16xi32> to vector<16xi32>
    %swap3A_51 = vector.shape_cast %add3A_46 : vector<16xi32> to vector<1x16xi32>
    tpu.vector_store %arg10[%swap3A_47, %swap3A_48], %swap3A_51 {strides = array<i32>} : memref<2x80xi32, #tpu.memory_space<vmem>>, vector<1x16xi32>,
    %get3A_52 = arith.constant 0 : i32
    %get3A_53 = arith.index_cast %get3A_52 : i32 to index
    %get3A_54 = arith.constant 16 : index
    %get3A_55 = tpu.vector_load %arg8[%get3A_53, %get3A_54] {strides = array<i32>} : memref<125x80xi32, #tpu.memory_space<vmem>>, vector<1x16xi32>,
    %get3A_56 = vector.shape_cast %get3A_55 : vector<1x16xi32> to vector<16xi32>
    %mul3A_57 = arith.constant 4 : i32
    %mul3A_58 = vector.broadcast %mul3A_57 : i32 to vector<16xi32>
    %mul3A_59 = arith.muli %get3A_56, %mul3A_58 : vector<16xi32>
    %add3A_60 = vector.broadcast %add3A_25 : i32 to vector<16xi32>
    %add3A_61 = arith.addi %mul3A_59, %add3A_60 : vector<16xi32>
    %swap3A_62 = arith.constant 0 : i32
    %swap3A_63 = arith.index_cast %swap3A_62 : i32 to index
    %swap3A_64 = arith.constant 16 : index
    %swap3A_65 = tpu.vector_load %arg10[%swap3A_63, %swap3A_64] {strides = array<i32>} : memref<2x80xi32, #tpu.memory_space<vmem>>, vector<1x16xi32>,
    %swap3A_66 = vector.shape_cast %swap3A_65 : vector<1x16xi32> to vector<16xi32>
    %swap3A_67 = vector.shape_cast %add3A_61 : vector<16xi32> to vector<1x16xi32>
    tpu.vector_store %arg10[%swap3A_63, %swap3A_64], %swap3A_67 {strides = array<i32>} : memref<2x80xi32, #tpu.memory_space<vmem>>, vector<1x16xi32>,
    %get3A_68 = arith.constant 0 : i32
    %get3A_69 = arith.index_cast %get3A_68 : i32 to index
    %get3A_70 = arith.constant 32 : index
    %get3A_71 = tpu.vector_load %arg8[%get3A_69, %get3A_70] {strides = array<i32>} : memref<125x80xi32, #tpu.memory_space<vmem>>, vector<1x16xi32>,
    %get3A_72 = vector.shape_cast %get3A_71 : vector<1x16xi32> to vector<16xi32>
    %mul3A_73 = arith.constant 4 : i32
    %mul3A_74 = vector.broadcast %mul3A_73 : i32 to vector<16xi32>
    %mul3A_75 = arith.muli %get3A_72, %mul3A_74 : vector<16xi32>
    %add3A_76 = vector.broadcast %add3A_25 : i32 to vector<16xi32>
    %add3A_77 = arith.addi %mul3A_75, %add3A_76 : vector<16xi32>
    %swap3A_78 = arith.constant 0 : i32
    %swap3A_79 = arith.index_cast %swap3A_78 : i32 to index
    %swap3A_80 = arith.constant 32 : index
    %swap3A_81 = tpu.vector_load %arg10[%swap3A_79, %swap3A_80] {strides = array<i32>} : memref<2x80xi32, #tpu.memory_space<vmem>>, vector<1x16xi32>,
    %swap3A_82 = vector.shape_cast %swap3A_81 : vector<1x16xi32> to vector<16xi32>
    %swap3A_83 = vector.shape_cast %add3A_77 : vector<16xi32> to vector<1x16xi32>
    tpu.vector_store %arg10[%swap3A_79, %swap3A_80], %swap3A_83 {strides = array<i32>} : memref<2x80xi32, #tpu.memory_space<vmem>>, vector<1x16xi32>,
    %get3A_84 = arith.constant 0 : i32
    %get3A_85 = arith.index_cast %get3A_84 : i32 to index
    %get3A_86 = arith.constant 48 : index
    %get3A_87 = tpu.vector_load %arg8[%get3A_85, %get3A_86] {strides = array<i32>} : memref<125x80xi32, #tpu.memory_space<vmem>>, vector<1x16xi32>,
    %get3A_88 = vector.shape_cast %get3A_87 : vector<1x16xi32> to vector<16xi32>
    %mul3A_89 = arith.constant 4 : i32
    %mul3A_90 = vector.broadcast %mul3A_89 : i32 to vector<16xi32>
    %mul3A_91 = arith.muli %get3A_88, %mul3A_90 : vector<16xi32>
    %add3A_92 = vector.broadcast %add3A_25 : i32 to vector<16xi32>
    %add3A_93 = arith.addi %mul3A_91, %add3A_92 : vector<16xi32>
    %swap3A_94 = arith.constant 0 : i32
    %swap3A_95 = arith.index_cast %swap3A_94 : i32 to index
    %swap3A_96 = arith.constant 48 : index
    %swap3A_97 = tpu.vector_load %arg10[%swap3A_95, %swap3A_96] {strides = array<i32>} : memref<2x80xi32, #tpu.memory_space<vmem>>, vector<1x16xi32>,
    %swap3A_98 = vector.shape_cast %swap3A_97 : vector<1x16xi32> to vector<16xi32>
    %swap3A_99 = vector.shape_cast %add3A_93 : vector<16xi32> to vector<1x16xi32>
    tpu.vector_store %arg10[%swap3A_95, %swap3A_96], %swap3A_99 {strides = array<i32>} : memref<2x80xi32, #tpu.memory_space<vmem>>, vector<1x16xi32>,
    %get3A_100 = arith.constant 0 : i32
    %get3A_101 = arith.index_cast %get3A_100 : i32 to index
    %get3A_102 = arith.constant 64 : index
    %get3A_103 = tpu.vector_load %arg8[%get3A_101, %get3A_102] {strides = array<i32>} : memref<125x80xi32, #tpu.memory_space<vmem>>, vector<1x16xi32>,
    %get3A_104 = vector.shape_cast %get3A_103 : vector<1x16xi32> to vector<16xi32>
    %mul3A_105 = arith.constant 4 : i32
    %mul3A_106 = vector.broadcast %mul3A_105 : i32 to vector<16xi32>
    %mul3A_107 = arith.muli %get3A_104, %mul3A_106 : vector<16xi32>
    %add3A_108 = vector.broadcast %add3A_25 : i32 to vector<16xi32>
    %add3A_109 = arith.addi %mul3A_107, %add3A_108 : vector<16xi32>
    %swap3A_110 = arith.constant 0 : i32
    %swap3A_111 = arith.index_cast %swap3A_110 : i32 to index
    %swap3A_112 = arith.constant 64 : index
    %swap3A_113 = tpu.vector_load %arg10[%swap3A_111, %swap3A_112] {strides = array<i32>} : memref<2x80xi32, #tpu.memory_space<vmem>>, vector<1x16xi32>,
    %swap3A_114 = vector.shape_cast %swap3A_113 : vector<1x16xi32> to vector<16xi32>
    %swap3A_115 = vector.shape_cast %add3A_109 : vector<16xi32> to vector<1x16xi32>
    tpu.vector_store %arg10[%swap3A_111, %swap3A_112], %swap3A_115 {strides = array<i32>} : memref<2x80xi32, #tpu.memory_space<vmem>>, vector<1x16xi32>,
    %dma_start3A = arith.constant 0 : i32
    %dma_start3A_116 = arith.constant 0 : i32
    %dma_start3A_117 = arith.constant 0 : i32
    %dma_start3A_118 = arith.constant 0 : i32
    %dma_start3A_119 = arith.constant 0 : i32
    %dma_start3A_120 = tpu.memref_slice %arg7[%dma_start3A_116, %dma_start3A_118, %dma_start3A_119] : memref<2x80x64xf32, #tpu.memory_space<vmem>> -> memref<1x80x64xf32, #tpu.memory_space<vmem>>
    %dma_start3A_121 = tpu.memref_squeeze %dma_start3A_120 : memref<1x80x64xf32, #tpu.memory_space<vmem>> -> memref<80x64xf32, #tpu.memory_space<vmem>>
    %dma_start3A_122 = arith.constant 0 : i32
    %dma_start3A_123 = tpu.memref_slice %arg10[%dma_start3A, %dma_start3A_122] : memref<2x80xi32, #tpu.memory_space<vmem>> -> memref<1x80xi32, #tpu.memory_space<vmem>>
    %dma_start3A_124 = tpu.memref_squeeze %dma_start3A_123 : memref<1x80xi32, #tpu.memory_space<vmem>> -> memref<80xi32, #tpu.memory_space<vmem>>
    %dma_start3A_125 = arith.constant 0 : i32
    %dma_start3A_126 = arith.constant 0 : i32
    %dma_start3A_127 = tpu.memref_slice %arg2[%dma_start3A_125, %dma_start3A_126] : memref<40000x64xf32, #tpu.memory_space<hbm>> -> memref<40000x64xf32, #tpu.memory_space<hbm>>
    %dma_start3A_128 = tpu.memref_slice %arg20[%dma_start3A_117] : memref<2x!tpu.dma_semaphore, #tpu.memory_space<semaphore_mem>> -> memref<1x!tpu.dma_semaphore, #tpu.memory_space<semaphore_mem>>
    %dma_start3A_129 = tpu.memref_squeeze %dma_start3A_128 : memref<1x!tpu.dma_semaphore, #tpu.memory_space<semaphore_mem>> -> memref<!tpu.dma_semaphore, #tpu.memory_space<semaphore_mem>>
    tpu.enqueue_indirect_dma source(%dma_start3A_127 : memref<40000x64xf32, #tpu.memory_space<hbm>>) target(%dma_start3A_121 : memref<80x64xf32, #tpu.memory_space<vmem>>) offsets(%dma_start3A_124 : memref<80xi32, #tpu.memory_space<vmem>>) semaphore(%dma_start3A_129 : memref<!tpu.dma_semaphore, #tpu.memory_space<semaphore_mem>>)
    %scan3A_130 = arith.constant 0 : i32
    %scan3A_131 = arith.constant 0 : i32
    %scan3A_132 = arith.constant 125 : i32
    %scan3A_133 = arith.addi %scan3A_131, %scan3A_132 : i32
    %scan3A_134 = arith.constant 1 : i32
    scf.for %scan3A_395 = %scan3A_131 to %scan3A_133 step %scan3A_134  : i32 {
      %rem3A_396 = arith.constant 2 : i32
      %rem3A_397 = arith.remsi %scan3A_395, %rem3A_396 : i32
      %add3A_398 = arith.constant 1 : i32
      %add3A_399 = arith.addi %scan3A_395, %add3A_398 : i32
      %rem3A_400 = arith.constant 2 : i32
      %rem3A_401 = arith.remsi %add3A_399, %rem3A_400 : i32
      %ge3A = arith.constant 1 : i32
      %ge3A_402 = arith.cmpi sge, %scan3A_395, %ge3A : i32
      %convert_element_type3A = arith.extui %ge3A_402 : i1 to i32
      %cond3A = arith.constant 0 : i32
      %cond3A_403 = arith.cmpi ne, %convert_element_type3A, %cond3A : i32
      scf.if %cond3A_403 {
        %sub3A = arith.constant 1 : i32
        %sub3A_446 = arith.subi %scan3A_395, %sub3A : i32
        %dma_wait3A_447 = arith.constant 0 : i32
        %dma_wait3A_448 = arith.constant 0 : i32
        %dma_wait3A_449 = tpu.memref_slice %arg7[%rem3A_401, %dma_wait3A_447, %dma_wait3A_448] : memref<2x80x64xf32, #tpu.memory_space<vmem>> -> memref<1x80x64xf32, #tpu.memory_space<vmem>>
        %dma_wait3A_450 = tpu.memref_squeeze %dma_wait3A_449 : memref<1x80x64xf32, #tpu.memory_space<vmem>> -> memref<80x64xf32, #tpu.memory_space<vmem>>
        %dma_wait3A_451 = arith.constant 0 : i32
        %dma_wait3A_452 = tpu.memref_slice %arg9[%sub3A_446, %dma_wait3A_451] : memref<125x80xi32, #tpu.memory_space<vmem>> -> memref<1x80xi32, #tpu.memory_space<vmem>>
        %dma_wait3A_453 = tpu.memref_squeeze %dma_wait3A_452 : memref<1x80xi32, #tpu.memory_space<vmem>> -> memref<80xi32, #tpu.memory_space<vmem>>
        %dma_wait3A_454 = arith.constant 0 : i32
        %dma_wait3A_455 = arith.constant 0 : i32
        %dma_wait3A_456 = tpu.memref_slice %arg16[%dma_wait3A_454, %dma_wait3A_455] : memref<2000x64xf32, #tpu.memory_space<vmem_shared>> -> memref<2000x64xf32, #tpu.memory_space<vmem_shared>>
        %dma_wait3A_457 = tpu.memref_slice %arg21[%rem3A_401] : memref<2x!tpu.dma_semaphore, #tpu.memory_space<semaphore_mem>> -> memref<1x!tpu.dma_semaphore, #tpu.memory_space<semaphore_mem>>
        %dma_wait3A_458 = tpu.memref_squeeze %dma_wait3A_457 : memref<1x!tpu.dma_semaphore, #tpu.memory_space<semaphore_mem>> -> memref<!tpu.dma_semaphore, #tpu.memory_space<semaphore_mem>>
        tpu.wait_indirect_dma semaphore(%dma_wait3A_458 : memref<!tpu.dma_semaphore, #tpu.memory_space<semaphore_mem>>) src(%dma_wait3A_450 : memref<80x64xf32, #tpu.memory_space<vmem>>) dst(%dma_wait3A_456 : memref<2000x64xf32, #tpu.memory_space<vmem_shared>>)
      } else {
      }
      %add3A_404 = arith.constant 1 : i32
      %add3A_405 = arith.addi %scan3A_395, %add3A_404 : i32
      %lt3A = arith.constant 125 : i32
      %lt3A_406 = arith.cmpi slt, %add3A_405, %lt3A : i32
      %convert_element_type3A_407 = arith.extui %lt3A_406 : i1 to i32
      %cond3A_408 = arith.constant 0 : i32
      %cond3A_409 = arith.cmpi ne, %convert_element_type3A_407, %cond3A_408 : i32
      scf.if %cond3A_409 {
        %add3A_446 = arith.constant 1 : i32
        %add3A_447 = arith.addi %scan3A_395, %add3A_446 : i32
        %get3A_448 = arith.index_cast %add3A_447 : i32 to index
        %get3A_449 = arith.constant 0 : index
        %get3A_450 = tpu.vector_load %arg8[%get3A_448, %get3A_449] {strides = array<i32>} : memref<125x80xi32, #tpu.memory_space<vmem>>, vector<1x16xi32>,
        %get3A_451 = vector.shape_cast %get3A_450 : vector<1x16xi32> to vector<16xi32>
        %mul3A_452 = arith.constant 4 : i32
        %mul3A_453 = vector.broadcast %mul3A_452 : i32 to vector<16xi32>
        %mul3A_454 = arith.muli %get3A_451, %mul3A_453 : vector<16xi32>
        %add3A_455 = vector.broadcast %add3A_25 : i32 to vector<16xi32>
        %add3A_456 = arith.addi %mul3A_454, %add3A_455 : vector<16xi32>
        %swap3A_457 = arith.index_cast %rem3A_401 : i32 to index
        %swap3A_458 = arith.constant 0 : index
        %swap3A_459 = tpu.vector_load %arg10[%swap3A_457, %swap3A_458] {strides = array<i32>} : memref<2x80xi32, #tpu.memory_space<vmem>>, vector<1x16xi32>,
        %swap3A_460 = vector.shape_cast %swap3A_459 : vector<1x16xi32> to vector<16xi32>
        %swap3A_461 = vector.shape_cast %add3A_456 : vector<16xi32> to vector<1x16xi32>
        tpu.vector_store %arg10[%swap3A_457, %swap3A_458], %swap3A_461 {strides = array<i32>} : memref<2x80xi32, #tpu.memory_space<vmem>>, vector<1x16xi32>,
        %get3A_462 = arith.index_cast %add3A_447 : i32 to index
        %get3A_463 = arith.constant 16 : index
        %get3A_464 = tpu.vector_load %arg8[%get3A_462, %get3A_463] {strides = array<i32>} : memref<125x80xi32, #tpu.memory_space<vmem>>, vector<1x16xi32>,
        %get3A_465 = vector.shape_cast %get3A_464 : vector<1x16xi32> to vector<16xi32>
        %mul3A_466 = arith.constant 4 : i32
        %mul3A_467 = vector.broadcast %mul3A_466 : i32 to vector<16xi32>
        %mul3A_468 = arith.muli %get3A_465, %mul3A_467 : vector<16xi32>
        %add3A_469 = vector.broadcast %add3A_25 : i32 to vector<16xi32>
        %add3A_470 = arith.addi %mul3A_468, %add3A_469 : vector<16xi32>
        %swap3A_471 = arith.index_cast %rem3A_401 : i32 to index
        %swap3A_472 = arith.constant 16 : index
        %swap3A_473 = tpu.vector_load %arg10[%swap3A_471, %swap3A_472] {strides = array<i32>} : memref<2x80xi32, #tpu.memory_space<vmem>>, vector<1x16xi32>,
        %swap3A_474 = vector.shape_cast %swap3A_473 : vector<1x16xi32> to vector<16xi32>
        %swap3A_475 = vector.shape_cast %add3A_470 : vector<16xi32> to vector<1x16xi32>
        tpu.vector_store %arg10[%swap3A_471, %swap3A_472], %swap3A_475 {strides = array<i32>} : memref<2x80xi32, #tpu.memory_space<vmem>>, vector<1x16xi32>,
        %get3A_476 = arith.index_cast %add3A_447 : i32 to index
        %get3A_477 = arith.constant 32 : index
        %get3A_478 = tpu.vector_load %arg8[%get3A_476, %get3A_477] {strides = array<i32>} : memref<125x80xi32, #tpu.memory_space<vmem>>, vector<1x16xi32>,
        %get3A_479 = vector.shape_cast %get3A_478 : vector<1x16xi32> to vector<16xi32>
        %mul3A_480 = arith.constant 4 : i32
        %mul3A_481 = vector.broadcast %mul3A_480 : i32 to vector<16xi32>
        %mul3A_482 = arith.muli %get3A_479, %mul3A_481 : vector<16xi32>
        %add3A_483 = vector.broadcast %add3A_25 : i32 to vector<16xi32>
        %add3A_484 = arith.addi %mul3A_482, %add3A_483 : vector<16xi32>
        %swap3A_485 = arith.index_cast %rem3A_401 : i32 to index
        %swap3A_486 = arith.constant 32 : index
        %swap3A_487 = tpu.vector_load %arg10[%swap3A_485, %swap3A_486] {strides = array<i32>} : memref<2x80xi32, #tpu.memory_space<vmem>>, vector<1x16xi32>,
        %swap3A_488 = vector.shape_cast %swap3A_487 : vector<1x16xi32> to vector<16xi32>
        %swap3A_489 = vector.shape_cast %add3A_484 : vector<16xi32> to vector<1x16xi32>
        tpu.vector_store %arg10[%swap3A_485, %swap3A_486], %swap3A_489 {strides = array<i32>} : memref<2x80xi32, #tpu.memory_space<vmem>>, vector<1x16xi32>,
        %get3A_490 = arith.index_cast %add3A_447 : i32 to index
        %get3A_491 = arith.constant 48 : index
        %get3A_492 = tpu.vector_load %arg8[%get3A_490, %get3A_491] {strides = array<i32>} : memref<125x80xi32, #tpu.memory_space<vmem>>, vector<1x16xi32>,
        %get3A_493 = vector.shape_cast %get3A_492 : vector<1x16xi32> to vector<16xi32>
        %mul3A_494 = arith.constant 4 : i32
        %mul3A_495 = vector.broadcast %mul3A_494 : i32 to vector<16xi32>
        %mul3A_496 = arith.muli %get3A_493, %mul3A_495 : vector<16xi32>
        %add3A_497 = vector.broadcast %add3A_25 : i32 to vector<16xi32>
        %add3A_498 = arith.addi %mul3A_496, %add3A_497 : vector<16xi32>
        %swap3A_499 = arith.index_cast %rem3A_401 : i32 to index
        %swap3A_500 = arith.constant 48 : index
        %swap3A_501 = tpu.vector_load %arg10[%swap3A_499, %swap3A_500] {strides = array<i32>} : memref<2x80xi32, #tpu.memory_space<vmem>>, vector<1x16xi32>,
        %swap3A_502 = vector.shape_cast %swap3A_501 : vector<1x16xi32> to vector<16xi32>
        %swap3A_503 = vector.shape_cast %add3A_498 : vector<16xi32> to vector<1x16xi32>
        tpu.vector_store %arg10[%swap3A_499, %swap3A_500], %swap3A_503 {strides = array<i32>} : memref<2x80xi32, #tpu.memory_space<vmem>>, vector<1x16xi32>,
        %get3A_504 = arith.index_cast %add3A_447 : i32 to index
        %get3A_505 = arith.constant 64 : index
        %get3A_506 = tpu.vector_load %arg8[%get3A_504, %get3A_505] {strides = array<i32>} : memref<125x80xi32, #tpu.memory_space<vmem>>, vector<1x16xi32>,
        %get3A_507 = vector.shape_cast %get3A_506 : vector<1x16xi32> to vector<16xi32>
        %mul3A_508 = arith.constant 4 : i32
        %mul3A_509 = vector.broadcast %mul3A_508 : i32 to vector<16xi32>
        %mul3A_510 = arith.muli %get3A_507, %mul3A_509 : vector<16xi32>
        %add3A_511 = vector.broadcast %add3A_25 : i32 to vector<16xi32>
        %add3A_512 = arith.addi %mul3A_510, %add3A_511 : vector<16xi32>
        %swap3A_513 = arith.index_cast %rem3A_401 : i32 to index
        %swap3A_514 = arith.constant 64 : index
        %swap3A_515 = tpu.vector_load %arg10[%swap3A_513, %swap3A_514] {strides = array<i32>} : memref<2x80xi32, #tpu.memory_space<vmem>>, vector<1x16xi32>,
        %swap3A_516 = vector.shape_cast %swap3A_515 : vector<1x16xi32> to vector<16xi32>
        %swap3A_517 = vector.shape_cast %add3A_512 : vector<16xi32> to vector<1x16xi32>
        tpu.vector_store %arg10[%swap3A_513, %swap3A_514], %swap3A_517 {strides = array<i32>} : memref<2x80xi32, #tpu.memory_space<vmem>>, vector<1x16xi32>,
        %add3A_518 = arith.constant 1 : i32
        %add3A_519 = arith.addi %scan3A_395, %add3A_518 : i32
        %dma_start3A_520 = arith.constant 0 : i32
        %dma_start3A_521 = arith.constant 0 : i32
        %dma_start3A_522 = tpu.memref_slice %arg7[%rem3A_401, %dma_start3A_520, %dma_start3A_521] : memref<2x80x64xf32, #tpu.memory_space<vmem>> -> memref<1x80x64xf32, #tpu.memory_space<vmem>>
        %dma_start3A_523 = tpu.memref_squeeze %dma_start3A_522 : memref<1x80x64xf32, #tpu.memory_space<vmem>> -> memref<80x64xf32, #tpu.memory_space<vmem>>
        %dma_start3A_524 = arith.constant 0 : i32
        %dma_start3A_525 = tpu.memref_slice %arg10[%rem3A_401, %dma_start3A_524] : memref<2x80xi32, #tpu.memory_space<vmem>> -> memref<1x80xi32, #tpu.memory_space<vmem>>
        %dma_start3A_526 = tpu.memref_squeeze %dma_start3A_525 : memref<1x80xi32, #tpu.memory_space<vmem>> -> memref<80xi32, #tpu.memory_space<vmem>>
        %dma_start3A_527 = arith.constant 0 : i32
        %dma_start3A_528 = arith.constant 0 : i32
        %dma_start3A_529 = tpu.memref_slice %arg2[%dma_start3A_527, %dma_start3A_528] : memref<40000x64xf32, #tpu.memory_space<hbm>> -> memref<40000x64xf32, #tpu.memory_space<hbm>>
        %dma_start3A_530 = tpu.memref_slice %arg20[%rem3A_401] : memref<2x!tpu.dma_semaphore, #tpu.memory_space<semaphore_mem>> -> memref<1x!tpu.dma_semaphore, #tpu.memory_space<semaphore_mem>>
        %dma_start3A_531 = tpu.memref_squeeze %dma_start3A_530 : memref<1x!tpu.dma_semaphore, #tpu.memory_space<semaphore_mem>> -> memref<!tpu.dma_semaphore, #tpu.memory_space<semaphore_mem>>
        tpu.enqueue_indirect_dma source(%dma_start3A_529 : memref<40000x64xf32, #tpu.memory_space<hbm>>) target(%dma_start3A_523 : memref<80x64xf32, #tpu.memory_space<vmem>>) offsets(%dma_start3A_526 : memref<80xi32, #tpu.memory_space<vmem>>) semaphore(%dma_start3A_531 : memref<!tpu.dma_semaphore, #tpu.memory_space<semaphore_mem>>)
      } else {
      }
      %dma_start3A_410 = arith.constant 0 : i32
      %dma_start3A_411 = tpu.memref_slice %arg8[%scan3A_395, %dma_start3A_410] : memref<125x80xi32, #tpu.memory_space<vmem>> -> memref<1x80xi32, #tpu.memory_space<vmem>>
      %dma_start3A_412 = tpu.memref_squeeze %dma_start3A_411 : memref<1x80xi32, #tpu.memory_space<vmem>> -> memref<80xi32, #tpu.memory_space<vmem>>
      %dma_start3A_413 = arith.constant 0 : i32
      %dma_start3A_414 = arith.constant 0 : i32
      %dma_start3A_415 = tpu.memref_slice %arg19[%dma_start3A_413, %dma_start3A_414] : memref<10000x16xf32, #tpu.memory_space<vmem_shared>> -> memref<10000x16xf32, #tpu.memory_space<vmem_shared>>
      tpu.enqueue_indirect_dma source(%arg11 : memref<80x16xf32, #tpu.memory_space<vmem>>) target(%dma_start3A_415 : memref<10000x16xf32, #tpu.memory_space<vmem_shared>>) offsets(%dma_start3A_412 : memref<80xi32, #tpu.memory_space<vmem>>) semaphore(%arg22 : memref<!tpu.dma_semaphore, #tpu.memory_space<semaphore_mem>>) {add = true}
      %dma_start3A_416 = arith.constant 0 : i32
      %dma_start3A_417 = tpu.memref_slice %arg9[%scan3A_395, %dma_start3A_416] : memref<125x80xi32, #tpu.memory_space<vmem>> -> memref<1x80xi32, #tpu.memory_space<vmem>>
      %dma_start3A_418 = tpu.memref_squeeze %dma_start3A_417 : memref<1x80xi32, #tpu.memory_space<vmem>> -> memref<80xi32, #tpu.memory_space<vmem>>
      %dma_start3A_419 = arith.constant 0 : i32
      %dma_start3A_420 = arith.constant 0 : i32
      %dma_start3A_421 = tpu.memref_slice %arg18[%dma_start3A_419, %dma_start3A_420] : memref<2000x16xf32, #tpu.memory_space<vmem_shared>> -> memref<2000x16xf32, #tpu.memory_space<vmem_shared>>
      tpu.enqueue_indirect_dma source(%arg11 : memref<80x16xf32, #tpu.memory_space<vmem>>) target(%dma_start3A_421 : memref<2000x16xf32, #tpu.memory_space<vmem_shared>>) offsets(%dma_start3A_418 : memref<80xi32, #tpu.memory_space<vmem>>) semaphore(%arg22 : memref<!tpu.dma_semaphore, #tpu.memory_space<semaphore_mem>>) {add = true}
      %dma_wait3A_422 = arith.constant 0 : i32
      %dma_wait3A_423 = arith.constant 0 : i32
      %dma_wait3A_424 = tpu.memref_slice %arg7[%rem3A_397, %dma_wait3A_422, %dma_wait3A_423] : memref<2x80x64xf32, #tpu.memory_space<vmem>> -> memref<1x80x64xf32, #tpu.memory_space<vmem>>
      %dma_wait3A_425 = tpu.memref_squeeze %dma_wait3A_424 : memref<1x80x64xf32, #tpu.memory_space<vmem>> -> memref<80x64xf32, #tpu.memory_space<vmem>>
      %dma_wait3A_426 = arith.constant 0 : i32
      %dma_wait3A_427 = tpu.memref_slice %arg10[%rem3A_397, %dma_wait3A_426] : memref<2x80xi32, #tpu.memory_space<vmem>> -> memref<1x80xi32, #tpu.memory_space<vmem>>
      %dma_wait3A_428 = tpu.memref_squeeze %dma_wait3A_427 : memref<1x80xi32, #tpu.memory_space<vmem>> -> memref<80xi32, #tpu.memory_space<vmem>>
      %dma_wait3A_429 = arith.constant 0 : i32
      %dma_wait3A_430 = arith.constant 0 : i32
      %dma_wait3A_431 = tpu.memref_slice %arg2[%dma_wait3A_429, %dma_wait3A_430] : memref<40000x64xf32, #tpu.memory_space<hbm>> -> memref<40000x64xf32, #tpu.memory_space<hbm>>
      %dma_wait3A_432 = tpu.memref_slice %arg20[%rem3A_397] : memref<2x!tpu.dma_semaphore, #tpu.memory_space<semaphore_mem>> -> memref<1x!tpu.dma_semaphore, #tpu.memory_space<semaphore_mem>>
      %dma_wait3A_433 = tpu.memref_squeeze %dma_wait3A_432 : memref<1x!tpu.dma_semaphore, #tpu.memory_space<semaphore_mem>> -> memref<!tpu.dma_semaphore, #tpu.memory_space<semaphore_mem>>
      tpu.wait_indirect_dma semaphore(%dma_wait3A_433 : memref<!tpu.dma_semaphore, #tpu.memory_space<semaphore_mem>>) src(%dma_wait3A_431 : memref<40000x64xf32, #tpu.memory_space<hbm>>) dst(%dma_wait3A_425 : memref<80x64xf32, #tpu.memory_space<vmem>>)
      %dma_start3A_434 = arith.constant 0 : i32
      %dma_start3A_435 = arith.constant 0 : i32
      %dma_start3A_436 = tpu.memref_slice %arg7[%rem3A_397, %dma_start3A_434, %dma_start3A_435] : memref<2x80x64xf32, #tpu.memory_space<vmem>> -> memref<1x80x64xf32, #tpu.memory_space<vmem>>
      %dma_start3A_437 = tpu.memref_squeeze %dma_start3A_436 : memref<1x80x64xf32, #tpu.memory_space<vmem>> -> memref<80x64xf32, #tpu.memory_space<vmem>>
      %dma_start3A_438 = arith.constant 0 : i32
      %dma_start3A_439 = tpu.memref_slice %arg9[%scan3A_395, %dma_start3A_438] : memref<125x80xi32, #tpu.memory_space<vmem>> -> memref<1x80xi32, #tpu.memory_space<vmem>>
      %dma_start3A_440 = tpu.memref_squeeze %dma_start3A_439 : memref<1x80xi32, #tpu.memory_space<vmem>> -> memref<80xi32, #tpu.memory_space<vmem>>
      %dma_start3A_441 = arith.constant 0 : i32
      %dma_start3A_442 = arith.constant 0 : i32
      %dma_start3A_443 = tpu.memref_slice %arg16[%dma_start3A_441, %dma_start3A_442] : memref<2000x64xf32, #tpu.memory_space<vmem_shared>> -> memref<2000x64xf32, #tpu.memory_space<vmem_shared>>
      %dma_start3A_444 = tpu.memref_slice %arg21[%rem3A_397] : memref<2x!tpu.dma_semaphore, #tpu.memory_space<semaphore_mem>> -> memref<1x!tpu.dma_semaphore, #tpu.memory_space<semaphore_mem>>
      %dma_start3A_445 = tpu.memref_squeeze %dma_start3A_444 : memref<1x!tpu.dma_semaphore, #tpu.memory_space<semaphore_mem>> -> memref<!tpu.dma_semaphore, #tpu.memory_space<semaphore_mem>>
      tpu.enqueue_indirect_dma source(%dma_start3A_437 : memref<80x64xf32, #tpu.memory_space<vmem>>) target(%dma_start3A_443 : memref<2000x64xf32, #tpu.memory_space<vmem_shared>>) offsets(%dma_start3A_440 : memref<80xi32, #tpu.memory_space<vmem>>) semaphore(%dma_start3A_445 : memref<!tpu.dma_semaphore, #tpu.memory_space<semaphore_mem>>) {add = true}
    }
    %scan3A_135 = arith.constant 125 : i32
    %rem3A = arith.constant 124 : i32
    %rem3A_136 = arith.constant 2 : i32
    %rem3A_137 = arith.remsi %rem3A, %rem3A_136 : i32
    %dma_wait3A = arith.constant 124 : i32
    %dma_wait3A_138 = arith.constant 0 : i32
    %dma_wait3A_139 = arith.constant 0 : i32
    %dma_wait3A_140 = tpu.memref_slice %arg7[%rem3A_137, %dma_wait3A_138, %dma_wait3A_139] : memref<2x80x64xf32, #tpu.memory_space<vmem>> -> memref<1x80x64xf32, #tpu.memory_space<vmem>>
    %dma_wait3A_141 = tpu.memref_squeeze %dma_wait3A_140 : memref<1x80x64xf32, #tpu.memory_space<vmem>> -> memref<80x64xf32, #tpu.memory_space<vmem>>
    %dma_wait3A_142 = arith.constant 0 : i32
    %dma_wait3A_143 = tpu.memref_slice %arg9[%dma_wait3A, %dma_wait3A_142] : memref<125x80xi32, #tpu.memory_space<vmem>> -> memref<1x80xi32, #tpu.memory_space<vmem>>
    %dma_wait3A_144 = tpu.memref_squeeze %dma_wait3A_143 : memref<1x80xi32, #tpu.memory_space<vmem>> -> memref<80xi32, #tpu.memory_space<vmem>>
    %dma_wait3A_145 = arith.constant 0 : i32
    %dma_wait3A_146 = arith.constant 0 : i32
    %dma_wait3A_147 = tpu.memref_slice %arg16[%dma_wait3A_145, %dma_wait3A_146] : memref<2000x64xf32, #tpu.memory_space<vmem_shared>> -> memref<2000x64xf32, #tpu.memory_space<vmem_shared>>
    %dma_wait3A_148 = tpu.memref_slice %arg21[%rem3A_137] : memref<2x!tpu.dma_semaphore, #tpu.memory_space<semaphore_mem>> -> memref<1x!tpu.dma_semaphore, #tpu.memory_space<semaphore_mem>>
    %dma_wait3A_149 = tpu.memref_squeeze %dma_wait3A_148 : memref<1x!tpu.dma_semaphore, #tpu.memory_space<semaphore_mem>> -> memref<!tpu.dma_semaphore, #tpu.memory_space<semaphore_mem>>
    tpu.wait_indirect_dma semaphore(%dma_wait3A_149 : memref<!tpu.dma_semaphore, #tpu.memory_space<semaphore_mem>>) src(%dma_wait3A_141 : memref<80x64xf32, #tpu.memory_space<vmem>>) dst(%dma_wait3A_147 : memref<2000x64xf32, #tpu.memory_space<vmem_shared>>)
    %scan3A_150 = arith.constant 0 : i32
    %scan3A_151 = arith.constant 0 : i32
    %scan3A_152 = arith.constant 125 : i32
    %scan3A_153 = arith.addi %scan3A_151, %scan3A_152 : i32
    %scan3A_154 = arith.constant 1 : i32
    scf.for %scan3A_395 = %scan3A_151 to %scan3A_153 step %scan3A_154  : i32 {
      %dma_wait3A_396 = arith.constant 0 : i32
      %dma_wait3A_397 = arith.constant 0 : i32
      %dma_wait3A_398 = tpu.memref_slice %arg8[%dma_wait3A_396, %dma_wait3A_397] : memref<125x80xi32, #tpu.memory_space<vmem>> -> memref<1x80xi32, #tpu.memory_space<vmem>>
      %dma_wait3A_399 = tpu.memref_squeeze %dma_wait3A_398 : memref<1x80xi32, #tpu.memory_space<vmem>> -> memref<80xi32, #tpu.memory_space<vmem>>
      %dma_wait3A_400 = arith.constant 0 : i32
      %dma_wait3A_401 = arith.constant 0 : i32
      %dma_wait3A_402 = tpu.memref_slice %arg19[%dma_wait3A_400, %dma_wait3A_401] : memref<10000x16xf32, #tpu.memory_space<vmem_shared>> -> memref<10000x16xf32, #tpu.memory_space<vmem_shared>>
      tpu.wait_indirect_dma semaphore(%arg22 : memref<!tpu.dma_semaphore, #tpu.memory_space<semaphore_mem>>) src(%arg11 : memref<80x16xf32, #tpu.memory_space<vmem>>) dst(%dma_wait3A_402 : memref<10000x16xf32, #tpu.memory_space<vmem_shared>>)
      %dma_wait3A_403 = arith.constant 0 : i32
      %dma_wait3A_404 = arith.constant 0 : i32
      %dma_wait3A_405 = tpu.memref_slice %arg9[%dma_wait3A_403, %dma_wait3A_404] : memref<125x80xi32, #tpu.memory_space<vmem>> -> memref<1x80xi32, #tpu.memory_space<vmem>>
      %dma_wait3A_406 = tpu.memref_squeeze %dma_wait3A_405 : memref<1x80xi32, #tpu.memory_space<vmem>> -> memref<80xi32, #tpu.memory_space<vmem>>
      %dma_wait3A_407 = arith.constant 0 : i32
      %dma_wait3A_408 = arith.constant 0 : i32
      %dma_wait3A_409 = tpu.memref_slice %arg18[%dma_wait3A_407, %dma_wait3A_408] : memref<2000x16xf32, #tpu.memory_space<vmem_shared>> -> memref<2000x16xf32, #tpu.memory_space<vmem_shared>>
      tpu.wait_indirect_dma semaphore(%arg22 : memref<!tpu.dma_semaphore, #tpu.memory_space<semaphore_mem>>) src(%arg11 : memref<80x16xf32, #tpu.memory_space<vmem>>) dst(%dma_wait3A_409 : memref<2000x16xf32, #tpu.memory_space<vmem_shared>>)
    }
    %scan3A_155 = arith.constant 125 : i32
    %barrier3A_156 = arith.constant 0 : index
    tpu.barrier barrier_id(%barrier3A_156)
    "tpu.region"() ({
      %run_scoped3A = tpu.sem_alloc : memref<!tpu.dma_semaphore, #tpu.memory_space<semaphore_mem>>
      %dma_start3A_395 = arith.constant 0 : i32
      %dma_start3A_396 = arith.constant 0 : i32
      %dma_start3A_397 = tpu.memref_slice %arg12[%dma_start3A_395, %dma_start3A_396] : memref<125x64xf32, #tpu.memory_space<vmem>> -> memref<125x64xf32, #tpu.memory_space<vmem>>
      %dma_start3A_398 = arith.constant 0 : i32
      %dma_start3A_399 = tpu.memref_slice %arg16[%mul3A_3, %dma_start3A_398] : memref<2000x64xf32, #tpu.memory_space<vmem_shared>> -> memref<125x64xf32, #tpu.memory_space<vmem_shared>>
      %dma_start3A_400 = arith.constant 0 : i32
      %dma_start3A_401 = arith.constant 0 : i32
      %dma_start3A_402 = tpu.memref_slice %arg12[%dma_start3A_400, %dma_start3A_401] : memref<125x64xf32, #tpu.memory_space<vmem>> -> memref<125x64xf32, #tpu.memory_space<vmem>>
      %dma_start3A_403 = arith.constant 0 : i32
      %dma_start3A_404 = tpu.memref_slice %arg16[%mul3A_3, %dma_start3A_403] : memref<2000x64xf32, #tpu.memory_space<vmem_shared>> -> memref<125x64xf32, #tpu.memory_space<vmem_shared>>
      tpu.enqueue_dma source(%dma_start3A_404 : memref<125x64xf32, #tpu.memory_space<vmem_shared>>) target(%dma_start3A_402 : memref<125x64xf32, #tpu.memory_space<vmem>>) target_semaphore(%run_scoped3A : memref<!tpu.dma_semaphore, #tpu.memory_space<semaphore_mem>>)
      %dma_wait3A_405 = arith.constant 0 : i32
      %dma_wait3A_406 = arith.constant 0 : i32
      %dma_wait3A_407 = tpu.memref_slice %arg12[%dma_wait3A_405, %dma_wait3A_406] : memref<125x64xf32, #tpu.memory_space<vmem>> -> memref<125x64xf32, #tpu.memory_space<vmem>>
      %dma_wait3A_408 = arith.constant 0 : i32
      %dma_wait3A_409 = tpu.memref_slice %arg16[%mul3A_3, %dma_wait3A_408] : memref<2000x64xf32, #tpu.memory_space<vmem_shared>> -> memref<125x64xf32, #tpu.memory_space<vmem_shared>>
      %dma_wait3A_410 = arith.constant 0 : i32
      %dma_wait3A_411 = arith.constant 0 : i32
      %dma_wait3A_412 = tpu.memref_slice %arg12[%dma_wait3A_410, %dma_wait3A_411] : memref<125x64xf32, #tpu.memory_space<vmem>> -> memref<125x64xf32, #tpu.memory_space<vmem>>
      %dma_wait3A_413 = arith.constant 0 : i32
      %dma_wait3A_414 = tpu.memref_slice %arg16[%mul3A_3, %dma_wait3A_413] : memref<2000x64xf32, #tpu.memory_space<vmem_shared>> -> memref<125x64xf32, #tpu.memory_space<vmem_shared>>
      tpu.wait_dma2 semaphore(%run_scoped3A : memref<!tpu.dma_semaphore, #tpu.memory_space<semaphore_mem>>) src(%dma_wait3A_414 : memref<125x64xf32, #tpu.memory_space<vmem_shared>>) dst(%dma_wait3A_412 : memref<125x64xf32, #tpu.memory_space<vmem>>)
      tpu.yield
    }) : () -> ()
    "tpu.region"() ({
      %run_scoped3A = tpu.sem_alloc : memref<!tpu.dma_semaphore, #tpu.memory_space<semaphore_mem>>
      %dma_start3A_395 = arith.constant 0 : i32
      %dma_start3A_396 = arith.constant 0 : i32
      %dma_start3A_397 = tpu.memref_slice %arg13[%dma_start3A_395, %dma_start3A_396] : memref<125x16xf32, #tpu.memory_space<vmem>> -> memref<125x16xf32, #tpu.memory_space<vmem>>
      %dma_start3A_398 = arith.constant 0 : i32
      %dma_start3A_399 = tpu.memref_slice %arg18[%mul3A_3, %dma_start3A_398] : memref<2000x16xf32, #tpu.memory_space<vmem_shared>> -> memref<125x16xf32, #tpu.memory_space<vmem_shared>>
      %dma_start3A_400 = arith.constant 0 : i32
      %dma_start3A_401 = arith.constant 0 : i32
      %dma_start3A_402 = tpu.memref_slice %arg13[%dma_start3A_400, %dma_start3A_401] : memref<125x16xf32, #tpu.memory_space<vmem>> -> memref<125x16xf32, #tpu.memory_space<vmem>>
      %dma_start3A_403 = arith.constant 0 : i32
      %dma_start3A_404 = tpu.memref_slice %arg18[%mul3A_3, %dma_start3A_403] : memref<2000x16xf32, #tpu.memory_space<vmem_shared>> -> memref<125x16xf32, #tpu.memory_space<vmem_shared>>
      tpu.enqueue_dma source(%dma_start3A_404 : memref<125x16xf32, #tpu.memory_space<vmem_shared>>) target(%dma_start3A_402 : memref<125x16xf32, #tpu.memory_space<vmem>>) target_semaphore(%run_scoped3A : memref<!tpu.dma_semaphore, #tpu.memory_space<semaphore_mem>>)
      %dma_wait3A_405 = arith.constant 0 : i32
      %dma_wait3A_406 = arith.constant 0 : i32
      %dma_wait3A_407 = tpu.memref_slice %arg13[%dma_wait3A_405, %dma_wait3A_406] : memref<125x16xf32, #tpu.memory_space<vmem>> -> memref<125x16xf32, #tpu.memory_space<vmem>>
      %dma_wait3A_408 = arith.constant 0 : i32
      %dma_wait3A_409 = tpu.memref_slice %arg18[%mul3A_3, %dma_wait3A_408] : memref<2000x16xf32, #tpu.memory_space<vmem_shared>> -> memref<125x16xf32, #tpu.memory_space<vmem_shared>>
      %dma_wait3A_410 = arith.constant 0 : i32
      %dma_wait3A_411 = arith.constant 0 : i32
      %dma_wait3A_412 = tpu.memref_slice %arg13[%dma_wait3A_410, %dma_wait3A_411] : memref<125x16xf32, #tpu.memory_space<vmem>> -> memref<125x16xf32, #tpu.memory_space<vmem>>
      %dma_wait3A_413 = arith.constant 0 : i32
      %dma_wait3A_414 = tpu.memref_slice %arg18[%mul3A_3, %dma_wait3A_413] : memref<2000x16xf32, #tpu.memory_space<vmem_shared>> -> memref<125x16xf32, #tpu.memory_space<vmem_shared>>
      tpu.wait_dma2 semaphore(%run_scoped3A : memref<!tpu.dma_semaphore, #tpu.memory_space<semaphore_mem>>) src(%dma_wait3A_414 : memref<125x16xf32, #tpu.memory_space<vmem_shared>>) dst(%dma_wait3A_412 : memref<125x16xf32, #tpu.memory_space<vmem>>)
      tpu.yield
    }) : () -> ()
    %scan3A_157 = arith.constant 0 : i32
    %scan3A_158 = arith.constant 0 : i32
    %scan3A_159 = arith.constant 125 : i32
    %scan3A_160 = arith.addi %scan3A_158, %scan3A_159 : i32
    %scan3A_161 = arith.constant 1 : i32
    scf.for %scan3A_395 = %scan3A_158 to %scan3A_160 step %scan3A_161  : i32 {
      %get3A_396 = arith.index_cast %scan3A_395 : i32 to index
      %get3A_397 = arith.constant 0 : index
      %get3A_398 = tpu.vector_load %arg13[%get3A_396, %get3A_397] {strides = array<i32>} : memref<125x16xf32, #tpu.memory_space<vmem>>, vector<1x16xf32>,
      %get3A_399 = vector.shape_cast %get3A_398 : vector<1x16xf32> to vector<16xf32>
      %gt3A = arith.constant 0.000000e+00 : f32
      %gt3A_400 = vector.broadcast %gt3A : f32 to vector<16xf32>
      %gt3A_401 = arith.cmpf ogt, %get3A_399, %gt3A_400 : vector<16xf32>
      %div3A = arith.constant 1.000000e+00 : f32
      %div3A_402 = vector.broadcast %div3A : f32 to vector<16xf32>
      %div3A_403 = arith.divf %div3A_402, %get3A_399 : vector<16xf32>
      %jit3A = arith.constant 0.000000e+00 : f32
      %broadcast_in_dim3A_404 = vector.broadcast %jit3A : f32 to vector<16xf32>
      %select_n3A = arith.select %gt3A_401, %div3A_403, %broadcast_in_dim3A_404 : vector<16xi1>, vector<16xf32>
      %get3A_405 = arith.index_cast %scan3A_395 : i32 to index
      %get3A_406 = arith.constant 0 : index
      %get3A_407 = tpu.vector_load %arg12[%get3A_405, %get3A_406] {strides = array<i32>} : memref<125x64xf32, #tpu.memory_space<vmem>>, vector<1x16xf32>,
      %get3A_408 = vector.shape_cast %get3A_407 : vector<1x16xf32> to vector<16xf32>
      %mul3A_409 = arith.mulf %get3A_408, %select_n3A : vector<16xf32>
      %swap3A_410 = arith.index_cast %scan3A_395 : i32 to index
      %swap3A_411 = arith.constant 0 : index
      %swap3A_412 = tpu.vector_load %arg12[%swap3A_410, %swap3A_411] {strides = array<i32>} : memref<125x64xf32, #tpu.memory_space<vmem>>, vector<1x16xf32>,
      %swap3A_413 = vector.shape_cast %swap3A_412 : vector<1x16xf32> to vector<16xf32>
      %swap3A_414 = vector.shape_cast %mul3A_409 : vector<16xf32> to vector<1x16xf32>
      tpu.vector_store %arg12[%swap3A_410, %swap3A_411], %swap3A_414 {strides = array<i32>} : memref<125x64xf32, #tpu.memory_space<vmem>>, vector<1x16xf32>,
      %get3A_415 = arith.index_cast %scan3A_395 : i32 to index
      %get3A_416 = arith.constant 16 : index
      %get3A_417 = tpu.vector_load %arg12[%get3A_415, %get3A_416] {strides = array<i32>} : memref<125x64xf32, #tpu.memory_space<vmem>>, vector<1x16xf32>,
      %get3A_418 = vector.shape_cast %get3A_417 : vector<1x16xf32> to vector<16xf32>
      %mul3A_419 = arith.mulf %get3A_418, %select_n3A : vector<16xf32>
      %swap3A_420 = arith.index_cast %scan3A_395 : i32 to index
      %swap3A_421 = arith.constant 16 : index
      %swap3A_422 = tpu.vector_load %arg12[%swap3A_420, %swap3A_421] {strides = array<i32>} : memref<125x64xf32, #tpu.memory_space<vmem>>, vector<1x16xf32>,
      %swap3A_423 = vector.shape_cast %swap3A_422 : vector<1x16xf32> to vector<16xf32>
      %swap3A_424 = vector.shape_cast %mul3A_419 : vector<16xf32> to vector<1x16xf32>
      tpu.vector_store %arg12[%swap3A_420, %swap3A_421], %swap3A_424 {strides = array<i32>} : memref<125x64xf32, #tpu.memory_space<vmem>>, vector<1x16xf32>,
      %get3A_425 = arith.index_cast %scan3A_395 : i32 to index
      %get3A_426 = arith.constant 32 : index
      %get3A_427 = tpu.vector_load %arg12[%get3A_425, %get3A_426] {strides = array<i32>} : memref<125x64xf32, #tpu.memory_space<vmem>>, vector<1x16xf32>,
      %get3A_428 = vector.shape_cast %get3A_427 : vector<1x16xf32> to vector<16xf32>
      %mul3A_429 = arith.mulf %get3A_428, %select_n3A : vector<16xf32>
      %swap3A_430 = arith.index_cast %scan3A_395 : i32 to index
      %swap3A_431 = arith.constant 32 : index
      %swap3A_432 = tpu.vector_load %arg12[%swap3A_430, %swap3A_431] {strides = array<i32>} : memref<125x64xf32, #tpu.memory_space<vmem>>, vector<1x16xf32>,
      %swap3A_433 = vector.shape_cast %swap3A_432 : vector<1x16xf32> to vector<16xf32>
      %swap3A_434 = vector.shape_cast %mul3A_429 : vector<16xf32> to vector<1x16xf32>
      tpu.vector_store %arg12[%swap3A_430, %swap3A_431], %swap3A_434 {strides = array<i32>} : memref<125x64xf32, #tpu.memory_space<vmem>>, vector<1x16xf32>,
      %get3A_435 = arith.index_cast %scan3A_395 : i32 to index
      %get3A_436 = arith.constant 48 : index
      %get3A_437 = tpu.vector_load %arg12[%get3A_435, %get3A_436] {strides = array<i32>} : memref<125x64xf32, #tpu.memory_space<vmem>>, vector<1x16xf32>,
      %get3A_438 = vector.shape_cast %get3A_437 : vector<1x16xf32> to vector<16xf32>
      %mul3A_439 = arith.mulf %get3A_438, %select_n3A : vector<16xf32>
      %swap3A_440 = arith.index_cast %scan3A_395 : i32 to index
      %swap3A_441 = arith.constant 48 : index
      %swap3A_442 = tpu.vector_load %arg12[%swap3A_440, %swap3A_441] {strides = array<i32>} : memref<125x64xf32, #tpu.memory_space<vmem>>, vector<1x16xf32>,
      %swap3A_443 = vector.shape_cast %swap3A_442 : vector<1x16xf32> to vector<16xf32>
      %swap3A_444 = vector.shape_cast %mul3A_439 : vector<16xf32> to vector<1x16xf32>
      tpu.vector_store %arg12[%swap3A_440, %swap3A_441], %swap3A_444 {strides = array<i32>} : memref<125x64xf32, #tpu.memory_space<vmem>>, vector<1x16xf32>,
    }
    %scan3A_162 = arith.constant 125 : i32
    "tpu.region"() ({
      %run_scoped3A = tpu.sem_alloc : memref<!tpu.dma_semaphore, #tpu.memory_space<semaphore_mem>>
      %dma_start3A_395 = arith.constant 0 : i32
      %dma_start3A_396 = arith.constant 0 : i32
      %dma_start3A_397 = tpu.memref_slice %arg12[%dma_start3A_395, %dma_start3A_396] : memref<125x64xf32, #tpu.memory_space<vmem>> -> memref<125x64xf32, #tpu.memory_space<vmem>>
      %dma_start3A_398 = arith.constant 0 : i32
      %dma_start3A_399 = tpu.memref_slice %arg16[%mul3A_3, %dma_start3A_398] : memref<2000x64xf32, #tpu.memory_space<vmem_shared>> -> memref<125x64xf32, #tpu.memory_space<vmem_shared>>
      %dma_start3A_400 = arith.constant 0 : i32
      %dma_start3A_401 = tpu.memref_slice %arg16[%mul3A_3, %dma_start3A_400] : memref<2000x64xf32, #tpu.memory_space<vmem_shared>> -> memref<125x64xf32, #tpu.memory_space<vmem_shared>>
      %dma_start3A_402 = arith.constant 0 : i32
      %dma_start3A_403 = arith.constant 0 : i32
      %dma_start3A_404 = tpu.memref_slice %arg12[%dma_start3A_402, %dma_start3A_403] : memref<125x64xf32, #tpu.memory_space<vmem>> -> memref<125x64xf32, #tpu.memory_space<vmem>>
      tpu.enqueue_dma source(%dma_start3A_404 : memref<125x64xf32, #tpu.memory_space<vmem>>) target(%dma_start3A_401 : memref<125x64xf32, #tpu.memory_space<vmem_shared>>) target_semaphore(%run_scoped3A : memref<!tpu.dma_semaphore, #tpu.memory_space<semaphore_mem>>)
      %dma_wait3A_405 = arith.constant 0 : i32
      %dma_wait3A_406 = arith.constant 0 : i32
      %dma_wait3A_407 = tpu.memref_slice %arg12[%dma_wait3A_405, %dma_wait3A_406] : memref<125x64xf32, #tpu.memory_space<vmem>> -> memref<125x64xf32, #tpu.memory_space<vmem>>
      %dma_wait3A_408 = arith.constant 0 : i32
      %dma_wait3A_409 = tpu.memref_slice %arg16[%mul3A_3, %dma_wait3A_408] : memref<2000x64xf32, #tpu.memory_space<vmem_shared>> -> memref<125x64xf32, #tpu.memory_space<vmem_shared>>
      %dma_wait3A_410 = arith.constant 0 : i32
      %dma_wait3A_411 = tpu.memref_slice %arg16[%mul3A_3, %dma_wait3A_410] : memref<2000x64xf32, #tpu.memory_space<vmem_shared>> -> memref<125x64xf32, #tpu.memory_space<vmem_shared>>
      %dma_wait3A_412 = arith.constant 0 : i32
      %dma_wait3A_413 = arith.constant 0 : i32
      %dma_wait3A_414 = tpu.memref_slice %arg12[%dma_wait3A_412, %dma_wait3A_413] : memref<125x64xf32, #tpu.memory_space<vmem>> -> memref<125x64xf32, #tpu.memory_space<vmem>>
      tpu.wait_dma2 semaphore(%run_scoped3A : memref<!tpu.dma_semaphore, #tpu.memory_space<semaphore_mem>>) src(%dma_wait3A_414 : memref<125x64xf32, #tpu.memory_space<vmem>>) dst(%dma_wait3A_411 : memref<125x64xf32, #tpu.memory_space<vmem_shared>>)
      tpu.yield
    }) : () -> ()
    %barrier3A_163 = arith.constant 0 : index
    tpu.barrier barrier_id(%barrier3A_163)
    %dma_start3A_164 = arith.constant 0 : i32
    %dma_start3A_165 = arith.constant 0 : i32
    %dma_start3A_166 = arith.constant 0 : i32
    %dma_start3A_167 = arith.constant 0 : i32
    %dma_start3A_168 = arith.constant 0 : i32
    %dma_start3A_169 = tpu.memref_slice %arg7[%dma_start3A_165, %dma_start3A_167, %dma_start3A_168] : memref<2x80x64xf32, #tpu.memory_space<vmem>> -> memref<1x80x64xf32, #tpu.memory_space<vmem>>
    %dma_start3A_170 = tpu.memref_squeeze %dma_start3A_169 : memref<1x80x64xf32, #tpu.memory_space<vmem>> -> memref<80x64xf32, #tpu.memory_space<vmem>>
    %dma_start3A_171 = arith.constant 0 : i32
    %dma_start3A_172 = tpu.memref_slice %arg9[%dma_start3A_164, %dma_start3A_171] : memref<125x80xi32, #tpu.memory_space<vmem>> -> memref<1x80xi32, #tpu.memory_space<vmem>>
    %dma_start3A_173 = tpu.memref_squeeze %dma_start3A_172 : memref<1x80xi32, #tpu.memory_space<vmem>> -> memref<80xi32, #tpu.memory_space<vmem>>
    %dma_start3A_174 = arith.constant 0 : i32
    %dma_start3A_175 = arith.constant 0 : i32
    %dma_start3A_176 = tpu.memref_slice %arg16[%dma_start3A_174, %dma_start3A_175] : memref<2000x64xf32, #tpu.memory_space<vmem_shared>> -> memref<2000x64xf32, #tpu.memory_space<vmem_shared>>
    %dma_start3A_177 = tpu.memref_slice %arg20[%dma_start3A_166] : memref<2x!tpu.dma_semaphore, #tpu.memory_space<semaphore_mem>> -> memref<1x!tpu.dma_semaphore, #tpu.memory_space<semaphore_mem>>
    %dma_start3A_178 = tpu.memref_squeeze %dma_start3A_177 : memref<1x!tpu.dma_semaphore, #tpu.memory_space<semaphore_mem>> -> memref<!tpu.dma_semaphore, #tpu.memory_space<semaphore_mem>>
    tpu.enqueue_indirect_dma source(%dma_start3A_176 : memref<2000x64xf32, #tpu.memory_space<vmem_shared>>) target(%dma_start3A_170 : memref<80x64xf32, #tpu.memory_space<vmem>>) offsets(%dma_start3A_173 : memref<80xi32, #tpu.memory_space<vmem>>) semaphore(%dma_start3A_178 : memref<!tpu.dma_semaphore, #tpu.memory_space<semaphore_mem>>)
    %scan3A_179 = arith.constant 0 : i32
    %scan3A_180 = arith.constant 0 : i32
    %scan3A_181 = arith.constant 125 : i32
    %scan3A_182 = arith.addi %scan3A_180, %scan3A_181 : i32
    %scan3A_183 = arith.constant 1 : i32
    scf.for %scan3A_395 = %scan3A_180 to %scan3A_182 step %scan3A_183  : i32 {
      %rem3A_396 = arith.constant 2 : i32
      %rem3A_397 = arith.remsi %scan3A_395, %rem3A_396 : i32
      %add3A_398 = arith.constant 1 : i32
      %add3A_399 = arith.addi %scan3A_395, %add3A_398 : i32
      %rem3A_400 = arith.constant 2 : i32
      %rem3A_401 = arith.remsi %add3A_399, %rem3A_400 : i32
      %ge3A = arith.constant 1 : i32
      %ge3A_402 = arith.cmpi sge, %scan3A_395, %ge3A : i32
      %convert_element_type3A = arith.extui %ge3A_402 : i1 to i32
      %cond3A = arith.constant 0 : i32
      %cond3A_403 = arith.cmpi ne, %convert_element_type3A, %cond3A : i32
      scf.if %cond3A_403 {
        %sub3A = arith.constant 1 : i32
        %sub3A_434 = arith.subi %scan3A_395, %sub3A : i32
        %dma_wait3A_435 = arith.constant 0 : i32
        %dma_wait3A_436 = arith.constant 0 : i32
        %dma_wait3A_437 = tpu.memref_slice %arg7[%rem3A_401, %dma_wait3A_435, %dma_wait3A_436] : memref<2x80x64xf32, #tpu.memory_space<vmem>> -> memref<1x80x64xf32, #tpu.memory_space<vmem>>
        %dma_wait3A_438 = tpu.memref_squeeze %dma_wait3A_437 : memref<1x80x64xf32, #tpu.memory_space<vmem>> -> memref<80x64xf32, #tpu.memory_space<vmem>>
        %dma_wait3A_439 = arith.constant 0 : i32
        %dma_wait3A_440 = tpu.memref_slice %arg8[%sub3A_434, %dma_wait3A_439] : memref<125x80xi32, #tpu.memory_space<vmem>> -> memref<1x80xi32, #tpu.memory_space<vmem>>
        %dma_wait3A_441 = tpu.memref_squeeze %dma_wait3A_440 : memref<1x80xi32, #tpu.memory_space<vmem>> -> memref<80xi32, #tpu.memory_space<vmem>>
        %dma_wait3A_442 = arith.constant 0 : i32
        %dma_wait3A_443 = arith.constant 0 : i32
        %dma_wait3A_444 = tpu.memref_slice %arg17[%dma_wait3A_442, %dma_wait3A_443] : memref<10000x64xf32, #tpu.memory_space<vmem_shared>> -> memref<10000x64xf32, #tpu.memory_space<vmem_shared>>
        %dma_wait3A_445 = tpu.memref_slice %arg21[%rem3A_401] : memref<2x!tpu.dma_semaphore, #tpu.memory_space<semaphore_mem>> -> memref<1x!tpu.dma_semaphore, #tpu.memory_space<semaphore_mem>>
        %dma_wait3A_446 = tpu.memref_squeeze %dma_wait3A_445 : memref<1x!tpu.dma_semaphore, #tpu.memory_space<semaphore_mem>> -> memref<!tpu.dma_semaphore, #tpu.memory_space<semaphore_mem>>
        tpu.wait_indirect_dma semaphore(%dma_wait3A_446 : memref<!tpu.dma_semaphore, #tpu.memory_space<semaphore_mem>>) src(%dma_wait3A_438 : memref<80x64xf32, #tpu.memory_space<vmem>>) dst(%dma_wait3A_444 : memref<10000x64xf32, #tpu.memory_space<vmem_shared>>)
      } else {
      }
      %add3A_404 = arith.constant 1 : i32
      %add3A_405 = arith.addi %scan3A_395, %add3A_404 : i32
      %lt3A = arith.constant 125 : i32
      %lt3A_406 = arith.cmpi slt, %add3A_405, %lt3A : i32
      %convert_element_type3A_407 = arith.extui %lt3A_406 : i1 to i32
      %cond3A_408 = arith.constant 0 : i32
      %cond3A_409 = arith.cmpi ne, %convert_element_type3A_407, %cond3A_408 : i32
      scf.if %cond3A_409 {
        %add3A_434 = arith.constant 1 : i32
        %add3A_435 = arith.addi %scan3A_395, %add3A_434 : i32
        %dma_start3A_436 = arith.constant 0 : i32
        %dma_start3A_437 = arith.constant 0 : i32
        %dma_start3A_438 = tpu.memref_slice %arg7[%rem3A_401, %dma_start3A_436, %dma_start3A_437] : memref<2x80x64xf32, #tpu.memory_space<vmem>> -> memref<1x80x64xf32, #tpu.memory_space<vmem>>
        %dma_start3A_439 = tpu.memref_squeeze %dma_start3A_438 : memref<1x80x64xf32, #tpu.memory_space<vmem>> -> memref<80x64xf32, #tpu.memory_space<vmem>>
        %dma_start3A_440 = arith.constant 0 : i32
        %dma_start3A_441 = tpu.memref_slice %arg9[%add3A_435, %dma_start3A_440] : memref<125x80xi32, #tpu.memory_space<vmem>> -> memref<1x80xi32, #tpu.memory_space<vmem>>
        %dma_start3A_442 = tpu.memref_squeeze %dma_start3A_441 : memref<1x80xi32, #tpu.memory_space<vmem>> -> memref<80xi32, #tpu.memory_space<vmem>>
        %dma_start3A_443 = arith.constant 0 : i32
        %dma_start3A_444 = arith.constant 0 : i32
        %dma_start3A_445 = tpu.memref_slice %arg16[%dma_start3A_443, %dma_start3A_444] : memref<2000x64xf32, #tpu.memory_space<vmem_shared>> -> memref<2000x64xf32, #tpu.memory_space<vmem_shared>>
        %dma_start3A_446 = tpu.memref_slice %arg20[%rem3A_401] : memref<2x!tpu.dma_semaphore, #tpu.memory_space<semaphore_mem>> -> memref<1x!tpu.dma_semaphore, #tpu.memory_space<semaphore_mem>>
        %dma_start3A_447 = tpu.memref_squeeze %dma_start3A_446 : memref<1x!tpu.dma_semaphore, #tpu.memory_space<semaphore_mem>> -> memref<!tpu.dma_semaphore, #tpu.memory_space<semaphore_mem>>
        tpu.enqueue_indirect_dma source(%dma_start3A_445 : memref<2000x64xf32, #tpu.memory_space<vmem_shared>>) target(%dma_start3A_439 : memref<80x64xf32, #tpu.memory_space<vmem>>) offsets(%dma_start3A_442 : memref<80xi32, #tpu.memory_space<vmem>>) semaphore(%dma_start3A_447 : memref<!tpu.dma_semaphore, #tpu.memory_space<semaphore_mem>>)
      } else {
      }
      %dma_wait3A_410 = arith.constant 0 : i32
      %dma_wait3A_411 = arith.constant 0 : i32
      %dma_wait3A_412 = tpu.memref_slice %arg7[%rem3A_397, %dma_wait3A_410, %dma_wait3A_411] : memref<2x80x64xf32, #tpu.memory_space<vmem>> -> memref<1x80x64xf32, #tpu.memory_space<vmem>>
      %dma_wait3A_413 = tpu.memref_squeeze %dma_wait3A_412 : memref<1x80x64xf32, #tpu.memory_space<vmem>> -> memref<80x64xf32, #tpu.memory_space<vmem>>
      %dma_wait3A_414 = arith.constant 0 : i32
      %dma_wait3A_415 = tpu.memref_slice %arg9[%scan3A_395, %dma_wait3A_414] : memref<125x80xi32, #tpu.memory_space<vmem>> -> memref<1x80xi32, #tpu.memory_space<vmem>>
      %dma_wait3A_416 = tpu.memref_squeeze %dma_wait3A_415 : memref<1x80xi32, #tpu.memory_space<vmem>> -> memref<80xi32, #tpu.memory_space<vmem>>
      %dma_wait3A_417 = arith.constant 0 : i32
      %dma_wait3A_418 = arith.constant 0 : i32
      %dma_wait3A_419 = tpu.memref_slice %arg16[%dma_wait3A_417, %dma_wait3A_418] : memref<2000x64xf32, #tpu.memory_space<vmem_shared>> -> memref<2000x64xf32, #tpu.memory_space<vmem_shared>>
      %dma_wait3A_420 = tpu.memref_slice %arg20[%rem3A_397] : memref<2x!tpu.dma_semaphore, #tpu.memory_space<semaphore_mem>> -> memref<1x!tpu.dma_semaphore, #tpu.memory_space<semaphore_mem>>
      %dma_wait3A_421 = tpu.memref_squeeze %dma_wait3A_420 : memref<1x!tpu.dma_semaphore, #tpu.memory_space<semaphore_mem>> -> memref<!tpu.dma_semaphore, #tpu.memory_space<semaphore_mem>>
      tpu.wait_indirect_dma semaphore(%dma_wait3A_421 : memref<!tpu.dma_semaphore, #tpu.memory_space<semaphore_mem>>) src(%dma_wait3A_419 : memref<2000x64xf32, #tpu.memory_space<vmem_shared>>) dst(%dma_wait3A_413 : memref<80x64xf32, #tpu.memory_space<vmem>>)
      %dma_start3A_422 = arith.constant 0 : i32
      %dma_start3A_423 = arith.constant 0 : i32
      %dma_start3A_424 = tpu.memref_slice %arg7[%rem3A_397, %dma_start3A_422, %dma_start3A_423] : memref<2x80x64xf32, #tpu.memory_space<vmem>> -> memref<1x80x64xf32, #tpu.memory_space<vmem>>
      %dma_start3A_425 = tpu.memref_squeeze %dma_start3A_424 : memref<1x80x64xf32, #tpu.memory_space<vmem>> -> memref<80x64xf32, #tpu.memory_space<vmem>>
      %dma_start3A_426 = arith.constant 0 : i32
      %dma_start3A_427 = tpu.memref_slice %arg8[%scan3A_395, %dma_start3A_426] : memref<125x80xi32, #tpu.memory_space<vmem>> -> memref<1x80xi32, #tpu.memory_space<vmem>>
      %dma_start3A_428 = tpu.memref_squeeze %dma_start3A_427 : memref<1x80xi32, #tpu.memory_space<vmem>> -> memref<80xi32, #tpu.memory_space<vmem>>
      %dma_start3A_429 = arith.constant 0 : i32
      %dma_start3A_430 = arith.constant 0 : i32
      %dma_start3A_431 = tpu.memref_slice %arg17[%dma_start3A_429, %dma_start3A_430] : memref<10000x64xf32, #tpu.memory_space<vmem_shared>> -> memref<10000x64xf32, #tpu.memory_space<vmem_shared>>
      %dma_start3A_432 = tpu.memref_slice %arg21[%rem3A_397] : memref<2x!tpu.dma_semaphore, #tpu.memory_space<semaphore_mem>> -> memref<1x!tpu.dma_semaphore, #tpu.memory_space<semaphore_mem>>
      %dma_start3A_433 = tpu.memref_squeeze %dma_start3A_432 : memref<1x!tpu.dma_semaphore, #tpu.memory_space<semaphore_mem>> -> memref<!tpu.dma_semaphore, #tpu.memory_space<semaphore_mem>>
      tpu.enqueue_indirect_dma source(%dma_start3A_425 : memref<80x64xf32, #tpu.memory_space<vmem>>) target(%dma_start3A_431 : memref<10000x64xf32, #tpu.memory_space<vmem_shared>>) offsets(%dma_start3A_428 : memref<80xi32, #tpu.memory_space<vmem>>) semaphore(%dma_start3A_433 : memref<!tpu.dma_semaphore, #tpu.memory_space<semaphore_mem>>) {add = true}
    }
    %scan3A_184 = arith.constant 125 : i32
    %rem3A_185 = arith.constant 124 : i32
    %rem3A_186 = arith.constant 2 : i32
    %rem3A_187 = arith.remsi %rem3A_185, %rem3A_186 : i32
    %dma_wait3A_188 = arith.constant 124 : i32
    %dma_wait3A_189 = arith.constant 0 : i32
    %dma_wait3A_190 = arith.constant 0 : i32
    %dma_wait3A_191 = tpu.memref_slice %arg7[%rem3A_187, %dma_wait3A_189, %dma_wait3A_190] : memref<2x80x64xf32, #tpu.memory_space<vmem>> -> memref<1x80x64xf32, #tpu.memory_space<vmem>>
    %dma_wait3A_192 = tpu.memref_squeeze %dma_wait3A_191 : memref<1x80x64xf32, #tpu.memory_space<vmem>> -> memref<80x64xf32, #tpu.memory_space<vmem>>
    %dma_wait3A_193 = arith.constant 0 : i32
    %dma_wait3A_194 = tpu.memref_slice %arg8[%dma_wait3A_188, %dma_wait3A_193] : memref<125x80xi32, #tpu.memory_space<vmem>> -> memref<1x80xi32, #tpu.memory_space<vmem>>
    %dma_wait3A_195 = tpu.memref_squeeze %dma_wait3A_194 : memref<1x80xi32, #tpu.memory_space<vmem>> -> memref<80xi32, #tpu.memory_space<vmem>>
    %dma_wait3A_196 = arith.constant 0 : i32
    %dma_wait3A_197 = arith.constant 0 : i32
    %dma_wait3A_198 = tpu.memref_slice %arg17[%dma_wait3A_196, %dma_wait3A_197] : memref<10000x64xf32, #tpu.memory_space<vmem_shared>> -> memref<10000x64xf32, #tpu.memory_space<vmem_shared>>
    %dma_wait3A_199 = tpu.memref_slice %arg21[%rem3A_187] : memref<2x!tpu.dma_semaphore, #tpu.memory_space<semaphore_mem>> -> memref<1x!tpu.dma_semaphore, #tpu.memory_space<semaphore_mem>>
    %dma_wait3A_200 = tpu.memref_squeeze %dma_wait3A_199 : memref<1x!tpu.dma_semaphore, #tpu.memory_space<semaphore_mem>> -> memref<!tpu.dma_semaphore, #tpu.memory_space<semaphore_mem>>
    tpu.wait_indirect_dma semaphore(%dma_wait3A_200 : memref<!tpu.dma_semaphore, #tpu.memory_space<semaphore_mem>>) src(%dma_wait3A_192 : memref<80x64xf32, #tpu.memory_space<vmem>>) dst(%dma_wait3A_198 : memref<10000x64xf32, #tpu.memory_space<vmem_shared>>)
    %barrier3A_201 = arith.constant 0 : index
    tpu.barrier barrier_id(%barrier3A_201)
    %scan3A_202 = arith.constant 0 : i32
    %scan3A_203 = arith.constant 0 : i32
    %scan3A_204 = arith.constant 5 : i32
    %scan3A_205 = arith.addi %scan3A_203, %scan3A_204 : i32
    %scan3A_206 = arith.constant 1 : i32
    scf.for %scan3A_395 = %scan3A_203 to %scan3A_205 step %scan3A_206  : i32 {
      %mul3A_396 = arith.constant 625 : i32
      %mul3A_397 = arith.muli %arg1, %mul3A_396 : i32
      %mul3A_398 = arith.constant 125 : i32
      %mul3A_399 = arith.muli %scan3A_395, %mul3A_398 : i32
      %add3A_400 = arith.addi %mul3A_397, %mul3A_399 : i32
      "tpu.region"() ({
        %run_scoped3A = tpu.sem_alloc : memref<!tpu.dma_semaphore, #tpu.memory_space<semaphore_mem>>
        %dma_start3A_409 = arith.constant 0 : i32
        %dma_start3A_410 = tpu.memref_slice %arg17[%add3A_400, %dma_start3A_409] : memref<10000x64xf32, #tpu.memory_space<vmem_shared>> -> memref<125x64xf32, #tpu.memory_space<vmem_shared>>
        %dma_start3A_411 = arith.constant 0 : i32
        %dma_start3A_412 = tpu.memref_slice %arg17[%add3A_400, %dma_start3A_411] : memref<10000x64xf32, #tpu.memory_space<vmem_shared>> -> memref<125x64xf32, #tpu.memory_space<vmem_shared>>
        tpu.enqueue_dma source(%dma_start3A_412 : memref<125x64xf32, #tpu.memory_space<vmem_shared>>) target(%arg12 : memref<125x64xf32, #tpu.memory_space<vmem>>) target_semaphore(%run_scoped3A : memref<!tpu.dma_semaphore, #tpu.memory_space<semaphore_mem>>)
        %dma_wait3A_413 = arith.constant 0 : i32
        %dma_wait3A_414 = tpu.memref_slice %arg17[%add3A_400, %dma_wait3A_413] : memref<10000x64xf32, #tpu.memory_space<vmem_shared>> -> memref<125x64xf32, #tpu.memory_space<vmem_shared>>
        %dma_wait3A_415 = arith.constant 0 : i32
        %dma_wait3A_416 = tpu.memref_slice %arg17[%add3A_400, %dma_wait3A_415] : memref<10000x64xf32, #tpu.memory_space<vmem_shared>> -> memref<125x64xf32, #tpu.memory_space<vmem_shared>>
        tpu.wait_dma2 semaphore(%run_scoped3A : memref<!tpu.dma_semaphore, #tpu.memory_space<semaphore_mem>>) src(%dma_wait3A_416 : memref<125x64xf32, #tpu.memory_space<vmem_shared>>) dst(%arg12 : memref<125x64xf32, #tpu.memory_space<vmem>>)
        tpu.yield
      }) : () -> ()
      "tpu.region"() ({
        %run_scoped3A = tpu.sem_alloc : memref<!tpu.dma_semaphore, #tpu.memory_space<semaphore_mem>>
        %dma_start3A_409 = arith.constant 0 : i32
        %dma_start3A_410 = tpu.memref_slice %arg19[%add3A_400, %dma_start3A_409] : memref<10000x16xf32, #tpu.memory_space<vmem_shared>> -> memref<125x16xf32, #tpu.memory_space<vmem_shared>>
        %dma_start3A_411 = arith.constant 0 : i32
        %dma_start3A_412 = tpu.memref_slice %arg19[%add3A_400, %dma_start3A_411] : memref<10000x16xf32, #tpu.memory_space<vmem_shared>> -> memref<125x16xf32, #tpu.memory_space<vmem_shared>>
        tpu.enqueue_dma source(%dma_start3A_412 : memref<125x16xf32, #tpu.memory_space<vmem_shared>>) target(%arg13 : memref<125x16xf32, #tpu.memory_space<vmem>>) target_semaphore(%run_scoped3A : memref<!tpu.dma_semaphore, #tpu.memory_space<semaphore_mem>>)
        %dma_wait3A_413 = arith.constant 0 : i32
        %dma_wait3A_414 = tpu.memref_slice %arg19[%add3A_400, %dma_wait3A_413] : memref<10000x16xf32, #tpu.memory_space<vmem_shared>> -> memref<125x16xf32, #tpu.memory_space<vmem_shared>>
        %dma_wait3A_415 = arith.constant 0 : i32
        %dma_wait3A_416 = tpu.memref_slice %arg19[%add3A_400, %dma_wait3A_415] : memref<10000x16xf32, #tpu.memory_space<vmem_shared>> -> memref<125x16xf32, #tpu.memory_space<vmem_shared>>
        tpu.wait_dma2 semaphore(%run_scoped3A : memref<!tpu.dma_semaphore, #tpu.memory_space<semaphore_mem>>) src(%dma_wait3A_416 : memref<125x16xf32, #tpu.memory_space<vmem_shared>>) dst(%arg13 : memref<125x16xf32, #tpu.memory_space<vmem>>)
        tpu.yield
      }) : () -> ()
      %scan3A_401 = arith.constant 0 : i32
      %scan3A_402 = arith.constant 0 : i32
      %scan3A_403 = arith.constant 125 : i32
      %scan3A_404 = arith.addi %scan3A_402, %scan3A_403 : i32
      %scan3A_405 = arith.constant 1 : i32
      scf.for %scan3A_409 = %scan3A_402 to %scan3A_404 step %scan3A_405  : i32 {
        %get3A_410 = arith.index_cast %scan3A_409 : i32 to index
        %get3A_411 = arith.constant 0 : index
        %get3A_412 = tpu.vector_load %arg13[%get3A_410, %get3A_411] {strides = array<i32>} : memref<125x16xf32, #tpu.memory_space<vmem>>, vector<1x16xf32>,
        %get3A_413 = vector.shape_cast %get3A_412 : vector<1x16xf32> to vector<16xf32>
        %gt3A = arith.constant 0.000000e+00 : f32
        %gt3A_414 = vector.broadcast %gt3A : f32 to vector<16xf32>
        %gt3A_415 = arith.cmpf ogt, %get3A_413, %gt3A_414 : vector<16xf32>
        %div3A = arith.constant 1.000000e+00 : f32
        %div3A_416 = vector.broadcast %div3A : f32 to vector<16xf32>
        %div3A_417 = arith.divf %div3A_416, %get3A_413 : vector<16xf32>
        %jit3A = arith.constant 0.000000e+00 : f32
        %broadcast_in_dim3A_418 = vector.broadcast %jit3A : f32 to vector<16xf32>
        %select_n3A = arith.select %gt3A_415, %div3A_417, %broadcast_in_dim3A_418 : vector<16xi1>, vector<16xf32>
        %get3A_419 = arith.index_cast %scan3A_409 : i32 to index
        %get3A_420 = arith.constant 0 : index
        %get3A_421 = tpu.vector_load %arg12[%get3A_419, %get3A_420] {strides = array<i32>} : memref<125x64xf32, #tpu.memory_space<vmem>>, vector<1x16xf32>,
        %get3A_422 = vector.shape_cast %get3A_421 : vector<1x16xf32> to vector<16xf32>
        %mul3A_423 = arith.mulf %get3A_422, %select_n3A : vector<16xf32>
        %get3A_424 = arith.constant 0 : index
        %get3A_425 = tpu.vector_load %arg15[%get3A_424] {strides = array<i32>} : memref<128xf32, #tpu.memory_space<vmem>>, vector<16xf32>,
        %get3A_426 = vector.shape_cast %get3A_425 : vector<16xf32> to vector<16xf32>
        %add3A_427 = arith.addf %mul3A_423, %get3A_426 : vector<16xf32>
        %mul3A_428 = arith.constant 0.00999999977 : f32
        %mul3A_429 = vector.broadcast %mul3A_428 : f32 to vector<16xf32>
        %mul3A_430 = arith.mulf %mul3A_429, %add3A_427 : vector<16xf32>
        %max3A = arith.maximumf %add3A_427, %mul3A_430 : vector<16xf32>
        %swap3A_431 = arith.index_cast %scan3A_409 : i32 to index
        %swap3A_432 = arith.constant 0 : index
        %swap3A_433 = tpu.vector_load %arg14[%swap3A_431, %swap3A_432] {strides = array<i32>} : memref<125x64xf32, #tpu.memory_space<vmem>>, vector<1x16xf32>,
        %swap3A_434 = vector.shape_cast %swap3A_433 : vector<1x16xf32> to vector<16xf32>
        %swap3A_435 = vector.shape_cast %max3A : vector<16xf32> to vector<1x16xf32>
        tpu.vector_store %arg14[%swap3A_431, %swap3A_432], %swap3A_435 {strides = array<i32>} : memref<125x64xf32, #tpu.memory_space<vmem>>, vector<1x16xf32>,
        %get3A_436 = arith.index_cast %scan3A_409 : i32 to index
        %get3A_437 = arith.constant 16 : index
        %get3A_438 = tpu.vector_load %arg12[%get3A_436, %get3A_437] {strides = array<i32>} : memref<125x64xf32, #tpu.memory_space<vmem>>, vector<1x16xf32>,
        %get3A_439 = vector.shape_cast %get3A_438 : vector<1x16xf32> to vector<16xf32>
        %mul3A_440 = arith.mulf %get3A_439, %select_n3A : vector<16xf32>
        %get3A_441 = arith.constant 16 : index
        %get3A_442 = tpu.vector_load %arg15[%get3A_441] {strides = array<i32>} : memref<128xf32, #tpu.memory_space<vmem>>, vector<16xf32>,
        %get3A_443 = vector.shape_cast %get3A_442 : vector<16xf32> to vector<16xf32>
        %add3A_444 = arith.addf %mul3A_440, %get3A_443 : vector<16xf32>
        %mul3A_445 = arith.constant 0.00999999977 : f32
        %mul3A_446 = vector.broadcast %mul3A_445 : f32 to vector<16xf32>
        %mul3A_447 = arith.mulf %mul3A_446, %add3A_444 : vector<16xf32>
        %max3A_448 = arith.maximumf %add3A_444, %mul3A_447 : vector<16xf32>
        %swap3A_449 = arith.index_cast %scan3A_409 : i32 to index
        %swap3A_450 = arith.constant 16 : index
        %swap3A_451 = tpu.vector_load %arg14[%swap3A_449, %swap3A_450] {strides = array<i32>} : memref<125x64xf32, #tpu.memory_space<vmem>>, vector<1x16xf32>,
        %swap3A_452 = vector.shape_cast %swap3A_451 : vector<1x16xf32> to vector<16xf32>
        %swap3A_453 = vector.shape_cast %max3A_448 : vector<16xf32> to vector<1x16xf32>
        tpu.vector_store %arg14[%swap3A_449, %swap3A_450], %swap3A_453 {strides = array<i32>} : memref<125x64xf32, #tpu.memory_space<vmem>>, vector<1x16xf32>,
        %get3A_454 = arith.index_cast %scan3A_409 : i32 to index
        %get3A_455 = arith.constant 32 : index
        %get3A_456 = tpu.vector_load %arg12[%get3A_454, %get3A_455] {strides = array<i32>} : memref<125x64xf32, #tpu.memory_space<vmem>>, vector<1x16xf32>,
        %get3A_457 = vector.shape_cast %get3A_456 : vector<1x16xf32> to vector<16xf32>
        %mul3A_458 = arith.mulf %get3A_457, %select_n3A : vector<16xf32>
        %get3A_459 = arith.constant 32 : index
        %get3A_460 = tpu.vector_load %arg15[%get3A_459] {strides = array<i32>} : memref<128xf32, #tpu.memory_space<vmem>>, vector<16xf32>,
        %get3A_461 = vector.shape_cast %get3A_460 : vector<16xf32> to vector<16xf32>
        %add3A_462 = arith.addf %mul3A_458, %get3A_461 : vector<16xf32>
        %mul3A_463 = arith.constant 0.00999999977 : f32
        %mul3A_464 = vector.broadcast %mul3A_463 : f32 to vector<16xf32>
        %mul3A_465 = arith.mulf %mul3A_464, %add3A_462 : vector<16xf32>
        %max3A_466 = arith.maximumf %add3A_462, %mul3A_465 : vector<16xf32>
        %swap3A_467 = arith.index_cast %scan3A_409 : i32 to index
        %swap3A_468 = arith.constant 32 : index
        %swap3A_469 = tpu.vector_load %arg14[%swap3A_467, %swap3A_468] {strides = array<i32>} : memref<125x64xf32, #tpu.memory_space<vmem>>, vector<1x16xf32>,
        %swap3A_470 = vector.shape_cast %swap3A_469 : vector<1x16xf32> to vector<16xf32>
        %swap3A_471 = vector.shape_cast %max3A_466 : vector<16xf32> to vector<1x16xf32>
        tpu.vector_store %arg14[%swap3A_467, %swap3A_468], %swap3A_471 {strides = array<i32>} : memref<125x64xf32, #tpu.memory_space<vmem>>, vector<1x16xf32>,
        %get3A_472 = arith.index_cast %scan3A_409 : i32 to index
        %get3A_473 = arith.constant 48 : index
        %get3A_474 = tpu.vector_load %arg12[%get3A_472, %get3A_473] {strides = array<i32>} : memref<125x64xf32, #tpu.memory_space<vmem>>, vector<1x16xf32>,
        %get3A_475 = vector.shape_cast %get3A_474 : vector<1x16xf32> to vector<16xf32>
        %mul3A_476 = arith.mulf %get3A_475, %select_n3A : vector<16xf32>
        %get3A_477 = arith.constant 48 : index
        %get3A_478 = tpu.vector_load %arg15[%get3A_477] {strides = array<i32>} : memref<128xf32, #tpu.memory_space<vmem>>, vector<16xf32>,
        %get3A_479 = vector.shape_cast %get3A_478 : vector<16xf32> to vector<16xf32>
        %add3A_480 = arith.addf %mul3A_476, %get3A_479 : vector<16xf32>
        %mul3A_481 = arith.constant 0.00999999977 : f32
        %mul3A_482 = vector.broadcast %mul3A_481 : f32 to vector<16xf32>
        %mul3A_483 = arith.mulf %mul3A_482, %add3A_480 : vector<16xf32>
        %max3A_484 = arith.maximumf %add3A_480, %mul3A_483 : vector<16xf32>
        %swap3A_485 = arith.index_cast %scan3A_409 : i32 to index
        %swap3A_486 = arith.constant 48 : index
        %swap3A_487 = tpu.vector_load %arg14[%swap3A_485, %swap3A_486] {strides = array<i32>} : memref<125x64xf32, #tpu.memory_space<vmem>>, vector<1x16xf32>,
        %swap3A_488 = vector.shape_cast %swap3A_487 : vector<1x16xf32> to vector<16xf32>
        %swap3A_489 = vector.shape_cast %max3A_484 : vector<16xf32> to vector<1x16xf32>
        tpu.vector_store %arg14[%swap3A_485, %swap3A_486], %swap3A_489 {strides = array<i32>} : memref<125x64xf32, #tpu.memory_space<vmem>>, vector<1x16xf32>,
      }
      %scan3A_406 = arith.constant 125 : i32
      %mul3A_407 = arith.constant 64 : i32
      %mul3A_408 = arith.muli %add3A_25, %mul3A_407 : i32
      "tpu.region"() ({
        %run_scoped3A = tpu.sem_alloc : memref<!tpu.dma_semaphore, #tpu.memory_space<semaphore_mem>>
        %dma_start3A_409 = tpu.memref_slice %arg6[%add3A_400, %mul3A_408] : memref<10000x256xf32, #tpu.memory_space<hbm>> -> memref<125x64xf32, #tpu.memory_space<hbm>>
        %dma_start3A_410 = tpu.memref_slice %arg6[%add3A_400, %mul3A_408] : memref<10000x256xf32, #tpu.memory_space<hbm>> -> memref<125x64xf32, #tpu.memory_space<hbm>>
        tpu.enqueue_dma source(%arg14 : memref<125x64xf32, #tpu.memory_space<vmem>>) target(%dma_start3A_410 : memref<125x64xf32, #tpu.memory_space<hbm>>) target_semaphore(%run_scoped3A : memref<!tpu.dma_semaphore, #tpu.memory_space<semaphore_mem>>)
        %dma_wait3A_411 = tpu.memref_slice %arg6[%add3A_400, %mul3A_408] : memref<10000x256xf32, #tpu.memory_space<hbm>> -> memref<125x64xf32, #tpu.memory_space<hbm>>
        %dma_wait3A_412 = tpu.memref_slice %arg6[%add3A_400, %mul3A_408] : memref<10000x256xf32, #tpu.memory_space<hbm>> -> memref<125x64xf32, #tpu.memory_space<hbm>>
        tpu.wait_dma2 semaphore(%run_scoped3A : memref<!tpu.dma_semaphore, #tpu.memory_space<semaphore_mem>>) src(%arg14 : memref<125x64xf32, #tpu.memory_space<vmem>>) dst(%dma_wait3A_412 : memref<125x64xf32, #tpu.memory_space<hbm>>)
        tpu.yield
      }) : () -> ()
    }
    %scan3A_207 = arith.constant 5 : i32
    %barrier3A_208 = arith.constant 0 : index
    tpu.barrier barrier_id(%barrier3A_208)
    %mul3A_209 = arith.constant 2 : i32
    %mul3A_210 = arith.muli %mul3A_209, %arg0 : i32
    %add3A_211 = arith.constant 1 : i32
    %add3A_212 = arith.addi %mul3A_210, %add3A_211 : i32
    %scan3A_213 = arith.constant 0 : i32
    %scan3A_214 = arith.constant 0 : i32
    %scan3A_215 = arith.constant 125 : i32
    %scan3A_216 = arith.addi %scan3A_214, %scan3A_215 : i32
    %scan3A_217 = arith.constant 1 : i32
    scf.for %scan3A_395 = %scan3A_214 to %scan3A_216 step %scan3A_217  : i32 {
      %swap3A_396 = arith.index_cast %scan3A_395 : i32 to index
      %swap3A_397 = arith.constant 0 : index
      %swap3A_398 = tpu.vector_load %arg12[%swap3A_396, %swap3A_397] {strides = array<i32>} : memref<125x64xf32, #tpu.memory_space<vmem>>, vector<1x16xf32>,
      %swap3A_399 = vector.shape_cast %swap3A_398 : vector<1x16xf32> to vector<16xf32>
      %swap3A_400 = vector.shape_cast %broadcast_in_dim3A_0 : vector<16xf32> to vector<1x16xf32>
      tpu.vector_store %arg12[%swap3A_396, %swap3A_397], %swap3A_400 {strides = array<i32>} : memref<125x64xf32, #tpu.memory_space<vmem>>, vector<1x16xf32>,
      %swap3A_401 = arith.index_cast %scan3A_395 : i32 to index
      %swap3A_402 = arith.constant 16 : index
      %swap3A_403 = tpu.vector_load %arg12[%swap3A_401, %swap3A_402] {strides = array<i32>} : memref<125x64xf32, #tpu.memory_space<vmem>>, vector<1x16xf32>,
      %swap3A_404 = vector.shape_cast %swap3A_403 : vector<1x16xf32> to vector<16xf32>
      %swap3A_405 = vector.shape_cast %broadcast_in_dim3A_0 : vector<16xf32> to vector<1x16xf32>
      tpu.vector_store %arg12[%swap3A_401, %swap3A_402], %swap3A_405 {strides = array<i32>} : memref<125x64xf32, #tpu.memory_space<vmem>>, vector<1x16xf32>,
      %swap3A_406 = arith.index_cast %scan3A_395 : i32 to index
      %swap3A_407 = arith.constant 32 : index
      %swap3A_408 = tpu.vector_load %arg12[%swap3A_406, %swap3A_407] {strides = array<i32>} : memref<125x64xf32, #tpu.memory_space<vmem>>, vector<1x16xf32>,
      %swap3A_409 = vector.shape_cast %swap3A_408 : vector<1x16xf32> to vector<16xf32>
      %swap3A_410 = vector.shape_cast %broadcast_in_dim3A_0 : vector<16xf32> to vector<1x16xf32>
      tpu.vector_store %arg12[%swap3A_406, %swap3A_407], %swap3A_410 {strides = array<i32>} : memref<125x64xf32, #tpu.memory_space<vmem>>, vector<1x16xf32>,
      %swap3A_411 = arith.index_cast %scan3A_395 : i32 to index
      %swap3A_412 = arith.constant 48 : index
      %swap3A_413 = tpu.vector_load %arg12[%swap3A_411, %swap3A_412] {strides = array<i32>} : memref<125x64xf32, #tpu.memory_space<vmem>>, vector<1x16xf32>,
      %swap3A_414 = vector.shape_cast %swap3A_413 : vector<1x16xf32> to vector<16xf32>
      %swap3A_415 = vector.shape_cast %broadcast_in_dim3A_0 : vector<16xf32> to vector<1x16xf32>
      tpu.vector_store %arg12[%swap3A_411, %swap3A_412], %swap3A_415 {strides = array<i32>} : memref<125x64xf32, #tpu.memory_space<vmem>>, vector<1x16xf32>,
    }
    %scan3A_218 = arith.constant 125 : i32
    "tpu.region"() ({
      %run_scoped3A = tpu.sem_alloc : memref<!tpu.dma_semaphore, #tpu.memory_space<semaphore_mem>>
      %dma_start3A_395 = arith.constant 0 : i32
      %dma_start3A_396 = tpu.memref_slice %arg16[%mul3A_3, %dma_start3A_395] : memref<2000x64xf32, #tpu.memory_space<vmem_shared>> -> memref<125x64xf32, #tpu.memory_space<vmem_shared>>
      %dma_start3A_397 = arith.constant 0 : i32
      %dma_start3A_398 = tpu.memref_slice %arg16[%mul3A_3, %dma_start3A_397] : memref<2000x64xf32, #tpu.memory_space<vmem_shared>> -> memref<125x64xf32, #tpu.memory_space<vmem_shared>>
      tpu.enqueue_dma source(%arg12 : memref<125x64xf32, #tpu.memory_space<vmem>>) target(%dma_start3A_398 : memref<125x64xf32, #tpu.memory_space<vmem_shared>>) target_semaphore(%run_scoped3A : memref<!tpu.dma_semaphore, #tpu.memory_space<semaphore_mem>>)
      %dma_wait3A_399 = arith.constant 0 : i32
      %dma_wait3A_400 = tpu.memref_slice %arg16[%mul3A_3, %dma_wait3A_399] : memref<2000x64xf32, #tpu.memory_space<vmem_shared>> -> memref<125x64xf32, #tpu.memory_space<vmem_shared>>
      %dma_wait3A_401 = arith.constant 0 : i32
      %dma_wait3A_402 = tpu.memref_slice %arg16[%mul3A_3, %dma_wait3A_401] : memref<2000x64xf32, #tpu.memory_space<vmem_shared>> -> memref<125x64xf32, #tpu.memory_space<vmem_shared>>
      tpu.wait_dma2 semaphore(%run_scoped3A : memref<!tpu.dma_semaphore, #tpu.memory_space<semaphore_mem>>) src(%arg12 : memref<125x64xf32, #tpu.memory_space<vmem>>) dst(%dma_wait3A_402 : memref<125x64xf32, #tpu.memory_space<vmem_shared>>)
      tpu.yield
    }) : () -> ()
    %scan3A_219 = arith.constant 0 : i32
    %scan3A_220 = arith.constant 0 : i32
    %scan3A_221 = arith.constant 5 : i32
    %scan3A_222 = arith.addi %scan3A_220, %scan3A_221 : i32
    %scan3A_223 = arith.constant 1 : i32
    scf.for %scan3A_395 = %scan3A_220 to %scan3A_222 step %scan3A_223  : i32 {
      %mul3A_396 = arith.constant 625 : i32
      %mul3A_397 = arith.muli %arg1, %mul3A_396 : i32
      %mul3A_398 = arith.constant 125 : i32
      %mul3A_399 = arith.muli %scan3A_395, %mul3A_398 : i32
      %add3A_400 = arith.addi %mul3A_397, %mul3A_399 : i32
      "tpu.region"() ({
        %run_scoped3A = tpu.sem_alloc : memref<!tpu.dma_semaphore, #tpu.memory_space<semaphore_mem>>
        %dma_start3A_401 = arith.constant 0 : i32
        %dma_start3A_402 = tpu.memref_slice %arg17[%add3A_400, %dma_start3A_401] : memref<10000x64xf32, #tpu.memory_space<vmem_shared>> -> memref<125x64xf32, #tpu.memory_space<vmem_shared>>
        %dma_start3A_403 = arith.constant 0 : i32
        %dma_start3A_404 = tpu.memref_slice %arg17[%add3A_400, %dma_start3A_403] : memref<10000x64xf32, #tpu.memory_space<vmem_shared>> -> memref<125x64xf32, #tpu.memory_space<vmem_shared>>
        tpu.enqueue_dma source(%arg12 : memref<125x64xf32, #tpu.memory_space<vmem>>) target(%dma_start3A_404 : memref<125x64xf32, #tpu.memory_space<vmem_shared>>) target_semaphore(%run_scoped3A : memref<!tpu.dma_semaphore, #tpu.memory_space<semaphore_mem>>)
        %dma_wait3A_405 = arith.constant 0 : i32
        %dma_wait3A_406 = tpu.memref_slice %arg17[%add3A_400, %dma_wait3A_405] : memref<10000x64xf32, #tpu.memory_space<vmem_shared>> -> memref<125x64xf32, #tpu.memory_space<vmem_shared>>
        %dma_wait3A_407 = arith.constant 0 : i32
        %dma_wait3A_408 = tpu.memref_slice %arg17[%add3A_400, %dma_wait3A_407] : memref<10000x64xf32, #tpu.memory_space<vmem_shared>> -> memref<125x64xf32, #tpu.memory_space<vmem_shared>>
        tpu.wait_dma2 semaphore(%run_scoped3A : memref<!tpu.dma_semaphore, #tpu.memory_space<semaphore_mem>>) src(%arg12 : memref<125x64xf32, #tpu.memory_space<vmem>>) dst(%dma_wait3A_408 : memref<125x64xf32, #tpu.memory_space<vmem_shared>>)
        tpu.yield
      }) : () -> ()
    }
    %scan3A_224 = arith.constant 5 : i32
    %barrier3A_225 = arith.constant 0 : index
    tpu.barrier barrier_id(%barrier3A_225)
    %get3A_226 = arith.constant 0 : i32
    %get3A_227 = arith.index_cast %get3A_226 : i32 to index
    %get3A_228 = arith.constant 0 : index
    %get3A_229 = tpu.vector_load %arg8[%get3A_227, %get3A_228] {strides = array<i32>} : memref<125x80xi32, #tpu.memory_space<vmem>>, vector<1x16xi32>,
    %get3A_230 = vector.shape_cast %get3A_229 : vector<1x16xi32> to vector<16xi32>
    %mul3A_231 = arith.constant 4 : i32
    %mul3A_232 = vector.broadcast %mul3A_231 : i32 to vector<16xi32>
    %mul3A_233 = arith.muli %get3A_230, %mul3A_232 : vector<16xi32>
    %add3A_234 = vector.broadcast %add3A_212 : i32 to vector<16xi32>
    %add3A_235 = arith.addi %mul3A_233, %add3A_234 : vector<16xi32>
    %swap3A_236 = arith.constant 0 : i32
    %swap3A_237 = arith.index_cast %swap3A_236 : i32 to index
    %swap3A_238 = arith.constant 0 : index
    %swap3A_239 = tpu.vector_load %arg10[%swap3A_237, %swap3A_238] {strides = array<i32>} : memref<2x80xi32, #tpu.memory_space<vmem>>, vector<1x16xi32>,
    %swap3A_240 = vector.shape_cast %swap3A_239 : vector<1x16xi32> to vector<16xi32>
    %swap3A_241 = vector.shape_cast %add3A_235 : vector<16xi32> to vector<1x16xi32>
    tpu.vector_store %arg10[%swap3A_237, %swap3A_238], %swap3A_241 {strides = array<i32>} : memref<2x80xi32, #tpu.memory_space<vmem>>, vector<1x16xi32>,
    %get3A_242 = arith.constant 0 : i32
    %get3A_243 = arith.index_cast %get3A_242 : i32 to index
    %get3A_244 = arith.constant 16 : index
    %get3A_245 = tpu.vector_load %arg8[%get3A_243, %get3A_244] {strides = array<i32>} : memref<125x80xi32, #tpu.memory_space<vmem>>, vector<1x16xi32>,
    %get3A_246 = vector.shape_cast %get3A_245 : vector<1x16xi32> to vector<16xi32>
    %mul3A_247 = arith.constant 4 : i32
    %mul3A_248 = vector.broadcast %mul3A_247 : i32 to vector<16xi32>
    %mul3A_249 = arith.muli %get3A_246, %mul3A_248 : vector<16xi32>
    %add3A_250 = vector.broadcast %add3A_212 : i32 to vector<16xi32>
    %add3A_251 = arith.addi %mul3A_249, %add3A_250 : vector<16xi32>
    %swap3A_252 = arith.constant 0 : i32
    %swap3A_253 = arith.index_cast %swap3A_252 : i32 to index
    %swap3A_254 = arith.constant 16 : index
    %swap3A_255 = tpu.vector_load %arg10[%swap3A_253, %swap3A_254] {strides = array<i32>} : memref<2x80xi32, #tpu.memory_space<vmem>>, vector<1x16xi32>,
    %swap3A_256 = vector.shape_cast %swap3A_255 : vector<1x16xi32> to vector<16xi32>
    %swap3A_257 = vector.shape_cast %add3A_251 : vector<16xi32> to vector<1x16xi32>
    tpu.vector_store %arg10[%swap3A_253, %swap3A_254], %swap3A_257 {strides = array<i32>} : memref<2x80xi32, #tpu.memory_space<vmem>>, vector<1x16xi32>,
    %get3A_258 = arith.constant 0 : i32
    %get3A_259 = arith.index_cast %get3A_258 : i32 to index
    %get3A_260 = arith.constant 32 : index
    %get3A_261 = tpu.vector_load %arg8[%get3A_259, %get3A_260] {strides = array<i32>} : memref<125x80xi32, #tpu.memory_space<vmem>>, vector<1x16xi32>,
    %get3A_262 = vector.shape_cast %get3A_261 : vector<1x16xi32> to vector<16xi32>
    %mul3A_263 = arith.constant 4 : i32
    %mul3A_264 = vector.broadcast %mul3A_263 : i32 to vector<16xi32>
    %mul3A_265 = arith.muli %get3A_262, %mul3A_264 : vector<16xi32>
    %add3A_266 = vector.broadcast %add3A_212 : i32 to vector<16xi32>
    %add3A_267 = arith.addi %mul3A_265, %add3A_266 : vector<16xi32>
    %swap3A_268 = arith.constant 0 : i32
    %swap3A_269 = arith.index_cast %swap3A_268 : i32 to index
    %swap3A_270 = arith.constant 32 : index
    %swap3A_271 = tpu.vector_load %arg10[%swap3A_269, %swap3A_270] {strides = array<i32>} : memref<2x80xi32, #tpu.memory_space<vmem>>, vector<1x16xi32>,
    %swap3A_272 = vector.shape_cast %swap3A_271 : vector<1x16xi32> to vector<16xi32>
    %swap3A_273 = vector.shape_cast %add3A_267 : vector<16xi32> to vector<1x16xi32>
    tpu.vector_store %arg10[%swap3A_269, %swap3A_270], %swap3A_273 {strides = array<i32>} : memref<2x80xi32, #tpu.memory_space<vmem>>, vector<1x16xi32>,
    %get3A_274 = arith.constant 0 : i32
    %get3A_275 = arith.index_cast %get3A_274 : i32 to index
    %get3A_276 = arith.constant 48 : index
    %get3A_277 = tpu.vector_load %arg8[%get3A_275, %get3A_276] {strides = array<i32>} : memref<125x80xi32, #tpu.memory_space<vmem>>, vector<1x16xi32>,
    %get3A_278 = vector.shape_cast %get3A_277 : vector<1x16xi32> to vector<16xi32>
    %mul3A_279 = arith.constant 4 : i32
    %mul3A_280 = vector.broadcast %mul3A_279 : i32 to vector<16xi32>
    %mul3A_281 = arith.muli %get3A_278, %mul3A_280 : vector<16xi32>
    %add3A_282 = vector.broadcast %add3A_212 : i32 to vector<16xi32>
    %add3A_283 = arith.addi %mul3A_281, %add3A_282 : vector<16xi32>
    %swap3A_284 = arith.constant 0 : i32
    %swap3A_285 = arith.index_cast %swap3A_284 : i32 to index
    %swap3A_286 = arith.constant 48 : index
    %swap3A_287 = tpu.vector_load %arg10[%swap3A_285, %swap3A_286] {strides = array<i32>} : memref<2x80xi32, #tpu.memory_space<vmem>>, vector<1x16xi32>,
    %swap3A_288 = vector.shape_cast %swap3A_287 : vector<1x16xi32> to vector<16xi32>
    %swap3A_289 = vector.shape_cast %add3A_283 : vector<16xi32> to vector<1x16xi32>
    tpu.vector_store %arg10[%swap3A_285, %swap3A_286], %swap3A_289 {strides = array<i32>} : memref<2x80xi32, #tpu.memory_space<vmem>>, vector<1x16xi32>,
    %get3A_290 = arith.constant 0 : i32
    %get3A_291 = arith.index_cast %get3A_290 : i32 to index
    %get3A_292 = arith.constant 64 : index
    %get3A_293 = tpu.vector_load %arg8[%get3A_291, %get3A_292] {strides = array<i32>} : memref<125x80xi32, #tpu.memory_space<vmem>>, vector<1x16xi32>,
    %get3A_294 = vector.shape_cast %get3A_293 : vector<1x16xi32> to vector<16xi32>
    %mul3A_295 = arith.constant 4 : i32
    %mul3A_296 = vector.broadcast %mul3A_295 : i32 to vector<16xi32>
    %mul3A_297 = arith.muli %get3A_294, %mul3A_296 : vector<16xi32>
    %add3A_298 = vector.broadcast %add3A_212 : i32 to vector<16xi32>
    %add3A_299 = arith.addi %mul3A_297, %add3A_298 : vector<16xi32>
    %swap3A_300 = arith.constant 0 : i32
    %swap3A_301 = arith.index_cast %swap3A_300 : i32 to index
    %swap3A_302 = arith.constant 64 : index
    %swap3A_303 = tpu.vector_load %arg10[%swap3A_301, %swap3A_302] {strides = array<i32>} : memref<2x80xi32, #tpu.memory_space<vmem>>, vector<1x16xi32>,
    %swap3A_304 = vector.shape_cast %swap3A_303 : vector<1x16xi32> to vector<16xi32>
    %swap3A_305 = vector.shape_cast %add3A_299 : vector<16xi32> to vector<1x16xi32>
    tpu.vector_store %arg10[%swap3A_301, %swap3A_302], %swap3A_305 {strides = array<i32>} : memref<2x80xi32, #tpu.memory_space<vmem>>, vector<1x16xi32>,
    %dma_start3A_306 = arith.constant 0 : i32
    %dma_start3A_307 = arith.constant 0 : i32
    %dma_start3A_308 = arith.constant 0 : i32
    %dma_start3A_309 = arith.constant 0 : i32
    %dma_start3A_310 = arith.constant 0 : i32
    %dma_start3A_311 = tpu.memref_slice %arg7[%dma_start3A_307, %dma_start3A_309, %dma_start3A_310] : memref<2x80x64xf32, #tpu.memory_space<vmem>> -> memref<1x80x64xf32, #tpu.memory_space<vmem>>
    %dma_start3A_312 = tpu.memref_squeeze %dma_start3A_311 : memref<1x80x64xf32, #tpu.memory_space<vmem>> -> memref<80x64xf32, #tpu.memory_space<vmem>>
    %dma_start3A_313 = arith.constant 0 : i32
    %dma_start3A_314 = tpu.memref_slice %arg10[%dma_start3A_306, %dma_start3A_313] : memref<2x80xi32, #tpu.memory_space<vmem>> -> memref<1x80xi32, #tpu.memory_space<vmem>>
    %dma_start3A_315 = tpu.memref_squeeze %dma_start3A_314 : memref<1x80xi32, #tpu.memory_space<vmem>> -> memref<80xi32, #tpu.memory_space<vmem>>
    %dma_start3A_316 = arith.constant 0 : i32
    %dma_start3A_317 = arith.constant 0 : i32
    %dma_start3A_318 = tpu.memref_slice %arg2[%dma_start3A_316, %dma_start3A_317] : memref<40000x64xf32, #tpu.memory_space<hbm>> -> memref<40000x64xf32, #tpu.memory_space<hbm>>
    %dma_start3A_319 = tpu.memref_slice %arg20[%dma_start3A_308] : memref<2x!tpu.dma_semaphore, #tpu.memory_space<semaphore_mem>> -> memref<1x!tpu.dma_semaphore, #tpu.memory_space<semaphore_mem>>
    %dma_start3A_320 = tpu.memref_squeeze %dma_start3A_319 : memref<1x!tpu.dma_semaphore, #tpu.memory_space<semaphore_mem>> -> memref<!tpu.dma_semaphore, #tpu.memory_space<semaphore_mem>>
    tpu.enqueue_indirect_dma source(%dma_start3A_318 : memref<40000x64xf32, #tpu.memory_space<hbm>>) target(%dma_start3A_312 : memref<80x64xf32, #tpu.memory_space<vmem>>) offsets(%dma_start3A_315 : memref<80xi32, #tpu.memory_space<vmem>>) semaphore(%dma_start3A_320 : memref<!tpu.dma_semaphore, #tpu.memory_space<semaphore_mem>>)
    %scan3A_321 = arith.constant 0 : i32
    %scan3A_322 = arith.constant 0 : i32
    %scan3A_323 = arith.constant 125 : i32
    %scan3A_324 = arith.addi %scan3A_322, %scan3A_323 : i32
    %scan3A_325 = arith.constant 1 : i32
    scf.for %scan3A_395 = %scan3A_322 to %scan3A_324 step %scan3A_325  : i32 {
      %rem3A_396 = arith.constant 2 : i32
      %rem3A_397 = arith.remsi %scan3A_395, %rem3A_396 : i32
      %add3A_398 = arith.constant 1 : i32
      %add3A_399 = arith.addi %scan3A_395, %add3A_398 : i32
      %rem3A_400 = arith.constant 2 : i32
      %rem3A_401 = arith.remsi %add3A_399, %rem3A_400 : i32
      %ge3A = arith.constant 1 : i32
      %ge3A_402 = arith.cmpi sge, %scan3A_395, %ge3A : i32
      %convert_element_type3A = arith.extui %ge3A_402 : i1 to i32
      %cond3A = arith.constant 0 : i32
      %cond3A_403 = arith.cmpi ne, %convert_element_type3A, %cond3A : i32
      scf.if %cond3A_403 {
        %sub3A = arith.constant 1 : i32
        %sub3A_434 = arith.subi %scan3A_395, %sub3A : i32
        %dma_wait3A_435 = arith.constant 0 : i32
        %dma_wait3A_436 = arith.constant 0 : i32
        %dma_wait3A_437 = tpu.memref_slice %arg7[%rem3A_401, %dma_wait3A_435, %dma_wait3A_436] : memref<2x80x64xf32, #tpu.memory_space<vmem>> -> memref<1x80x64xf32, #tpu.memory_space<vmem>>
        %dma_wait3A_438 = tpu.memref_squeeze %dma_wait3A_437 : memref<1x80x64xf32, #tpu.memory_space<vmem>> -> memref<80x64xf32, #tpu.memory_space<vmem>>
        %dma_wait3A_439 = arith.constant 0 : i32
        %dma_wait3A_440 = tpu.memref_slice %arg9[%sub3A_434, %dma_wait3A_439] : memref<125x80xi32, #tpu.memory_space<vmem>> -> memref<1x80xi32, #tpu.memory_space<vmem>>
        %dma_wait3A_441 = tpu.memref_squeeze %dma_wait3A_440 : memref<1x80xi32, #tpu.memory_space<vmem>> -> memref<80xi32, #tpu.memory_space<vmem>>
        %dma_wait3A_442 = arith.constant 0 : i32
        %dma_wait3A_443 = arith.constant 0 : i32
        %dma_wait3A_444 = tpu.memref_slice %arg16[%dma_wait3A_442, %dma_wait3A_443] : memref<2000x64xf32, #tpu.memory_space<vmem_shared>> -> memref<2000x64xf32, #tpu.memory_space<vmem_shared>>
        %dma_wait3A_445 = tpu.memref_slice %arg21[%rem3A_401] : memref<2x!tpu.dma_semaphore, #tpu.memory_space<semaphore_mem>> -> memref<1x!tpu.dma_semaphore, #tpu.memory_space<semaphore_mem>>
        %dma_wait3A_446 = tpu.memref_squeeze %dma_wait3A_445 : memref<1x!tpu.dma_semaphore, #tpu.memory_space<semaphore_mem>> -> memref<!tpu.dma_semaphore, #tpu.memory_space<semaphore_mem>>
        tpu.wait_indirect_dma semaphore(%dma_wait3A_446 : memref<!tpu.dma_semaphore, #tpu.memory_space<semaphore_mem>>) src(%dma_wait3A_438 : memref<80x64xf32, #tpu.memory_space<vmem>>) dst(%dma_wait3A_444 : memref<2000x64xf32, #tpu.memory_space<vmem_shared>>)
      } else {
      }
      %add3A_404 = arith.constant 1 : i32
      %add3A_405 = arith.addi %scan3A_395, %add3A_404 : i32
      %lt3A = arith.constant 125 : i32
      %lt3A_406 = arith.cmpi slt, %add3A_405, %lt3A : i32
      %convert_element_type3A_407 = arith.extui %lt3A_406 : i1 to i32
      %cond3A_408 = arith.constant 0 : i32
      %cond3A_409 = arith.cmpi ne, %convert_element_type3A_407, %cond3A_408 : i32
      scf.if %cond3A_409 {
        %add3A_434 = arith.constant 1 : i32
        %add3A_435 = arith.addi %scan3A_395, %add3A_434 : i32
        %get3A_436 = arith.index_cast %add3A_435 : i32 to index
        %get3A_437 = arith.constant 0 : index
        %get3A_438 = tpu.vector_load %arg8[%get3A_436, %get3A_437] {strides = array<i32>} : memref<125x80xi32, #tpu.memory_space<vmem>>, vector<1x16xi32>,
        %get3A_439 = vector.shape_cast %get3A_438 : vector<1x16xi32> to vector<16xi32>
        %mul3A_440 = arith.constant 4 : i32
        %mul3A_441 = vector.broadcast %mul3A_440 : i32 to vector<16xi32>
        %mul3A_442 = arith.muli %get3A_439, %mul3A_441 : vector<16xi32>
        %add3A_443 = vector.broadcast %add3A_212 : i32 to vector<16xi32>
        %add3A_444 = arith.addi %mul3A_442, %add3A_443 : vector<16xi32>
        %swap3A_445 = arith.index_cast %rem3A_401 : i32 to index
        %swap3A_446 = arith.constant 0 : index
        %swap3A_447 = tpu.vector_load %arg10[%swap3A_445, %swap3A_446] {strides = array<i32>} : memref<2x80xi32, #tpu.memory_space<vmem>>, vector<1x16xi32>,
        %swap3A_448 = vector.shape_cast %swap3A_447 : vector<1x16xi32> to vector<16xi32>
        %swap3A_449 = vector.shape_cast %add3A_444 : vector<16xi32> to vector<1x16xi32>
        tpu.vector_store %arg10[%swap3A_445, %swap3A_446], %swap3A_449 {strides = array<i32>} : memref<2x80xi32, #tpu.memory_space<vmem>>, vector<1x16xi32>,
        %get3A_450 = arith.index_cast %add3A_435 : i32 to index
        %get3A_451 = arith.constant 16 : index
        %get3A_452 = tpu.vector_load %arg8[%get3A_450, %get3A_451] {strides = array<i32>} : memref<125x80xi32, #tpu.memory_space<vmem>>, vector<1x16xi32>,
        %get3A_453 = vector.shape_cast %get3A_452 : vector<1x16xi32> to vector<16xi32>
        %mul3A_454 = arith.constant 4 : i32
        %mul3A_455 = vector.broadcast %mul3A_454 : i32 to vector<16xi32>
        %mul3A_456 = arith.muli %get3A_453, %mul3A_455 : vector<16xi32>
        %add3A_457 = vector.broadcast %add3A_212 : i32 to vector<16xi32>
        %add3A_458 = arith.addi %mul3A_456, %add3A_457 : vector<16xi32>
        %swap3A_459 = arith.index_cast %rem3A_401 : i32 to index
        %swap3A_460 = arith.constant 16 : index
        %swap3A_461 = tpu.vector_load %arg10[%swap3A_459, %swap3A_460] {strides = array<i32>} : memref<2x80xi32, #tpu.memory_space<vmem>>, vector<1x16xi32>,
        %swap3A_462 = vector.shape_cast %swap3A_461 : vector<1x16xi32> to vector<16xi32>
        %swap3A_463 = vector.shape_cast %add3A_458 : vector<16xi32> to vector<1x16xi32>
        tpu.vector_store %arg10[%swap3A_459, %swap3A_460], %swap3A_463 {strides = array<i32>} : memref<2x80xi32, #tpu.memory_space<vmem>>, vector<1x16xi32>,
        %get3A_464 = arith.index_cast %add3A_435 : i32 to index
        %get3A_465 = arith.constant 32 : index
        %get3A_466 = tpu.vector_load %arg8[%get3A_464, %get3A_465] {strides = array<i32>} : memref<125x80xi32, #tpu.memory_space<vmem>>, vector<1x16xi32>,
        %get3A_467 = vector.shape_cast %get3A_466 : vector<1x16xi32> to vector<16xi32>
        %mul3A_468 = arith.constant 4 : i32
        %mul3A_469 = vector.broadcast %mul3A_468 : i32 to vector<16xi32>
        %mul3A_470 = arith.muli %get3A_467, %mul3A_469 : vector<16xi32>
        %add3A_471 = vector.broadcast %add3A_212 : i32 to vector<16xi32>
        %add3A_472 = arith.addi %mul3A_470, %add3A_471 : vector<16xi32>
        %swap3A_473 = arith.index_cast %rem3A_401 : i32 to index
        %swap3A_474 = arith.constant 32 : index
        %swap3A_475 = tpu.vector_load %arg10[%swap3A_473, %swap3A_474] {strides = array<i32>} : memref<2x80xi32, #tpu.memory_space<vmem>>, vector<1x16xi32>,
        %swap3A_476 = vector.shape_cast %swap3A_475 : vector<1x16xi32> to vector<16xi32>
        %swap3A_477 = vector.shape_cast %add3A_472 : vector<16xi32> to vector<1x16xi32>
        tpu.vector_store %arg10[%swap3A_473, %swap3A_474], %swap3A_477 {strides = array<i32>} : memref<2x80xi32, #tpu.memory_space<vmem>>, vector<1x16xi32>,
        %get3A_478 = arith.index_cast %add3A_435 : i32 to index
        %get3A_479 = arith.constant 48 : index
        %get3A_480 = tpu.vector_load %arg8[%get3A_478, %get3A_479] {strides = array<i32>} : memref<125x80xi32, #tpu.memory_space<vmem>>, vector<1x16xi32>,
        %get3A_481 = vector.shape_cast %get3A_480 : vector<1x16xi32> to vector<16xi32>
        %mul3A_482 = arith.constant 4 : i32
        %mul3A_483 = vector.broadcast %mul3A_482 : i32 to vector<16xi32>
        %mul3A_484 = arith.muli %get3A_481, %mul3A_483 : vector<16xi32>
        %add3A_485 = vector.broadcast %add3A_212 : i32 to vector<16xi32>
        %add3A_486 = arith.addi %mul3A_484, %add3A_485 : vector<16xi32>
        %swap3A_487 = arith.index_cast %rem3A_401 : i32 to index
        %swap3A_488 = arith.constant 48 : index
        %swap3A_489 = tpu.vector_load %arg10[%swap3A_487, %swap3A_488] {strides = array<i32>} : memref<2x80xi32, #tpu.memory_space<vmem>>, vector<1x16xi32>,
        %swap3A_490 = vector.shape_cast %swap3A_489 : vector<1x16xi32> to vector<16xi32>
        %swap3A_491 = vector.shape_cast %add3A_486 : vector<16xi32> to vector<1x16xi32>
        tpu.vector_store %arg10[%swap3A_487, %swap3A_488], %swap3A_491 {strides = array<i32>} : memref<2x80xi32, #tpu.memory_space<vmem>>, vector<1x16xi32>,
        %get3A_492 = arith.index_cast %add3A_435 : i32 to index
        %get3A_493 = arith.constant 64 : index
        %get3A_494 = tpu.vector_load %arg8[%get3A_492, %get3A_493] {strides = array<i32>} : memref<125x80xi32, #tpu.memory_space<vmem>>, vector<1x16xi32>,
        %get3A_495 = vector.shape_cast %get3A_494 : vector<1x16xi32> to vector<16xi32>
        %mul3A_496 = arith.constant 4 : i32
        %mul3A_497 = vector.broadcast %mul3A_496 : i32 to vector<16xi32>
        %mul3A_498 = arith.muli %get3A_495, %mul3A_497 : vector<16xi32>
        %add3A_499 = vector.broadcast %add3A_212 : i32 to vector<16xi32>
        %add3A_500 = arith.addi %mul3A_498, %add3A_499 : vector<16xi32>
        %swap3A_501 = arith.index_cast %rem3A_401 : i32 to index
        %swap3A_502 = arith.constant 64 : index
        %swap3A_503 = tpu.vector_load %arg10[%swap3A_501, %swap3A_502] {strides = array<i32>} : memref<2x80xi32, #tpu.memory_space<vmem>>, vector<1x16xi32>,
        %swap3A_504 = vector.shape_cast %swap3A_503 : vector<1x16xi32> to vector<16xi32>
        %swap3A_505 = vector.shape_cast %add3A_500 : vector<16xi32> to vector<1x16xi32>
        tpu.vector_store %arg10[%swap3A_501, %swap3A_502], %swap3A_505 {strides = array<i32>} : memref<2x80xi32, #tpu.memory_space<vmem>>, vector<1x16xi32>,
        %add3A_506 = arith.constant 1 : i32
        %add3A_507 = arith.addi %scan3A_395, %add3A_506 : i32
        %dma_start3A_508 = arith.constant 0 : i32
        %dma_start3A_509 = arith.constant 0 : i32
        %dma_start3A_510 = tpu.memref_slice %arg7[%rem3A_401, %dma_start3A_508, %dma_start3A_509] : memref<2x80x64xf32, #tpu.memory_space<vmem>> -> memref<1x80x64xf32, #tpu.memory_space<vmem>>
        %dma_start3A_511 = tpu.memref_squeeze %dma_start3A_510 : memref<1x80x64xf32, #tpu.memory_space<vmem>> -> memref<80x64xf32, #tpu.memory_space<vmem>>
        %dma_start3A_512 = arith.constant 0 : i32
        %dma_start3A_513 = tpu.memref_slice %arg10[%rem3A_401, %dma_start3A_512] : memref<2x80xi32, #tpu.memory_space<vmem>> -> memref<1x80xi32, #tpu.memory_space<vmem>>
        %dma_start3A_514 = tpu.memref_squeeze %dma_start3A_513 : memref<1x80xi32, #tpu.memory_space<vmem>> -> memref<80xi32, #tpu.memory_space<vmem>>
        %dma_start3A_515 = arith.constant 0 : i32
        %dma_start3A_516 = arith.constant 0 : i32
        %dma_start3A_517 = tpu.memref_slice %arg2[%dma_start3A_515, %dma_start3A_516] : memref<40000x64xf32, #tpu.memory_space<hbm>> -> memref<40000x64xf32, #tpu.memory_space<hbm>>
        %dma_start3A_518 = tpu.memref_slice %arg20[%rem3A_401] : memref<2x!tpu.dma_semaphore, #tpu.memory_space<semaphore_mem>> -> memref<1x!tpu.dma_semaphore, #tpu.memory_space<semaphore_mem>>
        %dma_start3A_519 = tpu.memref_squeeze %dma_start3A_518 : memref<1x!tpu.dma_semaphore, #tpu.memory_space<semaphore_mem>> -> memref<!tpu.dma_semaphore, #tpu.memory_space<semaphore_mem>>
        tpu.enqueue_indirect_dma source(%dma_start3A_517 : memref<40000x64xf32, #tpu.memory_space<hbm>>) target(%dma_start3A_511 : memref<80x64xf32, #tpu.memory_space<vmem>>) offsets(%dma_start3A_514 : memref<80xi32, #tpu.memory_space<vmem>>) semaphore(%dma_start3A_519 : memref<!tpu.dma_semaphore, #tpu.memory_space<semaphore_mem>>)
      } else {
      }
      %dma_wait3A_410 = arith.constant 0 : i32
      %dma_wait3A_411 = arith.constant 0 : i32
      %dma_wait3A_412 = tpu.memref_slice %arg7[%rem3A_397, %dma_wait3A_410, %dma_wait3A_411] : memref<2x80x64xf32, #tpu.memory_space<vmem>> -> memref<1x80x64xf32, #tpu.memory_space<vmem>>
      %dma_wait3A_413 = tpu.memref_squeeze %dma_wait3A_412 : memref<1x80x64xf32, #tpu.memory_space<vmem>> -> memref<80x64xf32, #tpu.memory_space<vmem>>
      %dma_wait3A_414 = arith.constant 0 : i32
      %dma_wait3A_415 = tpu.memref_slice %arg10[%rem3A_397, %dma_wait3A_414] : memref<2x80xi32, #tpu.memory_space<vmem>> -> memref<1x80xi32, #tpu.memory_space<vmem>>
      %dma_wait3A_416 = tpu.memref_squeeze %dma_wait3A_415 : memref<1x80xi32, #tpu.memory_space<vmem>> -> memref<80xi32, #tpu.memory_space<vmem>>
      %dma_wait3A_417 = arith.constant 0 : i32
      %dma_wait3A_418 = arith.constant 0 : i32
      %dma_wait3A_419 = tpu.memref_slice %arg2[%dma_wait3A_417, %dma_wait3A_418] : memref<40000x64xf32, #tpu.memory_space<hbm>> -> memref<40000x64xf32, #tpu.memory_space<hbm>>
      %dma_wait3A_420 = tpu.memref_slice %arg20[%rem3A_397] : memref<2x!tpu.dma_semaphore, #tpu.memory_space<semaphore_mem>> -> memref<1x!tpu.dma_semaphore, #tpu.memory_space<semaphore_mem>>
      %dma_wait3A_421 = tpu.memref_squeeze %dma_wait3A_420 : memref<1x!tpu.dma_semaphore, #tpu.memory_space<semaphore_mem>> -> memref<!tpu.dma_semaphore, #tpu.memory_space<semaphore_mem>>
      tpu.wait_indirect_dma semaphore(%dma_wait3A_421 : memref<!tpu.dma_semaphore, #tpu.memory_space<semaphore_mem>>) src(%dma_wait3A_419 : memref<40000x64xf32, #tpu.memory_space<hbm>>) dst(%dma_wait3A_413 : memref<80x64xf32, #tpu.memory_space<vmem>>)
      %dma_start3A_422 = arith.constant 0 : i32
      %dma_start3A_423 = arith.constant 0 : i32
      %dma_start3A_424 = tpu.memref_slice %arg7[%rem3A_397, %dma_start3A_422, %dma_start3A_423] : memref<2x80x64xf32, #tpu.memory_space<vmem>> -> memref<1x80x64xf32, #tpu.memory_space<vmem>>
      %dma_start3A_425 = tpu.memref_squeeze %dma_start3A_424 : memref<1x80x64xf32, #tpu.memory_space<vmem>> -> memref<80x64xf32, #tpu.memory_space<vmem>>
      %dma_start3A_426 = arith.constant 0 : i32
      %dma_start3A_427 = tpu.memref_slice %arg9[%scan3A_395, %dma_start3A_426] : memref<125x80xi32, #tpu.memory_space<vmem>> -> memref<1x80xi32, #tpu.memory_space<vmem>>
      %dma_start3A_428 = tpu.memref_squeeze %dma_start3A_427 : memref<1x80xi32, #tpu.memory_space<vmem>> -> memref<80xi32, #tpu.memory_space<vmem>>
      %dma_start3A_429 = arith.constant 0 : i32
      %dma_start3A_430 = arith.constant 0 : i32
      %dma_start3A_431 = tpu.memref_slice %arg16[%dma_start3A_429, %dma_start3A_430] : memref<2000x64xf32, #tpu.memory_space<vmem_shared>> -> memref<2000x64xf32, #tpu.memory_space<vmem_shared>>
      %dma_start3A_432 = tpu.memref_slice %arg21[%rem3A_397] : memref<2x!tpu.dma_semaphore, #tpu.memory_space<semaphore_mem>> -> memref<1x!tpu.dma_semaphore, #tpu.memory_space<semaphore_mem>>
      %dma_start3A_433 = tpu.memref_squeeze %dma_start3A_432 : memref<1x!tpu.dma_semaphore, #tpu.memory_space<semaphore_mem>> -> memref<!tpu.dma_semaphore, #tpu.memory_space<semaphore_mem>>
      tpu.enqueue_indirect_dma source(%dma_start3A_425 : memref<80x64xf32, #tpu.memory_space<vmem>>) target(%dma_start3A_431 : memref<2000x64xf32, #tpu.memory_space<vmem_shared>>) offsets(%dma_start3A_428 : memref<80xi32, #tpu.memory_space<vmem>>) semaphore(%dma_start3A_433 : memref<!tpu.dma_semaphore, #tpu.memory_space<semaphore_mem>>) {add = true}
    }
    %scan3A_326 = arith.constant 125 : i32
    %rem3A_327 = arith.constant 124 : i32
    %rem3A_328 = arith.constant 2 : i32
    %rem3A_329 = arith.remsi %rem3A_327, %rem3A_328 : i32
    %dma_wait3A_330 = arith.constant 124 : i32
    %dma_wait3A_331 = arith.constant 0 : i32
    %dma_wait3A_332 = arith.constant 0 : i32
    %dma_wait3A_333 = tpu.memref_slice %arg7[%rem3A_329, %dma_wait3A_331, %dma_wait3A_332] : memref<2x80x64xf32, #tpu.memory_space<vmem>> -> memref<1x80x64xf32, #tpu.memory_space<vmem>>
    %dma_wait3A_334 = tpu.memref_squeeze %dma_wait3A_333 : memref<1x80x64xf32, #tpu.memory_space<vmem>> -> memref<80x64xf32, #tpu.memory_space<vmem>>
    %dma_wait3A_335 = arith.constant 0 : i32
    %dma_wait3A_336 = tpu.memref_slice %arg9[%dma_wait3A_330, %dma_wait3A_335] : memref<125x80xi32, #tpu.memory_space<vmem>> -> memref<1x80xi32, #tpu.memory_space<vmem>>
    %dma_wait3A_337 = tpu.memref_squeeze %dma_wait3A_336 : memref<1x80xi32, #tpu.memory_space<vmem>> -> memref<80xi32, #tpu.memory_space<vmem>>
    %dma_wait3A_338 = arith.constant 0 : i32
    %dma_wait3A_339 = arith.constant 0 : i32
    %dma_wait3A_340 = tpu.memref_slice %arg16[%dma_wait3A_338, %dma_wait3A_339] : memref<2000x64xf32, #tpu.memory_space<vmem_shared>> -> memref<2000x64xf32, #tpu.memory_space<vmem_shared>>
    %dma_wait3A_341 = tpu.memref_slice %arg21[%rem3A_329] : memref<2x!tpu.dma_semaphore, #tpu.memory_space<semaphore_mem>> -> memref<1x!tpu.dma_semaphore, #tpu.memory_space<semaphore_mem>>
    %dma_wait3A_342 = tpu.memref_squeeze %dma_wait3A_341 : memref<1x!tpu.dma_semaphore, #tpu.memory_space<semaphore_mem>> -> memref<!tpu.dma_semaphore, #tpu.memory_space<semaphore_mem>>
    tpu.wait_indirect_dma semaphore(%dma_wait3A_342 : memref<!tpu.dma_semaphore, #tpu.memory_space<semaphore_mem>>) src(%dma_wait3A_334 : memref<80x64xf32, #tpu.memory_space<vmem>>) dst(%dma_wait3A_340 : memref<2000x64xf32, #tpu.memory_space<vmem_shared>>)
    %barrier3A_343 = arith.constant 0 : index
    tpu.barrier barrier_id(%barrier3A_343)
    "tpu.region"() ({
      %run_scoped3A = tpu.sem_alloc : memref<!tpu.dma_semaphore, #tpu.memory_space<semaphore_mem>>
      %dma_start3A_395 = arith.constant 0 : i32
      %dma_start3A_396 = arith.constant 0 : i32
      %dma_start3A_397 = tpu.memref_slice %arg12[%dma_start3A_395, %dma_start3A_396] : memref<125x64xf32, #tpu.memory_space<vmem>> -> memref<125x64xf32, #tpu.memory_space<vmem>>
      %dma_start3A_398 = arith.constant 0 : i32
      %dma_start3A_399 = tpu.memref_slice %arg16[%mul3A_3, %dma_start3A_398] : memref<2000x64xf32, #tpu.memory_space<vmem_shared>> -> memref<125x64xf32, #tpu.memory_space<vmem_shared>>
      %dma_start3A_400 = arith.constant 0 : i32
      %dma_start3A_401 = arith.constant 0 : i32
      %dma_start3A_402 = tpu.memref_slice %arg12[%dma_start3A_400, %dma_start3A_401] : memref<125x64xf32, #tpu.memory_space<vmem>> -> memref<125x64xf32, #tpu.memory_space<vmem>>
      %dma_start3A_403 = arith.constant 0 : i32
      %dma_start3A_404 = tpu.memref_slice %arg16[%mul3A_3, %dma_start3A_403] : memref<2000x64xf32, #tpu.memory_space<vmem_shared>> -> memref<125x64xf32, #tpu.memory_space<vmem_shared>>
      tpu.enqueue_dma source(%dma_start3A_404 : memref<125x64xf32, #tpu.memory_space<vmem_shared>>) target(%dma_start3A_402 : memref<125x64xf32, #tpu.memory_space<vmem>>) target_semaphore(%run_scoped3A : memref<!tpu.dma_semaphore, #tpu.memory_space<semaphore_mem>>)
      %dma_wait3A_405 = arith.constant 0 : i32
      %dma_wait3A_406 = arith.constant 0 : i32
      %dma_wait3A_407 = tpu.memref_slice %arg12[%dma_wait3A_405, %dma_wait3A_406] : memref<125x64xf32, #tpu.memory_space<vmem>> -> memref<125x64xf32, #tpu.memory_space<vmem>>
      %dma_wait3A_408 = arith.constant 0 : i32
      %dma_wait3A_409 = tpu.memref_slice %arg16[%mul3A_3, %dma_wait3A_408] : memref<2000x64xf32, #tpu.memory_space<vmem_shared>> -> memref<125x64xf32, #tpu.memory_space<vmem_shared>>
      %dma_wait3A_410 = arith.constant 0 : i32
      %dma_wait3A_411 = arith.constant 0 : i32
      %dma_wait3A_412 = tpu.memref_slice %arg12[%dma_wait3A_410, %dma_wait3A_411] : memref<125x64xf32, #tpu.memory_space<vmem>> -> memref<125x64xf32, #tpu.memory_space<vmem>>
      %dma_wait3A_413 = arith.constant 0 : i32
      %dma_wait3A_414 = tpu.memref_slice %arg16[%mul3A_3, %dma_wait3A_413] : memref<2000x64xf32, #tpu.memory_space<vmem_shared>> -> memref<125x64xf32, #tpu.memory_space<vmem_shared>>
      tpu.wait_dma2 semaphore(%run_scoped3A : memref<!tpu.dma_semaphore, #tpu.memory_space<semaphore_mem>>) src(%dma_wait3A_414 : memref<125x64xf32, #tpu.memory_space<vmem_shared>>) dst(%dma_wait3A_412 : memref<125x64xf32, #tpu.memory_space<vmem>>)
      tpu.yield
    }) : () -> ()
    "tpu.region"() ({
      %run_scoped3A = tpu.sem_alloc : memref<!tpu.dma_semaphore, #tpu.memory_space<semaphore_mem>>
      %dma_start3A_395 = arith.constant 0 : i32
      %dma_start3A_396 = arith.constant 0 : i32
      %dma_start3A_397 = tpu.memref_slice %arg13[%dma_start3A_395, %dma_start3A_396] : memref<125x16xf32, #tpu.memory_space<vmem>> -> memref<125x16xf32, #tpu.memory_space<vmem>>
      %dma_start3A_398 = arith.constant 0 : i32
      %dma_start3A_399 = tpu.memref_slice %arg18[%mul3A_3, %dma_start3A_398] : memref<2000x16xf32, #tpu.memory_space<vmem_shared>> -> memref<125x16xf32, #tpu.memory_space<vmem_shared>>
      %dma_start3A_400 = arith.constant 0 : i32
      %dma_start3A_401 = arith.constant 0 : i32
      %dma_start3A_402 = tpu.memref_slice %arg13[%dma_start3A_400, %dma_start3A_401] : memref<125x16xf32, #tpu.memory_space<vmem>> -> memref<125x16xf32, #tpu.memory_space<vmem>>
      %dma_start3A_403 = arith.constant 0 : i32
      %dma_start3A_404 = tpu.memref_slice %arg18[%mul3A_3, %dma_start3A_403] : memref<2000x16xf32, #tpu.memory_space<vmem_shared>> -> memref<125x16xf32, #tpu.memory_space<vmem_shared>>
      tpu.enqueue_dma source(%dma_start3A_404 : memref<125x16xf32, #tpu.memory_space<vmem_shared>>) target(%dma_start3A_402 : memref<125x16xf32, #tpu.memory_space<vmem>>) target_semaphore(%run_scoped3A : memref<!tpu.dma_semaphore, #tpu.memory_space<semaphore_mem>>)
      %dma_wait3A_405 = arith.constant 0 : i32
      %dma_wait3A_406 = arith.constant 0 : i32
      %dma_wait3A_407 = tpu.memref_slice %arg13[%dma_wait3A_405, %dma_wait3A_406] : memref<125x16xf32, #tpu.memory_space<vmem>> -> memref<125x16xf32, #tpu.memory_space<vmem>>
      %dma_wait3A_408 = arith.constant 0 : i32
      %dma_wait3A_409 = tpu.memref_slice %arg18[%mul3A_3, %dma_wait3A_408] : memref<2000x16xf32, #tpu.memory_space<vmem_shared>> -> memref<125x16xf32, #tpu.memory_space<vmem_shared>>
      %dma_wait3A_410 = arith.constant 0 : i32
      %dma_wait3A_411 = arith.constant 0 : i32
      %dma_wait3A_412 = tpu.memref_slice %arg13[%dma_wait3A_410, %dma_wait3A_411] : memref<125x16xf32, #tpu.memory_space<vmem>> -> memref<125x16xf32, #tpu.memory_space<vmem>>
      %dma_wait3A_413 = arith.constant 0 : i32
      %dma_wait3A_414 = tpu.memref_slice %arg18[%mul3A_3, %dma_wait3A_413] : memref<2000x16xf32, #tpu.memory_space<vmem_shared>> -> memref<125x16xf32, #tpu.memory_space<vmem_shared>>
      tpu.wait_dma2 semaphore(%run_scoped3A : memref<!tpu.dma_semaphore, #tpu.memory_space<semaphore_mem>>) src(%dma_wait3A_414 : memref<125x16xf32, #tpu.memory_space<vmem_shared>>) dst(%dma_wait3A_412 : memref<125x16xf32, #tpu.memory_space<vmem>>)
      tpu.yield
    }) : () -> ()
    %scan3A_344 = arith.constant 0 : i32
    %scan3A_345 = arith.constant 0 : i32
    %scan3A_346 = arith.constant 125 : i32
    %scan3A_347 = arith.addi %scan3A_345, %scan3A_346 : i32
    %scan3A_348 = arith.constant 1 : i32
    scf.for %scan3A_395 = %scan3A_345 to %scan3A_347 step %scan3A_348  : i32 {
      %get3A_396 = arith.index_cast %scan3A_395 : i32 to index
      %get3A_397 = arith.constant 0 : index
      %get3A_398 = tpu.vector_load %arg13[%get3A_396, %get3A_397] {strides = array<i32>} : memref<125x16xf32, #tpu.memory_space<vmem>>, vector<1x16xf32>,
      %get3A_399 = vector.shape_cast %get3A_398 : vector<1x16xf32> to vector<16xf32>
      %gt3A = arith.constant 0.000000e+00 : f32
      %gt3A_400 = vector.broadcast %gt3A : f32 to vector<16xf32>
      %gt3A_401 = arith.cmpf ogt, %get3A_399, %gt3A_400 : vector<16xf32>
      %div3A = arith.constant 1.000000e+00 : f32
      %div3A_402 = vector.broadcast %div3A : f32 to vector<16xf32>
      %div3A_403 = arith.divf %div3A_402, %get3A_399 : vector<16xf32>
      %jit3A = arith.constant 0.000000e+00 : f32
      %broadcast_in_dim3A_404 = vector.broadcast %jit3A : f32 to vector<16xf32>
      %select_n3A = arith.select %gt3A_401, %div3A_403, %broadcast_in_dim3A_404 : vector<16xi1>, vector<16xf32>
      %get3A_405 = arith.index_cast %scan3A_395 : i32 to index
      %get3A_406 = arith.constant 0 : index
      %get3A_407 = tpu.vector_load %arg12[%get3A_405, %get3A_406] {strides = array<i32>} : memref<125x64xf32, #tpu.memory_space<vmem>>, vector<1x16xf32>,
      %get3A_408 = vector.shape_cast %get3A_407 : vector<1x16xf32> to vector<16xf32>
      %mul3A_409 = arith.mulf %get3A_408, %select_n3A : vector<16xf32>
      %swap3A_410 = arith.index_cast %scan3A_395 : i32 to index
      %swap3A_411 = arith.constant 0 : index
      %swap3A_412 = tpu.vector_load %arg12[%swap3A_410, %swap3A_411] {strides = array<i32>} : memref<125x64xf32, #tpu.memory_space<vmem>>, vector<1x16xf32>,
      %swap3A_413 = vector.shape_cast %swap3A_412 : vector<1x16xf32> to vector<16xf32>
      %swap3A_414 = vector.shape_cast %mul3A_409 : vector<16xf32> to vector<1x16xf32>
      tpu.vector_store %arg12[%swap3A_410, %swap3A_411], %swap3A_414 {strides = array<i32>} : memref<125x64xf32, #tpu.memory_space<vmem>>, vector<1x16xf32>,
      %get3A_415 = arith.index_cast %scan3A_395 : i32 to index
      %get3A_416 = arith.constant 16 : index
      %get3A_417 = tpu.vector_load %arg12[%get3A_415, %get3A_416] {strides = array<i32>} : memref<125x64xf32, #tpu.memory_space<vmem>>, vector<1x16xf32>,
      %get3A_418 = vector.shape_cast %get3A_417 : vector<1x16xf32> to vector<16xf32>
      %mul3A_419 = arith.mulf %get3A_418, %select_n3A : vector<16xf32>
      %swap3A_420 = arith.index_cast %scan3A_395 : i32 to index
      %swap3A_421 = arith.constant 16 : index
      %swap3A_422 = tpu.vector_load %arg12[%swap3A_420, %swap3A_421] {strides = array<i32>} : memref<125x64xf32, #tpu.memory_space<vmem>>, vector<1x16xf32>,
      %swap3A_423 = vector.shape_cast %swap3A_422 : vector<1x16xf32> to vector<16xf32>
      %swap3A_424 = vector.shape_cast %mul3A_419 : vector<16xf32> to vector<1x16xf32>
      tpu.vector_store %arg12[%swap3A_420, %swap3A_421], %swap3A_424 {strides = array<i32>} : memref<125x64xf32, #tpu.memory_space<vmem>>, vector<1x16xf32>,
      %get3A_425 = arith.index_cast %scan3A_395 : i32 to index
      %get3A_426 = arith.constant 32 : index
      %get3A_427 = tpu.vector_load %arg12[%get3A_425, %get3A_426] {strides = array<i32>} : memref<125x64xf32, #tpu.memory_space<vmem>>, vector<1x16xf32>,
      %get3A_428 = vector.shape_cast %get3A_427 : vector<1x16xf32> to vector<16xf32>
      %mul3A_429 = arith.mulf %get3A_428, %select_n3A : vector<16xf32>
      %swap3A_430 = arith.index_cast %scan3A_395 : i32 to index
      %swap3A_431 = arith.constant 32 : index
      %swap3A_432 = tpu.vector_load %arg12[%swap3A_430, %swap3A_431] {strides = array<i32>} : memref<125x64xf32, #tpu.memory_space<vmem>>, vector<1x16xf32>,
      %swap3A_433 = vector.shape_cast %swap3A_432 : vector<1x16xf32> to vector<16xf32>
      %swap3A_434 = vector.shape_cast %mul3A_429 : vector<16xf32> to vector<1x16xf32>
      tpu.vector_store %arg12[%swap3A_430, %swap3A_431], %swap3A_434 {strides = array<i32>} : memref<125x64xf32, #tpu.memory_space<vmem>>, vector<1x16xf32>,
      %get3A_435 = arith.index_cast %scan3A_395 : i32 to index
      %get3A_436 = arith.constant 48 : index
      %get3A_437 = tpu.vector_load %arg12[%get3A_435, %get3A_436] {strides = array<i32>} : memref<125x64xf32, #tpu.memory_space<vmem>>, vector<1x16xf32>,
      %get3A_438 = vector.shape_cast %get3A_437 : vector<1x16xf32> to vector<16xf32>
      %mul3A_439 = arith.mulf %get3A_438, %select_n3A : vector<16xf32>
      %swap3A_440 = arith.index_cast %scan3A_395 : i32 to index
      %swap3A_441 = arith.constant 48 : index
      %swap3A_442 = tpu.vector_load %arg12[%swap3A_440, %swap3A_441] {strides = array<i32>} : memref<125x64xf32, #tpu.memory_space<vmem>>, vector<1x16xf32>,
      %swap3A_443 = vector.shape_cast %swap3A_442 : vector<1x16xf32> to vector<16xf32>
      %swap3A_444 = vector.shape_cast %mul3A_439 : vector<16xf32> to vector<1x16xf32>
      tpu.vector_store %arg12[%swap3A_440, %swap3A_441], %swap3A_444 {strides = array<i32>} : memref<125x64xf32, #tpu.memory_space<vmem>>, vector<1x16xf32>,
    }
    %scan3A_349 = arith.constant 125 : i32
    "tpu.region"() ({
      %run_scoped3A = tpu.sem_alloc : memref<!tpu.dma_semaphore, #tpu.memory_space<semaphore_mem>>
      %dma_start3A_395 = arith.constant 0 : i32
      %dma_start3A_396 = arith.constant 0 : i32
      %dma_start3A_397 = tpu.memref_slice %arg12[%dma_start3A_395, %dma_start3A_396] : memref<125x64xf32, #tpu.memory_space<vmem>> -> memref<125x64xf32, #tpu.memory_space<vmem>>
      %dma_start3A_398 = arith.constant 0 : i32
      %dma_start3A_399 = tpu.memref_slice %arg16[%mul3A_3, %dma_start3A_398] : memref<2000x64xf32, #tpu.memory_space<vmem_shared>> -> memref<125x64xf32, #tpu.memory_space<vmem_shared>>
      %dma_start3A_400 = arith.constant 0 : i32
      %dma_start3A_401 = tpu.memref_slice %arg16[%mul3A_3, %dma_start3A_400] : memref<2000x64xf32, #tpu.memory_space<vmem_shared>> -> memref<125x64xf32, #tpu.memory_space<vmem_shared>>
      %dma_start3A_402 = arith.constant 0 : i32
      %dma_start3A_403 = arith.constant 0 : i32
      %dma_start3A_404 = tpu.memref_slice %arg12[%dma_start3A_402, %dma_start3A_403] : memref<125x64xf32, #tpu.memory_space<vmem>> -> memref<125x64xf32, #tpu.memory_space<vmem>>
      tpu.enqueue_dma source(%dma_start3A_404 : memref<125x64xf32, #tpu.memory_space<vmem>>) target(%dma_start3A_401 : memref<125x64xf32, #tpu.memory_space<vmem_shared>>) target_semaphore(%run_scoped3A : memref<!tpu.dma_semaphore, #tpu.memory_space<semaphore_mem>>)
      %dma_wait3A_405 = arith.constant 0 : i32
      %dma_wait3A_406 = arith.constant 0 : i32
      %dma_wait3A_407 = tpu.memref_slice %arg12[%dma_wait3A_405, %dma_wait3A_406] : memref<125x64xf32, #tpu.memory_space<vmem>> -> memref<125x64xf32, #tpu.memory_space<vmem>>
      %dma_wait3A_408 = arith.constant 0 : i32
      %dma_wait3A_409 = tpu.memref_slice %arg16[%mul3A_3, %dma_wait3A_408] : memref<2000x64xf32, #tpu.memory_space<vmem_shared>> -> memref<125x64xf32, #tpu.memory_space<vmem_shared>>
      %dma_wait3A_410 = arith.constant 0 : i32
      %dma_wait3A_411 = tpu.memref_slice %arg16[%mul3A_3, %dma_wait3A_410] : memref<2000x64xf32, #tpu.memory_space<vmem_shared>> -> memref<125x64xf32, #tpu.memory_space<vmem_shared>>
      %dma_wait3A_412 = arith.constant 0 : i32
      %dma_wait3A_413 = arith.constant 0 : i32
      %dma_wait3A_414 = tpu.memref_slice %arg12[%dma_wait3A_412, %dma_wait3A_413] : memref<125x64xf32, #tpu.memory_space<vmem>> -> memref<125x64xf32, #tpu.memory_space<vmem>>
      tpu.wait_dma2 semaphore(%run_scoped3A : memref<!tpu.dma_semaphore, #tpu.memory_space<semaphore_mem>>) src(%dma_wait3A_414 : memref<125x64xf32, #tpu.memory_space<vmem>>) dst(%dma_wait3A_411 : memref<125x64xf32, #tpu.memory_space<vmem_shared>>)
      tpu.yield
    }) : () -> ()
    %barrier3A_350 = arith.constant 0 : index
    tpu.barrier barrier_id(%barrier3A_350)
    %dma_start3A_351 = arith.constant 0 : i32
    %dma_start3A_352 = arith.constant 0 : i32
    %dma_start3A_353 = arith.constant 0 : i32
    %dma_start3A_354 = arith.constant 0 : i32
    %dma_start3A_355 = arith.constant 0 : i32
    %dma_start3A_356 = tpu.memref_slice %arg7[%dma_start3A_352, %dma_start3A_354, %dma_start3A_355] : memref<2x80x64xf32, #tpu.memory_space<vmem>> -> memref<1x80x64xf32, #tpu.memory_space<vmem>>
    %dma_start3A_357 = tpu.memref_squeeze %dma_start3A_356 : memref<1x80x64xf32, #tpu.memory_space<vmem>> -> memref<80x64xf32, #tpu.memory_space<vmem>>
    %dma_start3A_358 = arith.constant 0 : i32
    %dma_start3A_359 = tpu.memref_slice %arg9[%dma_start3A_351, %dma_start3A_358] : memref<125x80xi32, #tpu.memory_space<vmem>> -> memref<1x80xi32, #tpu.memory_space<vmem>>
    %dma_start3A_360 = tpu.memref_squeeze %dma_start3A_359 : memref<1x80xi32, #tpu.memory_space<vmem>> -> memref<80xi32, #tpu.memory_space<vmem>>
    %dma_start3A_361 = arith.constant 0 : i32
    %dma_start3A_362 = arith.constant 0 : i32
    %dma_start3A_363 = tpu.memref_slice %arg16[%dma_start3A_361, %dma_start3A_362] : memref<2000x64xf32, #tpu.memory_space<vmem_shared>> -> memref<2000x64xf32, #tpu.memory_space<vmem_shared>>
    %dma_start3A_364 = tpu.memref_slice %arg20[%dma_start3A_353] : memref<2x!tpu.dma_semaphore, #tpu.memory_space<semaphore_mem>> -> memref<1x!tpu.dma_semaphore, #tpu.memory_space<semaphore_mem>>
    %dma_start3A_365 = tpu.memref_squeeze %dma_start3A_364 : memref<1x!tpu.dma_semaphore, #tpu.memory_space<semaphore_mem>> -> memref<!tpu.dma_semaphore, #tpu.memory_space<semaphore_mem>>
    tpu.enqueue_indirect_dma source(%dma_start3A_363 : memref<2000x64xf32, #tpu.memory_space<vmem_shared>>) target(%dma_start3A_357 : memref<80x64xf32, #tpu.memory_space<vmem>>) offsets(%dma_start3A_360 : memref<80xi32, #tpu.memory_space<vmem>>) semaphore(%dma_start3A_365 : memref<!tpu.dma_semaphore, #tpu.memory_space<semaphore_mem>>)
    %scan3A_366 = arith.constant 0 : i32
    %scan3A_367 = arith.constant 0 : i32
    %scan3A_368 = arith.constant 125 : i32
    %scan3A_369 = arith.addi %scan3A_367, %scan3A_368 : i32
    %scan3A_370 = arith.constant 1 : i32
    scf.for %scan3A_395 = %scan3A_367 to %scan3A_369 step %scan3A_370  : i32 {
      %rem3A_396 = arith.constant 2 : i32
      %rem3A_397 = arith.remsi %scan3A_395, %rem3A_396 : i32
      %add3A_398 = arith.constant 1 : i32
      %add3A_399 = arith.addi %scan3A_395, %add3A_398 : i32
      %rem3A_400 = arith.constant 2 : i32
      %rem3A_401 = arith.remsi %add3A_399, %rem3A_400 : i32
      %ge3A = arith.constant 1 : i32
      %ge3A_402 = arith.cmpi sge, %scan3A_395, %ge3A : i32
      %convert_element_type3A = arith.extui %ge3A_402 : i1 to i32
      %cond3A = arith.constant 0 : i32
      %cond3A_403 = arith.cmpi ne, %convert_element_type3A, %cond3A : i32
      scf.if %cond3A_403 {
        %sub3A = arith.constant 1 : i32
        %sub3A_434 = arith.subi %scan3A_395, %sub3A : i32
        %dma_wait3A_435 = arith.constant 0 : i32
        %dma_wait3A_436 = arith.constant 0 : i32
        %dma_wait3A_437 = tpu.memref_slice %arg7[%rem3A_401, %dma_wait3A_435, %dma_wait3A_436] : memref<2x80x64xf32, #tpu.memory_space<vmem>> -> memref<1x80x64xf32, #tpu.memory_space<vmem>>
        %dma_wait3A_438 = tpu.memref_squeeze %dma_wait3A_437 : memref<1x80x64xf32, #tpu.memory_space<vmem>> -> memref<80x64xf32, #tpu.memory_space<vmem>>
        %dma_wait3A_439 = arith.constant 0 : i32
        %dma_wait3A_440 = tpu.memref_slice %arg8[%sub3A_434, %dma_wait3A_439] : memref<125x80xi32, #tpu.memory_space<vmem>> -> memref<1x80xi32, #tpu.memory_space<vmem>>
        %dma_wait3A_441 = tpu.memref_squeeze %dma_wait3A_440 : memref<1x80xi32, #tpu.memory_space<vmem>> -> memref<80xi32, #tpu.memory_space<vmem>>
        %dma_wait3A_442 = arith.constant 0 : i32
        %dma_wait3A_443 = arith.constant 0 : i32
        %dma_wait3A_444 = tpu.memref_slice %arg17[%dma_wait3A_442, %dma_wait3A_443] : memref<10000x64xf32, #tpu.memory_space<vmem_shared>> -> memref<10000x64xf32, #tpu.memory_space<vmem_shared>>
        %dma_wait3A_445 = tpu.memref_slice %arg21[%rem3A_401] : memref<2x!tpu.dma_semaphore, #tpu.memory_space<semaphore_mem>> -> memref<1x!tpu.dma_semaphore, #tpu.memory_space<semaphore_mem>>
        %dma_wait3A_446 = tpu.memref_squeeze %dma_wait3A_445 : memref<1x!tpu.dma_semaphore, #tpu.memory_space<semaphore_mem>> -> memref<!tpu.dma_semaphore, #tpu.memory_space<semaphore_mem>>
        tpu.wait_indirect_dma semaphore(%dma_wait3A_446 : memref<!tpu.dma_semaphore, #tpu.memory_space<semaphore_mem>>) src(%dma_wait3A_438 : memref<80x64xf32, #tpu.memory_space<vmem>>) dst(%dma_wait3A_444 : memref<10000x64xf32, #tpu.memory_space<vmem_shared>>)
      } else {
      }
      %add3A_404 = arith.constant 1 : i32
      %add3A_405 = arith.addi %scan3A_395, %add3A_404 : i32
      %lt3A = arith.constant 125 : i32
      %lt3A_406 = arith.cmpi slt, %add3A_405, %lt3A : i32
      %convert_element_type3A_407 = arith.extui %lt3A_406 : i1 to i32
      %cond3A_408 = arith.constant 0 : i32
      %cond3A_409 = arith.cmpi ne, %convert_element_type3A_407, %cond3A_408 : i32
      scf.if %cond3A_409 {
        %add3A_434 = arith.constant 1 : i32
        %add3A_435 = arith.addi %scan3A_395, %add3A_434 : i32
        %dma_start3A_436 = arith.constant 0 : i32
        %dma_start3A_437 = arith.constant 0 : i32
        %dma_start3A_438 = tpu.memref_slice %arg7[%rem3A_401, %dma_start3A_436, %dma_start3A_437] : memref<2x80x64xf32, #tpu.memory_space<vmem>> -> memref<1x80x64xf32, #tpu.memory_space<vmem>>
        %dma_start3A_439 = tpu.memref_squeeze %dma_start3A_438 : memref<1x80x64xf32, #tpu.memory_space<vmem>> -> memref<80x64xf32, #tpu.memory_space<vmem>>
        %dma_start3A_440 = arith.constant 0 : i32
        %dma_start3A_441 = tpu.memref_slice %arg9[%add3A_435, %dma_start3A_440] : memref<125x80xi32, #tpu.memory_space<vmem>> -> memref<1x80xi32, #tpu.memory_space<vmem>>
        %dma_start3A_442 = tpu.memref_squeeze %dma_start3A_441 : memref<1x80xi32, #tpu.memory_space<vmem>> -> memref<80xi32, #tpu.memory_space<vmem>>
        %dma_start3A_443 = arith.constant 0 : i32
        %dma_start3A_444 = arith.constant 0 : i32
        %dma_start3A_445 = tpu.memref_slice %arg16[%dma_start3A_443, %dma_start3A_444] : memref<2000x64xf32, #tpu.memory_space<vmem_shared>> -> memref<2000x64xf32, #tpu.memory_space<vmem_shared>>
        %dma_start3A_446 = tpu.memref_slice %arg20[%rem3A_401] : memref<2x!tpu.dma_semaphore, #tpu.memory_space<semaphore_mem>> -> memref<1x!tpu.dma_semaphore, #tpu.memory_space<semaphore_mem>>
        %dma_start3A_447 = tpu.memref_squeeze %dma_start3A_446 : memref<1x!tpu.dma_semaphore, #tpu.memory_space<semaphore_mem>> -> memref<!tpu.dma_semaphore, #tpu.memory_space<semaphore_mem>>
        tpu.enqueue_indirect_dma source(%dma_start3A_445 : memref<2000x64xf32, #tpu.memory_space<vmem_shared>>) target(%dma_start3A_439 : memref<80x64xf32, #tpu.memory_space<vmem>>) offsets(%dma_start3A_442 : memref<80xi32, #tpu.memory_space<vmem>>) semaphore(%dma_start3A_447 : memref<!tpu.dma_semaphore, #tpu.memory_space<semaphore_mem>>)
      } else {
      }
      %dma_wait3A_410 = arith.constant 0 : i32
      %dma_wait3A_411 = arith.constant 0 : i32
      %dma_wait3A_412 = tpu.memref_slice %arg7[%rem3A_397, %dma_wait3A_410, %dma_wait3A_411] : memref<2x80x64xf32, #tpu.memory_space<vmem>> -> memref<1x80x64xf32, #tpu.memory_space<vmem>>
      %dma_wait3A_413 = tpu.memref_squeeze %dma_wait3A_412 : memref<1x80x64xf32, #tpu.memory_space<vmem>> -> memref<80x64xf32, #tpu.memory_space<vmem>>
      %dma_wait3A_414 = arith.constant 0 : i32
      %dma_wait3A_415 = tpu.memref_slice %arg9[%scan3A_395, %dma_wait3A_414] : memref<125x80xi32, #tpu.memory_space<vmem>> -> memref<1x80xi32, #tpu.memory_space<vmem>>
      %dma_wait3A_416 = tpu.memref_squeeze %dma_wait3A_415 : memref<1x80xi32, #tpu.memory_space<vmem>> -> memref<80xi32, #tpu.memory_space<vmem>>
      %dma_wait3A_417 = arith.constant 0 : i32
      %dma_wait3A_418 = arith.constant 0 : i32
      %dma_wait3A_419 = tpu.memref_slice %arg16[%dma_wait3A_417, %dma_wait3A_418] : memref<2000x64xf32, #tpu.memory_space<vmem_shared>> -> memref<2000x64xf32, #tpu.memory_space<vmem_shared>>
      %dma_wait3A_420 = tpu.memref_slice %arg20[%rem3A_397] : memref<2x!tpu.dma_semaphore, #tpu.memory_space<semaphore_mem>> -> memref<1x!tpu.dma_semaphore, #tpu.memory_space<semaphore_mem>>
      %dma_wait3A_421 = tpu.memref_squeeze %dma_wait3A_420 : memref<1x!tpu.dma_semaphore, #tpu.memory_space<semaphore_mem>> -> memref<!tpu.dma_semaphore, #tpu.memory_space<semaphore_mem>>
      tpu.wait_indirect_dma semaphore(%dma_wait3A_421 : memref<!tpu.dma_semaphore, #tpu.memory_space<semaphore_mem>>) src(%dma_wait3A_419 : memref<2000x64xf32, #tpu.memory_space<vmem_shared>>) dst(%dma_wait3A_413 : memref<80x64xf32, #tpu.memory_space<vmem>>)
      %dma_start3A_422 = arith.constant 0 : i32
      %dma_start3A_423 = arith.constant 0 : i32
      %dma_start3A_424 = tpu.memref_slice %arg7[%rem3A_397, %dma_start3A_422, %dma_start3A_423] : memref<2x80x64xf32, #tpu.memory_space<vmem>> -> memref<1x80x64xf32, #tpu.memory_space<vmem>>
      %dma_start3A_425 = tpu.memref_squeeze %dma_start3A_424 : memref<1x80x64xf32, #tpu.memory_space<vmem>> -> memref<80x64xf32, #tpu.memory_space<vmem>>
      %dma_start3A_426 = arith.constant 0 : i32
      %dma_start3A_427 = tpu.memref_slice %arg8[%scan3A_395, %dma_start3A_426] : memref<125x80xi32, #tpu.memory_space<vmem>> -> memref<1x80xi32, #tpu.memory_space<vmem>>
      %dma_start3A_428 = tpu.memref_squeeze %dma_start3A_427 : memref<1x80xi32, #tpu.memory_space<vmem>> -> memref<80xi32, #tpu.memory_space<vmem>>
      %dma_start3A_429 = arith.constant 0 : i32
      %dma_start3A_430 = arith.constant 0 : i32
      %dma_start3A_431 = tpu.memref_slice %arg17[%dma_start3A_429, %dma_start3A_430] : memref<10000x64xf32, #tpu.memory_space<vmem_shared>> -> memref<10000x64xf32, #tpu.memory_space<vmem_shared>>
      %dma_start3A_432 = tpu.memref_slice %arg21[%rem3A_397] : memref<2x!tpu.dma_semaphore, #tpu.memory_space<semaphore_mem>> -> memref<1x!tpu.dma_semaphore, #tpu.memory_space<semaphore_mem>>
      %dma_start3A_433 = tpu.memref_squeeze %dma_start3A_432 : memref<1x!tpu.dma_semaphore, #tpu.memory_space<semaphore_mem>> -> memref<!tpu.dma_semaphore, #tpu.memory_space<semaphore_mem>>
      tpu.enqueue_indirect_dma source(%dma_start3A_425 : memref<80x64xf32, #tpu.memory_space<vmem>>) target(%dma_start3A_431 : memref<10000x64xf32, #tpu.memory_space<vmem_shared>>) offsets(%dma_start3A_428 : memref<80xi32, #tpu.memory_space<vmem>>) semaphore(%dma_start3A_433 : memref<!tpu.dma_semaphore, #tpu.memory_space<semaphore_mem>>) {add = true}
    }
    %scan3A_371 = arith.constant 125 : i32
    %rem3A_372 = arith.constant 124 : i32
    %rem3A_373 = arith.constant 2 : i32
    %rem3A_374 = arith.remsi %rem3A_372, %rem3A_373 : i32
    %dma_wait3A_375 = arith.constant 124 : i32
    %dma_wait3A_376 = arith.constant 0 : i32
    %dma_wait3A_377 = arith.constant 0 : i32
    %dma_wait3A_378 = tpu.memref_slice %arg7[%rem3A_374, %dma_wait3A_376, %dma_wait3A_377] : memref<2x80x64xf32, #tpu.memory_space<vmem>> -> memref<1x80x64xf32, #tpu.memory_space<vmem>>
    %dma_wait3A_379 = tpu.memref_squeeze %dma_wait3A_378 : memref<1x80x64xf32, #tpu.memory_space<vmem>> -> memref<80x64xf32, #tpu.memory_space<vmem>>
    %dma_wait3A_380 = arith.constant 0 : i32
    %dma_wait3A_381 = tpu.memref_slice %arg8[%dma_wait3A_375, %dma_wait3A_380] : memref<125x80xi32, #tpu.memory_space<vmem>> -> memref<1x80xi32, #tpu.memory_space<vmem>>
    %dma_wait3A_382 = tpu.memref_squeeze %dma_wait3A_381 : memref<1x80xi32, #tpu.memory_space<vmem>> -> memref<80xi32, #tpu.memory_space<vmem>>
    %dma_wait3A_383 = arith.constant 0 : i32
    %dma_wait3A_384 = arith.constant 0 : i32
    %dma_wait3A_385 = tpu.memref_slice %arg17[%dma_wait3A_383, %dma_wait3A_384] : memref<10000x64xf32, #tpu.memory_space<vmem_shared>> -> memref<10000x64xf32, #tpu.memory_space<vmem_shared>>
    %dma_wait3A_386 = tpu.memref_slice %arg21[%rem3A_374] : memref<2x!tpu.dma_semaphore, #tpu.memory_space<semaphore_mem>> -> memref<1x!tpu.dma_semaphore, #tpu.memory_space<semaphore_mem>>
    %dma_wait3A_387 = tpu.memref_squeeze %dma_wait3A_386 : memref<1x!tpu.dma_semaphore, #tpu.memory_space<semaphore_mem>> -> memref<!tpu.dma_semaphore, #tpu.memory_space<semaphore_mem>>
    tpu.wait_indirect_dma semaphore(%dma_wait3A_387 : memref<!tpu.dma_semaphore, #tpu.memory_space<semaphore_mem>>) src(%dma_wait3A_379 : memref<80x64xf32, #tpu.memory_space<vmem>>) dst(%dma_wait3A_385 : memref<10000x64xf32, #tpu.memory_space<vmem_shared>>)
    %barrier3A_388 = arith.constant 0 : index
    tpu.barrier barrier_id(%barrier3A_388)
    %scan3A_389 = arith.constant 0 : i32
    %scan3A_390 = arith.constant 0 : i32
    %scan3A_391 = arith.constant 5 : i32
    %scan3A_392 = arith.addi %scan3A_390, %scan3A_391 : i32
    %scan3A_393 = arith.constant 1 : i32
    scf.for %scan3A_395 = %scan3A_390 to %scan3A_392 step %scan3A_393  : i32 {
      %mul3A_396 = arith.constant 625 : i32
      %mul3A_397 = arith.muli %arg1, %mul3A_396 : i32
      %mul3A_398 = arith.constant 125 : i32
      %mul3A_399 = arith.muli %scan3A_395, %mul3A_398 : i32
      %add3A_400 = arith.addi %mul3A_397, %mul3A_399 : i32
      "tpu.region"() ({
        %run_scoped3A = tpu.sem_alloc : memref<!tpu.dma_semaphore, #tpu.memory_space<semaphore_mem>>
        %dma_start3A_409 = arith.constant 0 : i32
        %dma_start3A_410 = tpu.memref_slice %arg17[%add3A_400, %dma_start3A_409] : memref<10000x64xf32, #tpu.memory_space<vmem_shared>> -> memref<125x64xf32, #tpu.memory_space<vmem_shared>>
        %dma_start3A_411 = arith.constant 0 : i32
        %dma_start3A_412 = tpu.memref_slice %arg17[%add3A_400, %dma_start3A_411] : memref<10000x64xf32, #tpu.memory_space<vmem_shared>> -> memref<125x64xf32, #tpu.memory_space<vmem_shared>>
        tpu.enqueue_dma source(%dma_start3A_412 : memref<125x64xf32, #tpu.memory_space<vmem_shared>>) target(%arg12 : memref<125x64xf32, #tpu.memory_space<vmem>>) target_semaphore(%run_scoped3A : memref<!tpu.dma_semaphore, #tpu.memory_space<semaphore_mem>>)
        %dma_wait3A_413 = arith.constant 0 : i32
        %dma_wait3A_414 = tpu.memref_slice %arg17[%add3A_400, %dma_wait3A_413] : memref<10000x64xf32, #tpu.memory_space<vmem_shared>> -> memref<125x64xf32, #tpu.memory_space<vmem_shared>>
        %dma_wait3A_415 = arith.constant 0 : i32
        %dma_wait3A_416 = tpu.memref_slice %arg17[%add3A_400, %dma_wait3A_415] : memref<10000x64xf32, #tpu.memory_space<vmem_shared>> -> memref<125x64xf32, #tpu.memory_space<vmem_shared>>
        tpu.wait_dma2 semaphore(%run_scoped3A : memref<!tpu.dma_semaphore, #tpu.memory_space<semaphore_mem>>) src(%dma_wait3A_416 : memref<125x64xf32, #tpu.memory_space<vmem_shared>>) dst(%arg12 : memref<125x64xf32, #tpu.memory_space<vmem>>)
        tpu.yield
      }) : () -> ()
      "tpu.region"() ({
        %run_scoped3A = tpu.sem_alloc : memref<!tpu.dma_semaphore, #tpu.memory_space<semaphore_mem>>
        %dma_start3A_409 = arith.constant 0 : i32
        %dma_start3A_410 = tpu.memref_slice %arg19[%add3A_400, %dma_start3A_409] : memref<10000x16xf32, #tpu.memory_space<vmem_shared>> -> memref<125x16xf32, #tpu.memory_space<vmem_shared>>
        %dma_start3A_411 = arith.constant 0 : i32
        %dma_start3A_412 = tpu.memref_slice %arg19[%add3A_400, %dma_start3A_411] : memref<10000x16xf32, #tpu.memory_space<vmem_shared>> -> memref<125x16xf32, #tpu.memory_space<vmem_shared>>
        tpu.enqueue_dma source(%dma_start3A_412 : memref<125x16xf32, #tpu.memory_space<vmem_shared>>) target(%arg13 : memref<125x16xf32, #tpu.memory_space<vmem>>) target_semaphore(%run_scoped3A : memref<!tpu.dma_semaphore, #tpu.memory_space<semaphore_mem>>)
        %dma_wait3A_413 = arith.constant 0 : i32
        %dma_wait3A_414 = tpu.memref_slice %arg19[%add3A_400, %dma_wait3A_413] : memref<10000x16xf32, #tpu.memory_space<vmem_shared>> -> memref<125x16xf32, #tpu.memory_space<vmem_shared>>
        %dma_wait3A_415 = arith.constant 0 : i32
        %dma_wait3A_416 = tpu.memref_slice %arg19[%add3A_400, %dma_wait3A_415] : memref<10000x16xf32, #tpu.memory_space<vmem_shared>> -> memref<125x16xf32, #tpu.memory_space<vmem_shared>>
        tpu.wait_dma2 semaphore(%run_scoped3A : memref<!tpu.dma_semaphore, #tpu.memory_space<semaphore_mem>>) src(%dma_wait3A_416 : memref<125x16xf32, #tpu.memory_space<vmem_shared>>) dst(%arg13 : memref<125x16xf32, #tpu.memory_space<vmem>>)
        tpu.yield
      }) : () -> ()
      %scan3A_401 = arith.constant 0 : i32
      %scan3A_402 = arith.constant 0 : i32
      %scan3A_403 = arith.constant 125 : i32
      %scan3A_404 = arith.addi %scan3A_402, %scan3A_403 : i32
      %scan3A_405 = arith.constant 1 : i32
      scf.for %scan3A_409 = %scan3A_402 to %scan3A_404 step %scan3A_405  : i32 {
        %get3A_410 = arith.index_cast %scan3A_409 : i32 to index
        %get3A_411 = arith.constant 0 : index
        %get3A_412 = tpu.vector_load %arg13[%get3A_410, %get3A_411] {strides = array<i32>} : memref<125x16xf32, #tpu.memory_space<vmem>>, vector<1x16xf32>,
        %get3A_413 = vector.shape_cast %get3A_412 : vector<1x16xf32> to vector<16xf32>
        %gt3A = arith.constant 0.000000e+00 : f32
        %gt3A_414 = vector.broadcast %gt3A : f32 to vector<16xf32>
        %gt3A_415 = arith.cmpf ogt, %get3A_413, %gt3A_414 : vector<16xf32>
        %div3A = arith.constant 1.000000e+00 : f32
        %div3A_416 = vector.broadcast %div3A : f32 to vector<16xf32>
        %div3A_417 = arith.divf %div3A_416, %get3A_413 : vector<16xf32>
        %jit3A = arith.constant 0.000000e+00 : f32
        %broadcast_in_dim3A_418 = vector.broadcast %jit3A : f32 to vector<16xf32>
        %select_n3A = arith.select %gt3A_415, %div3A_417, %broadcast_in_dim3A_418 : vector<16xi1>, vector<16xf32>
        %get3A_419 = arith.index_cast %scan3A_409 : i32 to index
        %get3A_420 = arith.constant 0 : index
        %get3A_421 = tpu.vector_load %arg12[%get3A_419, %get3A_420] {strides = array<i32>} : memref<125x64xf32, #tpu.memory_space<vmem>>, vector<1x16xf32>,
        %get3A_422 = vector.shape_cast %get3A_421 : vector<1x16xf32> to vector<16xf32>
        %mul3A_423 = arith.mulf %get3A_422, %select_n3A : vector<16xf32>
        %get3A_424 = arith.constant 64 : index
        %get3A_425 = tpu.vector_load %arg15[%get3A_424] {strides = array<i32>} : memref<128xf32, #tpu.memory_space<vmem>>, vector<16xf32>,
        %get3A_426 = vector.shape_cast %get3A_425 : vector<16xf32> to vector<16xf32>
        %add3A_427 = arith.addf %mul3A_423, %get3A_426 : vector<16xf32>
        %mul3A_428 = arith.constant 0.00999999977 : f32
        %mul3A_429 = vector.broadcast %mul3A_428 : f32 to vector<16xf32>
        %mul3A_430 = arith.mulf %mul3A_429, %add3A_427 : vector<16xf32>
        %max3A = arith.maximumf %add3A_427, %mul3A_430 : vector<16xf32>
        %swap3A_431 = arith.index_cast %scan3A_409 : i32 to index
        %swap3A_432 = arith.constant 0 : index
        %swap3A_433 = tpu.vector_load %arg14[%swap3A_431, %swap3A_432] {strides = array<i32>} : memref<125x64xf32, #tpu.memory_space<vmem>>, vector<1x16xf32>,
        %swap3A_434 = vector.shape_cast %swap3A_433 : vector<1x16xf32> to vector<16xf32>
        %swap3A_435 = vector.shape_cast %max3A : vector<16xf32> to vector<1x16xf32>
        tpu.vector_store %arg14[%swap3A_431, %swap3A_432], %swap3A_435 {strides = array<i32>} : memref<125x64xf32, #tpu.memory_space<vmem>>, vector<1x16xf32>,
        %get3A_436 = arith.index_cast %scan3A_409 : i32 to index
        %get3A_437 = arith.constant 16 : index
        %get3A_438 = tpu.vector_load %arg12[%get3A_436, %get3A_437] {strides = array<i32>} : memref<125x64xf32, #tpu.memory_space<vmem>>, vector<1x16xf32>,
        %get3A_439 = vector.shape_cast %get3A_438 : vector<1x16xf32> to vector<16xf32>
        %mul3A_440 = arith.mulf %get3A_439, %select_n3A : vector<16xf32>
        %get3A_441 = arith.constant 80 : index
        %get3A_442 = tpu.vector_load %arg15[%get3A_441] {strides = array<i32>} : memref<128xf32, #tpu.memory_space<vmem>>, vector<16xf32>,
        %get3A_443 = vector.shape_cast %get3A_442 : vector<16xf32> to vector<16xf32>
        %add3A_444 = arith.addf %mul3A_440, %get3A_443 : vector<16xf32>
        %mul3A_445 = arith.constant 0.00999999977 : f32
        %mul3A_446 = vector.broadcast %mul3A_445 : f32 to vector<16xf32>
        %mul3A_447 = arith.mulf %mul3A_446, %add3A_444 : vector<16xf32>
        %max3A_448 = arith.maximumf %add3A_444, %mul3A_447 : vector<16xf32>
        %swap3A_449 = arith.index_cast %scan3A_409 : i32 to index
        %swap3A_450 = arith.constant 16 : index
        %swap3A_451 = tpu.vector_load %arg14[%swap3A_449, %swap3A_450] {strides = array<i32>} : memref<125x64xf32, #tpu.memory_space<vmem>>, vector<1x16xf32>,
        %swap3A_452 = vector.shape_cast %swap3A_451 : vector<1x16xf32> to vector<16xf32>
        %swap3A_453 = vector.shape_cast %max3A_448 : vector<16xf32> to vector<1x16xf32>
        tpu.vector_store %arg14[%swap3A_449, %swap3A_450], %swap3A_453 {strides = array<i32>} : memref<125x64xf32, #tpu.memory_space<vmem>>, vector<1x16xf32>,
        %get3A_454 = arith.index_cast %scan3A_409 : i32 to index
        %get3A_455 = arith.constant 32 : index
        %get3A_456 = tpu.vector_load %arg12[%get3A_454, %get3A_455] {strides = array<i32>} : memref<125x64xf32, #tpu.memory_space<vmem>>, vector<1x16xf32>,
        %get3A_457 = vector.shape_cast %get3A_456 : vector<1x16xf32> to vector<16xf32>
        %mul3A_458 = arith.mulf %get3A_457, %select_n3A : vector<16xf32>
        %get3A_459 = arith.constant 96 : index
        %get3A_460 = tpu.vector_load %arg15[%get3A_459] {strides = array<i32>} : memref<128xf32, #tpu.memory_space<vmem>>, vector<16xf32>,
        %get3A_461 = vector.shape_cast %get3A_460 : vector<16xf32> to vector<16xf32>
        %add3A_462 = arith.addf %mul3A_458, %get3A_461 : vector<16xf32>
        %mul3A_463 = arith.constant 0.00999999977 : f32
        %mul3A_464 = vector.broadcast %mul3A_463 : f32 to vector<16xf32>
        %mul3A_465 = arith.mulf %mul3A_464, %add3A_462 : vector<16xf32>
        %max3A_466 = arith.maximumf %add3A_462, %mul3A_465 : vector<16xf32>
        %swap3A_467 = arith.index_cast %scan3A_409 : i32 to index
        %swap3A_468 = arith.constant 32 : index
        %swap3A_469 = tpu.vector_load %arg14[%swap3A_467, %swap3A_468] {strides = array<i32>} : memref<125x64xf32, #tpu.memory_space<vmem>>, vector<1x16xf32>,
        %swap3A_470 = vector.shape_cast %swap3A_469 : vector<1x16xf32> to vector<16xf32>
        %swap3A_471 = vector.shape_cast %max3A_466 : vector<16xf32> to vector<1x16xf32>
        tpu.vector_store %arg14[%swap3A_467, %swap3A_468], %swap3A_471 {strides = array<i32>} : memref<125x64xf32, #tpu.memory_space<vmem>>, vector<1x16xf32>,
        %get3A_472 = arith.index_cast %scan3A_409 : i32 to index
        %get3A_473 = arith.constant 48 : index
        %get3A_474 = tpu.vector_load %arg12[%get3A_472, %get3A_473] {strides = array<i32>} : memref<125x64xf32, #tpu.memory_space<vmem>>, vector<1x16xf32>,
        %get3A_475 = vector.shape_cast %get3A_474 : vector<1x16xf32> to vector<16xf32>
        %mul3A_476 = arith.mulf %get3A_475, %select_n3A : vector<16xf32>
        %get3A_477 = arith.constant 112 : index
        %get3A_478 = tpu.vector_load %arg15[%get3A_477] {strides = array<i32>} : memref<128xf32, #tpu.memory_space<vmem>>, vector<16xf32>,
        %get3A_479 = vector.shape_cast %get3A_478 : vector<16xf32> to vector<16xf32>
        %add3A_480 = arith.addf %mul3A_476, %get3A_479 : vector<16xf32>
        %mul3A_481 = arith.constant 0.00999999977 : f32
        %mul3A_482 = vector.broadcast %mul3A_481 : f32 to vector<16xf32>
        %mul3A_483 = arith.mulf %mul3A_482, %add3A_480 : vector<16xf32>
        %max3A_484 = arith.maximumf %add3A_480, %mul3A_483 : vector<16xf32>
        %swap3A_485 = arith.index_cast %scan3A_409 : i32 to index
        %swap3A_486 = arith.constant 48 : index
        %swap3A_487 = tpu.vector_load %arg14[%swap3A_485, %swap3A_486] {strides = array<i32>} : memref<125x64xf32, #tpu.memory_space<vmem>>, vector<1x16xf32>,
        %swap3A_488 = vector.shape_cast %swap3A_487 : vector<1x16xf32> to vector<16xf32>
        %swap3A_489 = vector.shape_cast %max3A_484 : vector<16xf32> to vector<1x16xf32>
        tpu.vector_store %arg14[%swap3A_485, %swap3A_486], %swap3A_489 {strides = array<i32>} : memref<125x64xf32, #tpu.memory_space<vmem>>, vector<1x16xf32>,
      }
      %scan3A_406 = arith.constant 125 : i32
      %mul3A_407 = arith.constant 64 : i32
      %mul3A_408 = arith.muli %add3A_212, %mul3A_407 : i32
      "tpu.region"() ({
        %run_scoped3A = tpu.sem_alloc : memref<!tpu.dma_semaphore, #tpu.memory_space<semaphore_mem>>
        %dma_start3A_409 = tpu.memref_slice %arg6[%add3A_400, %mul3A_408] : memref<10000x256xf32, #tpu.memory_space<hbm>> -> memref<125x64xf32, #tpu.memory_space<hbm>>
        %dma_start3A_410 = tpu.memref_slice %arg6[%add3A_400, %mul3A_408] : memref<10000x256xf32, #tpu.memory_space<hbm>> -> memref<125x64xf32, #tpu.memory_space<hbm>>
        tpu.enqueue_dma source(%arg14 : memref<125x64xf32, #tpu.memory_space<vmem>>) target(%dma_start3A_410 : memref<125x64xf32, #tpu.memory_space<hbm>>) target_semaphore(%run_scoped3A : memref<!tpu.dma_semaphore, #tpu.memory_space<semaphore_mem>>)
        %dma_wait3A_411 = tpu.memref_slice %arg6[%add3A_400, %mul3A_408] : memref<10000x256xf32, #tpu.memory_space<hbm>> -> memref<125x64xf32, #tpu.memory_space<hbm>>
        %dma_wait3A_412 = tpu.memref_slice %arg6[%add3A_400, %mul3A_408] : memref<10000x256xf32, #tpu.memory_space<hbm>> -> memref<125x64xf32, #tpu.memory_space<hbm>>
        tpu.wait_dma2 semaphore(%run_scoped3A : memref<!tpu.dma_semaphore, #tpu.memory_space<semaphore_mem>>) src(%arg14 : memref<125x64xf32, #tpu.memory_space<vmem>>) dst(%dma_wait3A_412 : memref<125x64xf32, #tpu.memory_space<hbm>>)
        tpu.yield
      }) : () -> ()
    }
    %scan3A_394 = arith.constant 5 : i32
    return
  }
}

</mosaic_0001>

<sc_bundles>
// kernel: kernel.3.cloned.1.call-start
scs
__scs_entry_jumppad:
0x0: {  	(pc) =	sbr.rel $0x88, $3  }
0x1: {  	(tag) =	ssettag $0x0;
	lr =	simm.s32 $0x1  }
0x2: {  	[smem:$0x3F9E] =	sst lr;
	_ =	strace $0xD0000000  }
0x3: {  	_ = 	snop  }
0x4: {  	_ = 	snop  }
0x5: {  	_ = 	snop  }
0x6: {  	_ = 	snop  }
0x7: {  	_ = 	snop  }
__scs_overlays_trampoline_lowered:
0x8: {  	[smem:$0x3FAD] =	sst s0  }
0x9: {  	[smem:$0x3FAE] =	sst s1  }
0xa: {  	[smem:$0x3FAF] =	sst s2  }
0xb: {  	[smem:$0x3FB0] =	sst s3  }
0xc: {  	[smem:$0x3FB1] =	sst s4  }
0xd: {  	[smem:$0x3FB2] =	sst s5  }
0xe: {  	[smem:$0x3FB3] =	sst s6  }
0xf: {  	[smem:$0x3FB4] =	sst s7  }
0x10: {  	[smem:$0x3FB5] =	sst s8  }
0x11: {  	[smem:$0x3FB6] =	sst s9;
	s0 =	simm.s32 @!p0 $0x0  }
0x12: {  	s1 =	sld [smem:$0x3F9C];
	s0 =	simm.s32 @p0 $0x1  }
0x13: {  	[smem:$0x3FB7] =	sst s0;
	s0 =	simm.s32 @!p1 $0x0  }
0x14: {  	s2 =	sld [smem:$0x3F9B];
	s0 =	simm.s32 @p1 $0x1  }
0x15: {  	[smem:$0x3FB8] =	sst s0;
	s0 =	simm.s32 @!p2 $0x0  }
0x16: {  	s3 =	sld [smem:$0x3FDB];
	s0 =	simm.s32 @p2 $0x1  }
0x17: {  	s4 =	simm.s32 $0x1BF5;
	[smem:$0x3FBA] =	sst s0  }
0x18: {  	s0 =	sld [smem:$0x3F9D];
	_ =	swait.ge [sflag:s4], $0x0  }
0x19: {  	s7 =	sld [smem:$0x3F9E]  }
0x1a: {  	s8 =	sadd.s32 $0xFFFFE003, lr  }
0x1b: {  	s9 =	sadd.s32 $0xFFFFFEF7, lr;
	s5 =	simm.s32 $0xFFFFFFFF;
	p2 =	slt.u32 s8, $0xFFFFF086  }
0x1c: {  	p1 =	slt.u32 s9, $0xF7A;
	s5 =	simm.s32 @!p2 $0x0  }
0x1d: {  	s5 =	simm.s32 @p1 $0x1;
	p0 =	seq.s32 s7, s2  }
0x1e: {  	s7 =	smul.u32 @!p0 $0xF7A, s2;
	p2 =	seq.s32 @!p0 s5, $0x0  }
0x1f: {  	s9 =	smul.u32 $0xF7A, s1;
	s8 =	simm.s32 @!p0 $0x1BF5;
	p2 =	por !p2, p0  }
0x20: {  	[sflag:s8] =	ssyncset.s32 @!p0 $0xFFFFF086;
	s6 =	sadd.s32 @!p0 s3, s7;
	s7 =	simm.s32 @!p0 $0x108  }
0x21: {  	s3 =	sadd.s32 s3, s9;
	s6 =	sadd.s32 @!p0 $0x88, s6;
	s7 =	simm.s32 @p2 $0x1082  }
0x22: {  	[simem:s7], [sflag:s8] =	dma.local @!p0 [hbm:s6], $0xF7A  }
0x23: {  	s9 =	sor.u32 $0xD0000000, s2;
	s6 =	simm.s32 $0x108;
	_ =	swait.ge @!p0 [sflag:s8], $0x0  }
0x24: {  	s3 =	sadd.s32 $0x88, s3;
	s6 =	simm.s32 @!p1 $0x1082;
	[sflag:s4] =	ssyncset.s32 $0xFFFFF086  }
0x25: {  	[simem:s6], [sflag:s4] =	dma.local [hbm:s3], $0xF7A  }
0x26: {  	[smem:$0x3F9E] =	sst s1;
	(tag) =	ssettag s2;
	_ =	strace s9  }
0x27: {  	s1 =	sld [smem:$0x3FAE]  }
0x28: {  	s2 =	sld [smem:$0x3FAF]  }
0x29: {  	s4 =	sld [smem:$0x3FB1]  }
0x2a: {  	p0 =	seq.s32 s5, $0x0;
	s5 =	sld [smem:$0x3FB2]  }
0x2b: {  	s6 =	sld [smem:$0x3FB3]  }
0x2c: {  	s7 =	sld [smem:$0x3FB4]  }
0x2d: {  	s3 =	simm.s32 $0x108;
	s8 =	sld [smem:$0x3FB5]  }
0x2e: {  	s3 =	simm.s32 @!p0 $0x1082;
	s9 =	sld [smem:$0x3FB6]  }
0x2f: {  	lr =	sadd.s32 s0, s3;
	s0 =	sld [smem:$0x3FAD]  }
0x30: {  	s3 =	sld [smem:$0x3FB0]  }
0x31: {  	[smem:$0x3FB9] =	sst s10  }
0x32: {  	s10 =	sld [smem:$0x3FB7];
	_ =	sdelay $0x3  }
0x33: {  	p0 =	seq.s32 s10, $0x1;
	s10 =	sld [smem:$0x3FB9];
	_ =	sdelay $0x3  }
0x34: {  	[smem:$0x3FB9] =	sst s10  }
0x35: {  	s10 =	sld [smem:$0x3FB8];
	_ =	sdelay $0x3  }
0x36: {  	p1 =	seq.s32 s10, $0x1;
	s10 =	sld [smem:$0x3FB9];
	_ =	sdelay $0x3  }
0x37: {  	[smem:$0x3FB9] =	sst s10  }
0x38: {  	s10 =	sld [smem:$0x3FBA]  }
0x39: {  	_ = 	snop;
	(pc) =	sbr.ind lr, $3  }
0x3a: {  	_ = 	snop  }
0x3b: {  	_ = 	snop  }
0x3c: {  	p2 =	seq.s32 s10, $0x1;
	s10 =	sld [smem:$0x3FB9]  }
0x3d: {  	_ =	shalt  }
0x3e: {  	_ =	shalt  }
0x3f: {  	_ =	shalt  }
0x40: {  	_ =	shalt  }
0x41: {  	_ =	shalt  }
0x42: {  	_ =	shalt  }
0x43: {  	_ =	shalt  }
0x44: {  	_ =	shalt  }
0x45: {  	_ =	shalt  }
0x46: {  	_ =	shalt  }
0x47: {  	_ =	shalt  }
0x48: {  	_ =	shalt  }
0x49: {  	_ =	shalt  }
0x4a: {  	_ =	shalt  }
0x4b: {  	_ =	shalt  }
0x4c: {  	_ =	shalt  }
0x4d: {  	_ =	shalt  }
0x4e: {  	_ =	shalt  }
0x4f: {  	_ =	shalt  }
0x50: {  	_ =	shalt  }
0x51: {  	_ =	shalt  }
0x52: {  	_ =	shalt  }
0x53: {  	_ =	shalt  }
0x54: {  	_ =	shalt  }
0x55: {  	_ =	shalt  }
0x56: {  	_ =	shalt  }
0x57: {  	_ =	shalt  }
0x58: {  	_ =	shalt  }
0x59: {  	_ =	shalt  }
0x5a: {  	_ =	shalt  }
0x5b: {  	_ =	shalt  }
0x5c: {  	_ =	shalt  }
0x5d: {  	_ =	shalt  }
0x5e: {  	_ =	shalt  }
0x5f: {  	_ =	shalt  }
0x60: {  	_ =	shalt  }
0x61: {  	_ =	shalt  }
0x62: {  	_ =	shalt  }
0x63: {  	_ =	shalt  }
0x64: {  	_ =	shalt  }
0x65: {  	_ =	shalt  }
0x66: {  	_ =	shalt  }
0x67: {  	_ =	shalt  }
0x68: {  	_ =	shalt  }
0x69: {  	_ =	shalt  }
0x6a: {  	_ =	shalt  }
0x6b: {  	_ =	shalt  }
0x6c: {  	_ =	shalt  }
0x6d: {  	_ =	shalt  }
0x6e: {  	_ =	shalt  }
0x6f: {  	_ =	shalt  }
0x70: {  	_ =	shalt  }
0x71: {  	_ =	shalt  }
0x72: {  	_ =	shalt  }
0x73: {  	_ =	shalt  }
0x74: {  	_ =	shalt  }
0x75: {  	_ =	shalt  }
0x76: {  	_ =	shalt  }
0x77: {  	_ =	shalt  }
0x78: {  	_ =	shalt  }
0x79: {  	_ =	shalt  }
0x7a: {  	_ =	shalt  }
0x7b: {  	_ =	shalt  }
0x7c: {  	_ =	shalt  }
0x7d: {  	_ =	shalt  }
0x7e: {  	_ =	shalt  }
0x7f: {  	_ =	shalt  }
0x80: {  	_ =	shalt  }
0x81: {  	_ =	shalt  }
0x82: {  	_ =	shalt  }
0x83: {  	_ =	shalt  }
0x84: {  	_ =	shalt  }
0x85: {  	_ =	shalt  }
0x86: {  	_ =	shalt  }
0x87: {  	_ =	shalt  }
.Lfunc_end0:
.L_simem_size_0:
called_computation_lowered:
.L_overlay_start_0:
0x88: {  	s2 =	sld [smem:$0x3FD9]  }
0x89: {  	s3 =	sld [smem:$0x3FFE];
	_ =	sdelay $0x1  }
0x8a: {  	s1 =	srdreg.scid  }
0x8b: {  	s0 =	sand.u32 $0x1, s1  }
0x8c: {  	s17 =	sshll.u32 s0, $0xA;
	s2 =	sadd.s32 s3, s2  }
0x8d: {  	s2 =	sadd.s32 s2, s17  }
0x8e: {  	[smem:$0x3FC5] =	sst s2  }
0x8f: {  	_ = 	snop  }
0x90: {  	s2 =	sld [smem:$0x3FC7]  }
0x91: {  	s18 =	sld [smem:$0x3FD0];
	(tm) =	ssettm $0x1  }
0x92: {  	s4 =	sld [smem:$0x3FFB];
	_ =	sdelay $0x3  }
0x93: {  	_ =	strace s4  }
0x94: {  	s4 =	sld [smem:$0x3FFC];
	_ =	sdelay $0x3  }
0x95: {  	_ =	strace s4  }
0x96: {  	s4 =	sld [smem:$0x3FFD];
	_ =	sdelay $0x3  }
0x97: {  	_ =	strace s4  }
0x98: {  	_ =	strace $0x8FFFFFFF  }
0x99: {  	s19 =	sld [smem:$0x3FDB];
	_ =	sdelay $0x1  }
0x9a: {  	s5 =	simm.s32 $_scs_section_size  }
0x9b: {  	s6 =	simm.s32 $_size__tile_overlayer_lowered;
	s7 =	simm.s32 $_tile_overlayer_lowered  }
0x9c: {  	s22 =	simm.s32 $0x1BFF;
	s21 =	sshll.u32 s7, $0x1;
	s4 =	sadd.s32 s5, s19  }
0x9d: {  	s8 =	simm.s32 $0x0;
	s20 =	sshll.u32 s6, $0x1;
	s6 =	sadd.s32 s21, s4  }
0x9e: {  	[timem:s8], [sflag:s22] =	dma.local [hbm:s6], s20  }
0x9f: {  	_ =	swait.ge [sflag:s22], s20  }
0xa0: {  	s5 =	ssub.s32 $0x0, s20;
	[sflag:s22] =	ssyncset.done $0x0  }
0xa1: {  	[sflag:s22] =	ssyncadd.s32 s5;
	_ =	sdelay $0x1  }
0xa2: {  	s23 =	simm.s32 $0x1B8B  }
0xa3: {  	_ =	swait.ge [sflag:s23], $0x1  }
0xa4: {  	[sflag:s23] =	ssyncset.done $0x0  }
0xa5: {  	s25 =	simm.s32 $0x1B8E;
	s24 =	sld [smem:$0x3FFE];
	[sflag:s23] =	ssyncadd.s32 $0xFFFFFFFF  }
0xa6: {  	s26 =	simm.s32 $execute0_lowered;
	[smem:$0x3FD2] =	sst s25  }
0xa7: {  	s6 =	sshll.u32 s26, $0x1;
	_ =	strace $0x80000046;
	[dreg:$0x1] =	wrdreg $0xFFFFFFFF  }
0xa8: {  	s28 =	simm.s32 $_size_execute0_lowered;
	s4 =	sadd.s32 s4, s6;
	[dreg:$0x0] =	wrdreg $0x0  }
0xa9: {  	s6 =	sshll.u32 s28, $0x1;
	[dreg:$0x2] =	wrdreg s4  }
0xaa: {  	[dreg:$0x3] =	wrdreg s6  }
0xab: {  	[dreg:$0x4] =	wrdreg $0xC0  }
0xac: {  	_ =	task [dreg:s8], $0x5FFFF  }
0xad: {  	[dreg:$0x1] =	wrdreg $0xFFFFFFFF  }
0xae: {  	[dreg:$0x0] =	wrdreg $0x60  }
0xaf: {  	[dreg:$0x2] =	wrdreg s18  }
0xb0: {  	[dreg:$0x3] =	wrdreg s24  }
0xb1: {  	[dreg:$0x4] =	wrdreg s2  }
0xb2: {  	[dreg:$0x5] =	wrdreg $0xC2900  }
0xb3: {  	[dreg:$0x6] =	wrdreg $0x17E100  }
0xb4: {  	[dreg:$0x7] =	wrdreg $0xE1D00  }
0xb5: {  	[dreg:$0x8] =	wrdreg $0x185E00  }
0xb6: {  	[dreg:$0x9] =	wrdreg $0x9  }
0xb7: {  	_ =	task.clear_ibuf [dreg:s8], $0xAFFFF;
	_ =	strace $0x90000046  }
0xb8: {  	s29 =	simm.s32 $0x9;
	_ =	strace $0x80000048  }
0xb9: {  	_ =	swait.ge [sflag:s29], $0x1  }
0xba: {  	[sflag:s29] =	ssyncadd.s32 $0xFFFFFFFF  }
0xbb: {  	_ =	strace $0x90000048  }
0xbc: {  	_ =	sfence  }
0xbd: {  	s30 =	sld [smem:$0x0];
	_ =	sdelay $0x2  }
0xbe: {  	s31 =	sshll.u32 s1, $0xD;
	s1 =	sshrl.u32 s1, $0x2  }
0xbf: {  	s3 =	sand.u32 $0x4000, s31;
	s1 =	sadd.s32 s1, s30  }
0xc0: {  	s0 =	sor.u32 s3, s0;
	s1 =	sshll.u32 s1, $0x11  }
0xc1: {  	s0 =	sor.u32 s1, s0  }
0xc2: {  	s0 =	sadd.s32 $0x8F2B, s0  }
0xc3: {  	[sflag:s0] =	ssyncadd.remote.s32 $0x1  }
0xc4: {  	_ =	sfence.sel $0xFFFF  }
0xc5: {  	[dreg:$0x0] =	wrdreg $0xFFFFFFFF;
	(pc) =	sbr.abs _section_cstart, $3  }
0xc6: {  	[dreg:$0x1] =	wrdreg $0xFFFFFFFF  }
0xc7: {  	_ =	task.clear_ibuf [dreg:s8], $0x2FFFF;
	_ =	strace $0x9FFFFFFF  }
0xc8: {  	(tm) =	ssettm $0x7FFFFFFF  }
0xc9: {  	_ =	shalt  }
tec
execute0_lowered:
.L_overlay_start_1:
0x0: {  	(tag) =	ssettag $0x1  }
0x1: {  	s0 =	rddreg [dreg:$0x0]  }
0x2: {  	s1 =	rddreg [dreg:$0x1]  }
0x3: {  	s5 =	rddreg [dreg:$0x2]  }
0x4: {  	s2 =	rddreg [dreg:$0x3]  }
0x5: {  	s3 =	rddreg [dreg:$0x4]  }
0x6: {  	s4 =	rddreg [dreg:$0x5];
	s12 =	stileid.u32  }
0x7: {  	s6 =	rddreg [dreg:$0x6];
	s9 =	smul.u32 $0x4E2, s12  }
0x8: {  	s7 =	srdreg.scid;
	s11 =	smul.u32 $0x7D00, s12  }
0x9: {  	s28 =	simm.s32 $0x0;
	s29 =	simm.s32 $0x6;
	s19 =	smul.u32 $0x1F40, s12  }
0xa: {  	s31 =	simm.s32 $0x50;
	s7 =	sand.u32 $0x1, s7;
	s21 =	smul.u32 $0x27100, s12  }
0xb: {  	[smem:$0x7FF] =	sst s28;
	s14 =	sadd.s32 $0xA000, s1;
	s23 =	smul.u32 $0x9C40, s12  }
0xc: {  	s12 =	smul.u32 $0x271, s12;
	s8 =	ssub.s32 $0x2, s7;
	_ =	strace $0x80000047  }
0xd: {  	s17 =	sshll.u32 s7, $0x4;
	s10 =	sshrl.u32 s8, $0x1;
	s15 =	sadd.s32 s1, s9  }
0xe: {  	s18 =	sshrl.u32 s11, $0x2;
	s5 =	sadd.s32 s5, s17;
	s20 =	sshrl.u32 s19, $0x2  }
0xf: {  	s13 =	sadd.s32 s14, s17;
	s25 =	sshrl.u32 s21, $0x2;
	s26 =	sshrl.u32 s23, $0x2  }
0x10: {  	s16 =	sadd.s32 $0xFA, s12;
	s19 =	sadd.s32 $0x177, s12;
	s21 =	sadd.s32 $0x1F4, s12  }
0x11: {  	s8 =	ssub.s32 s8, s10;
	[dreg:$0x9] =	wrdreg s5;
	s5 =	sshll.u32 s7, $0x1  }
0x12: {  	s30 =	sadd.s32 s18, s2;
	s7 =	sshllo.u32 s7, $0x1;
	s9 =	sadd.s32 s20, s3  }
0x13: {  	s1 =	sadd.s32 s25, s4;
	s10 =	sadd.s32 $0x7D, s12;
	s17 =	sshll.u32 s16, $0x6  }
0x14: {  	s18 =	sshll.u32 s16, $0x4;
	s20 =	sshll.u32 s19, $0x6;
	[dreg:$0x8] =	wrdreg s15  }
0x15: {  	s23 =	sshll.u32 s21, $0x6;
	s25 =	sshll.u32 s21, $0x4;
	[dreg:$0xb] =	wrdreg s9  }
0x16: {  	s21 =	simm.s32 $0x5;
	s22 =	sshll.u32 s7, $0x3;
	[dreg:$0xd] =	wrdreg s1  }
0x17: {  	s24 =	smax.u32 s8, $0x1;
	s9 =	sadd.s32 s26, s6;
	[dreg:$0xa] =	wrdreg s30  }
0x18: {  	s11 =	sshll.u32 s10, $0x6;
	s1 =	sshll.u32 s10, $0x4;
	[dreg:$0xc] =	wrdreg s24  }
0x19: {  	s26 =	sadd.s32 $0x5000, s15;
	v1 =	vmov s7;
	s7 =	simm.s32 $0x0;
	[dreg:$0xe] =	wrdreg s9  }
0x1a: {  	s14 =	sadd.s32 s14, s22;
	s8 =	sadd.s32 s11, s4;
	[dreg:$0x17] =	wrdreg s26  }
0x1b: {  	s1 =	sadd.s32 s1, s6;
	s22 =	sshll.u32 s19, $0x4;
	[dreg:$0xf] =	wrdreg s8  }
0x1c: {  	s24 =	sadd.s32 s23, s4;
	s19 =	simm.s32 $0x76C0;
	[dreg:$0x10] =	wrdreg s1  }
0x1d: {  	s9 =	simm.s32 $0x1;
	s1 =	sadd.s32 s17, s4;
	[dreg:$0x15] =	wrdreg s24  }
0x1e: {  	s23 =	simm.s32 $0x40;
	[dreg:$0x11] =	wrdreg s1;
	s1 =	sadd.s32 s18, s6  }
0x1f: {  	s26 =	simm.s32 $0xA2D0;
	[dreg:$0x12] =	wrdreg s1;
	s1 =	sadd.s32 s20, s4  }
0x20: {  	s24 =	simm.s32 $0x4F10;
	[dreg:$0x13] =	wrdreg s1;
	s1 =	sadd.s32 s22, s6  }
0x21: {  	s22 =	simm.s32 $0x2800;
	[dreg:$0x14] =	wrdreg s1;
	s1 =	sadd.s32 s25, s6  }
0x22: {  	v2 =	vimm.f32 $1.000000000e+00;
	v3 =	vimm.f32 $0.0e+00;
	v0 =	vmov s5;
	s25 =	simm.s32 $0x100;
	[dreg:$0x16] =	wrdreg s1;
	s1 =	simm.s32 $0x7BC0  }
.LBB2_1:
0x23: {  	[dreg:$0x18] =	wrdreg s7  }
0x24: {  	s5 =	rddreg [dreg:$0x17]  }
0x25: {  	[tilespmem:s22], [sflag:$0x6] =	stream.linear.gather [hbm4b:s5+s28], $0x2710, $0x38;
	[tilespmem:$0x1ACF0] =	vst v63  }
0x26: {  	_ =	swait.ge [sflag:s29], $0x2710  }
0x27: {  	[sflag:s29] =	ssyncset.done $0x0  }
0x28: {  	s17 =	rddreg [dreg:$0x8];
	[sflag:s29] =	ssyncadd.s32 $0xFFFFD8F0  }
0x29: {  	[tilespmem:s24], [sflag:$0x6] =	stream.linear.gather [hbm4b:s17+s28], $0x2710, $0x38;
	[tilespmem:$0x1ACF0] =	vst v63  }
0x2a: {  	_ =	swait.ge [sflag:s29], $0x2710  }
0x2b: {  	[sflag:s29] =	ssyncset.done $0x0  }
0x2c: {  	s20 =	simm.s32 $0xC210;
	s18 =	rddreg [dreg:$0x9];
	[sflag:s29] =	ssyncadd.s32 $0xFFFFD8F0  }
0x2d: {  	[tilespmem:s20], [sflag:$0x6] =	stream.linear.gather [hbm4b:s18+s28], $0x80, $0x38;
	[tilespmem:$0x1ACF0] =	vst v63  }
0x2e: {  	_ =	swait.ge [sflag:s29], $0x80  }
0x2f: {  	[sflag:s29] =	ssyncset.done $0x0  }
0x30: {  	s7 =	simm.s32 $0x0;
	s5 =	simm.s32 $0x40;
	[sflag:s29] =	ssyncadd.s32 $0xFFFFFF80  }
.LBB2_2:
0x31: {  	p0 =	sne.s32 s5, $0x13C0;
	[tilespmem:s7+$0x76C0] =	vst v2;
	s7 =	smov.u32 s5;
	s5 =	sadd.s32 $0x40, s5  }
.Ltmp0:
0x32: {  	(pc) =	sbr.rel @p0 .LBB2_2-.Ltmp0, $2  }
0x33: {  	_ =	sdelay $0x2  }
0x34: {  	s7 =	sshra.s32 s7, $0x2  }
0x35: {  	[tilespmem:s7+$0x76C0] =	vst v2;
	s5 =	simm.s32 $0x40;
	s7 =	simm.s32 $0x0  }
.LBB2_4:
0x36: {  	p0 =	sne.s32 s5, $0x1F00;
	[tilespmem:s7+$0x9B00] =	vst v3;
	s7 =	smov.u32 s5;
	s5 =	sadd.s32 $0x40, s5  }
.Ltmp1:
0x37: {  	(pc) =	sbr.rel @p0 .LBB2_4-.Ltmp1, $2  }
0x38: {  	_ =	sdelay $0x2  }
0x39: {  	s7 =	sshra.s32 s7, $0x2  }
0x3a: {  	[tilespmem:s7+$0x9B00] =	vst v3;
	s7 =	simm.s32 $0x100;
	s5 =	simm.s32 $0x0  }
.LBB2_6:
0x3b: {  	p0 =	sne.s32 s7, $0x7C00;
	[tilespmem:s5+$0x7BF0] =	vst v3;
	s8 =	smov.u32 s7;
	s7 =	sadd.s32 $0x100, s7  }
.Ltmp2:
0x3c: {  	[tilespmem:s5+$0x7BE0] =	vst v3;
	(pc) =	sbr.rel @p0 .LBB2_6-.Ltmp2, $3  }
0x3d: {  	[tilespmem:s5+$0x7BC0] =	vst v3  }
0x3e: {  	[tilespmem:s5+$0x7BD0] =	vst v3;
	_ =	sdelay $0x1  }
0x3f: {  	s5 =	sshra.s32 s8, $0x2  }
0x40: {  	[tilespmem:s5+$0x7BF0] =	vst v3  }
0x41: {  	[tilespmem:s5+$0x7BE0] =	vst v3  }
0x42: {  	[tilespmem:s5+$0x7BC0] =	vst v3  }
0x43: {  	[tilespmem:s5+$0x7BD0] =	vst v3  }
0x44: {  	[spmem:s30] =	stream.linear.scatter [tilespmem:s1], [sflag:$0x6], $0x1F40, $0x38;
	[tilespmem:$0x1ACF0] =	vst v63  }
0x45: {  	_ =	swait.ge [sflag:s29], $0x1F40  }
0x46: {  	[sflag:s29] =	ssyncset.done $0x0  }
0x47: {  	s7 =	simm.s32 $0x9B00;
	s16 =	rddreg [dreg:$0xb];
	[sflag:s29] =	ssyncadd.s32 $0xFFFFE0C0  }
0x48: {  	[spmem:s16] =	stream.linear.scatter [tilespmem:s7], [sflag:$0x6], $0x7D0, $0x38;
	[tilespmem:$0x1ACF0] =	vst v63  }
0x49: {  	_ =	swait.ge [sflag:s29], $0x7D0  }
0x4a: {  	[sflag:s29] =	ssyncset.done $0x0  }
0x4b: {  	s17 =	rddreg [dreg:$0xd];
	[sflag:s29] =	ssyncadd.s32 $0xFFFFF830  }
0x4c: {  	[spmem:s17] =	stream.linear.scatter [tilespmem:s1], [sflag:$0x6], $0x1F40, $0x38;
	[tilespmem:$0x1ACF0] =	vst v63  }
0x4d: {  	_ =	swait.ge [sflag:s29], $0x1F40  }
0x4e: {  	[sflag:s29] =	ssyncset.done $0x0  }
0x4f: {  	s18 =	rddreg [dreg:$0xe];
	[sflag:s29] =	ssyncadd.s32 $0xFFFFE0C0  }
0x50: {  	[spmem:s18] =	stream.linear.scatter [tilespmem:s7], [sflag:$0x6], $0x7D0, $0x38;
	[tilespmem:$0x1ACF0] =	vst v63  }
0x51: {  	_ =	swait.ge [sflag:s29], $0x7D0  }
0x52: {  	[sflag:s29] =	ssyncset.done $0x0  }
0x53: {  	s20 =	rddreg [dreg:$0xf];
	[sflag:s29] =	ssyncadd.s32 $0xFFFFF830  }
0x54: {  	[spmem:s20] =	stream.linear.scatter [tilespmem:s1], [sflag:$0x6], $0x1F40, $0x38;
	[tilespmem:$0x1ACF0] =	vst v63  }
0x55: {  	_ =	swait.ge [sflag:s29], $0x1F40  }
0x56: {  	[sflag:s29] =	ssyncset.done $0x0  }
0x57: {  	s30 =	rddreg [dreg:$0x10];
	[sflag:s29] =	ssyncadd.s32 $0xFFFFE0C0  }
0x58: {  	[spmem:s30] =	stream.linear.scatter [tilespmem:s7], [sflag:$0x6], $0x7D0, $0x38;
	[tilespmem:$0x1ACF0] =	vst v63  }
0x59: {  	_ =	swait.ge [sflag:s29], $0x7D0  }
0x5a: {  	[sflag:s29] =	ssyncset.done $0x0  }
0x5b: {  	s8 =	rddreg [dreg:$0x11];
	[sflag:s29] =	ssyncadd.s32 $0xFFFFF830  }
0x5c: {  	[spmem:s8] =	stream.linear.scatter [tilespmem:s1], [sflag:$0x6], $0x1F40, $0x38;
	[tilespmem:$0x1ACF0] =	vst v63  }
0x5d: {  	_ =	swait.ge [sflag:s29], $0x1F40  }
0x5e: {  	[sflag:s29] =	ssyncset.done $0x0  }
0x5f: {  	s10 =	rddreg [dreg:$0x12];
	[sflag:s29] =	ssyncadd.s32 $0xFFFFE0C0  }
0x60: {  	[spmem:s10] =	stream.linear.scatter [tilespmem:s7], [sflag:$0x6], $0x7D0, $0x38;
	[tilespmem:$0x1ACF0] =	vst v63  }
0x61: {  	_ =	swait.ge [sflag:s29], $0x7D0  }
0x62: {  	[sflag:s29] =	ssyncset.done $0x0  }
0x63: {  	s11 =	rddreg [dreg:$0x13];
	[sflag:s29] =	ssyncadd.s32 $0xFFFFF830  }
0x64: {  	[spmem:s11] =	stream.linear.scatter [tilespmem:s1], [sflag:$0x6], $0x1F40, $0x38;
	[tilespmem:$0x1ACF0] =	vst v63  }
0x65: {  	_ =	swait.ge [sflag:s29], $0x1F40  }
0x66: {  	[sflag:s29] =	ssyncset.done $0x0  }
0x67: {  	s15 =	rddreg [dreg:$0x14];
	[sflag:s29] =	ssyncadd.s32 $0xFFFFE0C0  }
0x68: {  	[spmem:s15] =	stream.linear.scatter [tilespmem:s7], [sflag:$0x6], $0x7D0, $0x38;
	[tilespmem:$0x1ACF0] =	vst v63  }
0x69: {  	_ =	swait.ge [sflag:s29], $0x7D0  }
0x6a: {  	[sflag:s29] =	ssyncset.done $0x0  }
0x6b: {  	s16 =	rddreg [dreg:$0x15];
	[sflag:s29] =	ssyncadd.s32 $0xFFFFF830  }
0x6c: {  	[spmem:s16] =	stream.linear.scatter [tilespmem:s1], [sflag:$0x6], $0x1F40, $0x38;
	[tilespmem:$0x1ACF0] =	vst v63  }
0x6d: {  	_ =	swait.ge [sflag:s29], $0x1F40  }
0x6e: {  	[sflag:s29] =	ssyncset.done $0x0  }
0x6f: {  	s17 =	rddreg [dreg:$0x16];
	[sflag:s29] =	ssyncadd.s32 $0xFFFFE0C0  }
0x70: {  	[spmem:s17] =	stream.linear.scatter [tilespmem:s7], [sflag:$0x6], $0x7D0, $0x38;
	[tilespmem:$0x1ACF0] =	vst v63  }
0x71: {  	_ =	swait.ge [sflag:s29], $0x7D0  }
0x72: {  	[sflag:s29] =	ssyncset.done $0x0  }
0x73: {  	[sflag:s29] =	ssyncadd.s32 $0xFFFFF830  }
0x74: {  	[bflag:$0x0] =	sbarrier.arrive $0xFFFF  }
0x75: {  	v4 =	vld [tilespmem:$0x2800]  }
0x76: {  	v5 =	vld [tilespmem:$0x2810]  }
0x77: {  	v6 =	vld [tilespmem:$0x2820]  }
0x78: {  	v7 =	vld [tilespmem:$0x2830]  }
0x79: {  	v8 =	vld [tilespmem:$0x2840]  }
0x7a: {  	v4 =	vshll.u32 v4, $0x2  }
0x7b: {  	v5 =	vshll.u32 v5, $0x2;
	v4 =	vor.u32 v0, v4  }
0x7c: {  	[tilespmem:$0x7620] =	vst v4;
	v4 =	vor.u32 v0, v5;
	v5 =	vshll.u32 v6, $0x2  }
0x7d: {  	[tilespmem:$0x7630] =	vst v4;
	v4 =	vor.u32 v0, v5;
	v5 =	vshll.u32 v7, $0x2  }
0x7e: {  	[tilespmem:$0x7640] =	vst v4;
	v4 =	vor.u32 v0, v5;
	v5 =	vshll.u32 v8, $0x2  }
0x7f: {  	[tilespmem:$0x7650] =	vst v4;
	v4 =	vor.u32 v0, v5  }
0x80: {  	s18 =	simm.s32 $0x7620;
	[tilespmem:$0x7660] =	vst v4  }
0x81: {  	[tilespmem:s28], [sflag:$0x1] =	stream.indirect.gather [hbm4b:s0+s31], $0x40, s18, s31, $0xb8;
	[tilespmem:$0x1ACF0] =	vst v63  }
0x82: {  	v4 =	vld [tilespmem:$0x2850]  }
0x83: {  	v5 =	vld [tilespmem:$0x2860]  }
0x84: {  	v61 =	vld [tilespmem:$0x2870]  }
0x85: {  	v62 =	vld [tilespmem:$0x2880]  }
0x86: {  	v63 =	vld [tilespmem:$0x2890]  }
0x87: {  	v4 =	vshll.u32 v4, $0x2  }
0x88: {  	v5 =	vshll.u32 v5, $0x2;
	v4 =	vor.u32 v0, v4  }
0x89: {  	[tilespmem:$0x7670] =	vst v4;
	v4 =	vor.u32 v0, v5;
	v5 =	vshll.u32 v61, $0x2  }
0x8a: {  	[tilespmem:$0x7680] =	vst v4;
	v4 =	vor.u32 v0, v5;
	v5 =	vshll.u32 v62, $0x2  }
0x8b: {  	[tilespmem:$0x7690] =	vst v4;
	v4 =	vor.u32 v0, v5;
	v5 =	vshll.u32 v63, $0x2  }
0x8c: {  	[tilespmem:$0x76A0] =	vst v4;
	v4 =	vor.u32 v0, v5  }
0x8d: {  	s20 =	simm.s32 $0x7670;
	s30 =	simm.s32 $0x1400;
	[tilespmem:$0x76B0] =	vst v4  }
0x8e: {  	[tilespmem:s30], [sflag:$0x2] =	stream.indirect.gather [hbm4b:s0+s31], $0x40, s20, s31, $0xb8;
	[tilespmem:$0x1ACF0] =	vst v63  }
0x8f: {  	_ = 	snop  }
0x90: {  	[spmem:s6] =	stream.indirect.scatter.add.f32 [tilespmem:s19], [sflag:$0x5], $0x10, s22, s31, $0xb8;
	[tilespmem:$0x1ACF0] =	vst v63  }
0x91: {  	_ = 	snop  }
0x92: {  	[spmem:s3] =	stream.indirect.scatter.add.f32 [tilespmem:s19], [sflag:$0x5], $0x10, s24, s31, $0xb8;
	[tilespmem:$0x1ACF0] =	vst v63  }
0x93: {  	s8 =	simm.s32 $0x2;
	_ =	swait.ge [sflag:s9], $0x1400  }
0x94: {  	s5 =	sand.u32 $0x1, s8;
	[sflag:s9] =	ssyncset.done $0x0  }
0x95: {  	[sflag:s9] =	ssyncadd.s32 $0xFFFFEC00;
	s9 =	sadd.s32 $0x3, s5  }
0x96: {  	[spmem:s2] =	stream.indirect.scatter.add.f32 [tilespmem:s28], [sflag:$0x3], $0x40, s24, s31, $0xb8;
	[tilespmem:$0x1ACF0] =	vst v63  }
0x97: {  	_ =	swait.ge [sflag:s9], $0x1400  }
0x98: {  	[sflag:s9] =	ssyncset.done $0x0  }
0x99: {  	s8 =	simm.s32 $0x28E0;
	[sflag:s9] =	ssyncadd.s32 $0xFFFFEC00  }
0x9a: {  	v4 =	vld [tilespmem:s8+$0xFFFFFFC0];
	_ =	sdelay $0x3  }
0x9b: {  	s10 =	smul.u32 $0x140, s5  }
0x9c: {  	v4 =	vshll.u32 v4, $0x2  }
0x9d: {  	s7 =	sshrl.u32 s10, $0x2;
	v4 =	vor.u32 v0, v4  }
0x9e: {  	[tilespmem:s7+$0x7620] =	vst v4  }
0x9f: {  	v4 =	vld [tilespmem:s8+$0xFFFFFFD0];
	_ =	sdelay $0x4  }
0xa0: {  	v4 =	vshll.u32 v4, $0x2  }
0xa1: {  	v4 =	vor.u32 v0, v4  }
0xa2: {  	[tilespmem:s7+$0x7630] =	vst v4  }
0xa3: {  	v4 =	vld [tilespmem:s8+$0xFFFFFFE0];
	_ =	sdelay $0x4  }
0xa4: {  	v4 =	vshll.u32 v4, $0x2  }
0xa5: {  	v4 =	vor.u32 v0, v4  }
0xa6: {  	[tilespmem:s7+$0x7640] =	vst v4  }
0xa7: {  	v4 =	vld [tilespmem:s8+$0xFFFFFFF0];
	_ =	sdelay $0x4  }
0xa8: {  	v4 =	vshll.u32 v4, $0x2  }
0xa9: {  	v4 =	vor.u32 v0, v4  }
0xaa: {  	[tilespmem:s7+$0x7650] =	vst v4  }
0xab: {  	v4 =	vld [tilespmem:s8+$0x0];
	_ =	sdelay $0x2  }
0xac: {  	s11 =	smul.u32 $0x5000, s5;
	_ =	sdelay $0x1  }
0xad: {  	s16 =	sshrl.u32 s11, $0x2;
	s11 =	simm.s32 $0x4;
	s17 =	simm.s32 $0x4F60;
	v4 =	vshll.u32 v4, $0x2  }
0xae: {  	s15 =	sadd.s32 $0x7620, s7;
	s18 =	simm.s32 $0x1;
	s20 =	simm.s32 $0x3;
	v4 =	vor.u32 v0, v4  }
0xaf: {  	s22 =	simm.s32 $0x2850;
	s5 =	sadd.s32 $0x1, s5;
	s28 =	sand.u32 $0x1, s20;
	[tilespmem:s7+$0x7660] =	vst v4  }
0xb0: {  	[tilespmem:s16], [sflag:s5] =	stream.indirect.gather [hbm4b:s0+s31], $0x40, s15, s31, $0xb8;
	[tilespmem:$0x1ACF0] =	vst v63  }
0xb1: {  	s24 =	smul.u32 $0x140, s28;
	s10 =	sadd.s32 $0x3, s28;
	s5 =	sand.u32 $0x1, s18  }
0xb2: {  	[spmem:s6] =	stream.indirect.scatter.add.f32 [tilespmem:s19], [sflag:$0x5], $0x10, s22, s31, $0xb8;
	[tilespmem:$0x1ACF0] =	vst v63  }
0xb3: {  	s16 =	simm.s32 $0x2930;
	s30 =	smul.u32 $0x5000, s5;
	s7 =	sadd.s32 $0x1, s5  }
0xb4: {  	[spmem:s3] =	stream.indirect.scatter.add.f32 [tilespmem:s19], [sflag:$0x5], $0x10, s17, s31, $0xb8;
	[tilespmem:$0x1ACF0] =	vst v63  }
0xb5: {  	s18 =	simm.s32 $0x4FB0;
	s9 =	sadd.s32 $0x3, s5;
	_ =	swait.ge [sflag:s7], $0x1400  }
0xb6: {  	s22 =	smul.u32 $0x5000, s28;
	s8 =	sshrl.u32 s30, $0x2;
	[sflag:s7] =	ssyncset.done $0x0  }
.LBB2_8:
0xb7: {  	s5 =	sand.u32 $0x1, s11;
	[sflag:s7] =	ssyncadd.s32 $0xFFFFEC00  }
0xb8: {  	s30 =	smov.u32 s11;
	s15 =	sadd.s32 $0x1, s11;
	s7 =	smov.u32 s22  }
0xb9: {  	[spmem:s2] =	stream.indirect.scatter.add.f32 [tilespmem:s8], [sflag:s9], $0x40, s17, s31, $0xb8;
	[tilespmem:$0x1ACF0] =	vst v63  }
0xba: {  	p0 =	sne.s32 s11, $0x7C;
	s8 =	smul.u32 $0x140, s5;
	_ =	swait.ge [sflag:s10], $0x1400  }
0xbb: {  	s22 =	smul.u32 $0x5000, s5;
	s17 =	smov.u32 s18;
	[sflag:s10] =	ssyncset.done $0x0  }
0xbc: {  	[sflag:s10] =	ssyncadd.s32 $0xFFFFEC00  }
0xbd: {  	v4 =	vld [tilespmem:s16+$0xFFFFFFC0];
	_ =	sdelay $0x4  }
0xbe: {  	v4 =	vshll.u32 v4, $0x2  }
0xbf: {  	s9 =	sshrl.u32 s24, $0x2;
	s24 =	smov.u32 s8;
	v4 =	vor.u32 v0, v4  }
0xc0: {  	[tilespmem:s9+$0x7620] =	vst v4  }
0xc1: {  	v4 =	vld [tilespmem:s16+$0xFFFFFFD0];
	_ =	sdelay $0x4  }
0xc2: {  	v4 =	vshll.u32 v4, $0x2  }
0xc3: {  	v4 =	vor.u32 v0, v4  }
0xc4: {  	[tilespmem:s9+$0x7630] =	vst v4  }
0xc5: {  	v4 =	vld [tilespmem:s16+$0xFFFFFFE0];
	_ =	sdelay $0x4  }
0xc6: {  	v4 =	vshll.u32 v4, $0x2  }
0xc7: {  	v4 =	vor.u32 v0, v4  }
0xc8: {  	[tilespmem:s9+$0x7640] =	vst v4  }
0xc9: {  	v4 =	vld [tilespmem:s16+$0xFFFFFFF0];
	_ =	sdelay $0x4  }
0xca: {  	v4 =	vshll.u32 v4, $0x2  }
0xcb: {  	v4 =	vor.u32 v0, v4  }
0xcc: {  	[tilespmem:s9+$0x7650] =	vst v4  }
0xcd: {  	v4 =	vld [tilespmem:s16+$0x0];
	_ =	sdelay $0x4  }
0xce: {  	v4 =	vshll.u32 v4, $0x2  }
0xcf: {  	s7 =	sshrl.u32 s7, $0x2;
	v4 =	vor.u32 v0, v4  }
0xd0: {  	s11 =	smov.u32 s15;
	s8 =	sadd.s32 $0x7620, s9;
	[tilespmem:s9+$0x7660] =	vst v4;
	s9 =	sadd.s32 $0x1, s28  }
0xd1: {  	[tilespmem:s7], [sflag:s9] =	stream.indirect.gather [hbm4b:s0+s31], $0x40, s8, s31, $0xb8;
	[tilespmem:$0x1ACF0] =	vst v63  }
0xd2: {  	s28 =	smov.u32 s5;
	s7 =	sadd.s32 $0xFFFFFFFF, s20;
	s8 =	sadd.s32 $0xFFFFFF70, s16  }
0xd3: {  	[spmem:s6] =	stream.indirect.scatter.add.f32 [tilespmem:s19], [sflag:$0x5], $0x10, s8, s31, $0xb8;
	[tilespmem:$0x1ACF0] =	vst v63  }
.Ltmp3:
0xd4: {  	s20 =	smov.u32 s30;
	s5 =	sand.u32 $0x1, s7;
	(pc) =	sbr.rel @p0 .LBB2_8-.Ltmp3, $4  }
0xd5: {  	[spmem:s3] =	stream.indirect.scatter.add.f32 [tilespmem:s19], [sflag:$0x5], $0x10, s18, s31, $0xb8;
	[tilespmem:$0x1ACF0] =	vst v63  }
0xd6: {  	s16 =	sadd.s32 $0x50, s16;
	s8 =	smul.u32 $0x5000, s5;
	s7 =	sadd.s32 $0x1, s5  }
0xd7: {  	s10 =	sadd.s32 $0x3, s28;
	s18 =	sadd.s32 $0x50, s18;
	_ =	swait.ge [sflag:s7], $0x1400  }
0xd8: {  	s9 =	sadd.s32 $0x3, s5;
	s8 =	sshrl.u32 s8, $0x2;
	[sflag:s7] =	ssyncset.done $0x0  }
0xd9: {  	[sflag:s7] =	ssyncadd.s32 $0xFFFFEC00  }
0xda: {  	[spmem:s2] =	stream.indirect.scatter.add.f32 [tilespmem:s8], [sflag:s9], $0x40, s17, s31, $0xb8;
	[tilespmem:$0x1ACF0] =	vst v63  }
0xdb: {  	_ =	swait.ge [sflag:s10], $0x1400  }
0xdc: {  	[sflag:s10] =	ssyncset.done $0x0  }
0xdd: {  	[sflag:s10] =	ssyncadd.s32 $0xFFFFEC00  }
0xde: {  	v4 =	vld [tilespmem:s16+$0xFFFFFFC0];
	_ =	sdelay $0x4  }
0xdf: {  	v4 =	vshll.u32 v4, $0x2  }
0xe0: {  	s5 =	sshrl.u32 s24, $0x2;
	v4 =	vor.u32 v0, v4  }
0xe1: {  	[tilespmem:s5+$0x7620] =	vst v4  }
0xe2: {  	v4 =	vld [tilespmem:s16+$0xFFFFFFD0];
	_ =	sdelay $0x4  }
0xe3: {  	v4 =	vshll.u32 v4, $0x2  }
0xe4: {  	v4 =	vor.u32 v0, v4  }
0xe5: {  	[tilespmem:s5+$0x7630] =	vst v4  }
0xe6: {  	v4 =	vld [tilespmem:s16+$0xFFFFFFE0];
	_ =	sdelay $0x4  }
0xe7: {  	v4 =	vshll.u32 v4, $0x2  }
0xe8: {  	v4 =	vor.u32 v0, v4  }
0xe9: {  	[tilespmem:s5+$0x7640] =	vst v4  }
0xea: {  	v4 =	vld [tilespmem:s16+$0xFFFFFFF0];
	_ =	sdelay $0x4  }
0xeb: {  	v4 =	vshll.u32 v4, $0x2  }
0xec: {  	v4 =	vor.u32 v0, v4  }
0xed: {  	[tilespmem:s5+$0x7650] =	vst v4  }
0xee: {  	v4 =	vld [tilespmem:s16+$0x0];
	_ =	sdelay $0x4  }
0xef: {  	v4 =	vshll.u32 v4, $0x2  }
0xf0: {  	s11 =	sadd.s32 $0xFFFFFFFF, s20;
	v4 =	vor.u32 v0, v4  }
0xf1: {  	s8 =	sadd.s32 $0x7620, s5;
	s9 =	sshrl.u32 s22, $0x2;
	s10 =	sadd.s32 $0x1, s28;
	[tilespmem:s5+$0x7660] =	vst v4  }
0xf2: {  	[tilespmem:s9], [sflag:s10] =	stream.indirect.gather [hbm4b:s0+s31], $0x40, s8, s31, $0xb8;
	[tilespmem:$0x1ACF0] =	vst v63  }
0xf3: {  	s15 =	sadd.s32 $0xFFFFFF70, s16;
	s5 =	sand.u32 $0x1, s11  }
0xf4: {  	[spmem:s6] =	stream.indirect.scatter.add.f32 [tilespmem:s19], [sflag:$0x5], $0x10, s15, s31, $0xb8;
	[tilespmem:$0x1ACF0] =	vst v63  }
0xf5: {  	s17 =	sadd.s32 $0x1, s5  }
0xf6: {  	[spmem:s3] =	stream.indirect.scatter.add.f32 [tilespmem:s19], [sflag:$0x5], $0x10, s18, s31, $0xb8;
	[tilespmem:$0x1ACF0] =	vst v63  }
0xf7: {  	s20 =	smul.u32 $0x5000, s5;
	_ =	swait.ge [sflag:s17], $0x1400  }
0xf8: {  	[sflag:s17] =	ssyncset.done $0x0  }
0xf9: {  	s5 =	sadd.s32 $0x3, s5;
	s8 =	sshrl.u32 s20, $0x2;
	[sflag:s17] =	ssyncadd.s32 $0xFFFFEC00  }
0xfa: {  	[spmem:s2] =	stream.indirect.scatter.add.f32 [tilespmem:s8], [sflag:s5], $0x40, s18, s31, $0xb8;
	[tilespmem:$0x1ACF0] =	vst v63  }
0xfb: {  	_ =	swait.ge [sflag:s5], $0x1400  }
0xfc: {  	[sflag:s5] =	ssyncset.done $0x0  }
0xfd: {  	s22 =	sadd.s32 $0xFFFFFFC0, s16;
	[sflag:s5] =	ssyncadd.s32 $0xFFFFEC00  }
0xfe: {  	[spmem:s6] =	stream.indirect.scatter.add.f32 [tilespmem:s19], [sflag:$0x5], $0x10, s22, s31, $0xb8;
	[tilespmem:$0x1ACF0] =	vst v63  }
0xff: {  	s24 =	sadd.s32 $0x50, s18;
	s10 =	simm.s32 $0x1  }
0x100: {  	[spmem:s3] =	stream.indirect.scatter.add.f32 [tilespmem:s19], [sflag:$0x5], $0x10, s24, s31, $0xb8;
	[tilespmem:$0x1ACF0] =	vst v63  }
0x101: {  	_ =	swait.ge [sflag:s10], $0x1400  }
0x102: {  	[sflag:s10] =	ssyncset.done $0x0  }
0x103: {  	s30 =	simm.s32 $0x3;
	s28 =	simm.s32 $0x0;
	[sflag:s10] =	ssyncadd.s32 $0xFFFFEC00  }
0x104: {  	[spmem:s2] =	stream.indirect.scatter.add.f32 [tilespmem:s28], [sflag:$0x3], $0x40, s24, s31, $0xb8;
	[tilespmem:$0x1ACF0] =	vst v63  }
0x105: {  	_ =	swait.ge [sflag:s30], $0x1400  }
0x106: {  	[sflag:s30] =	ssyncset.done $0x0  }
0x107: {  	[sflag:s30] =	ssyncadd.s32 $0xFFFFEC00  }
0x108: {  	_ =	swait.ge [sflag:s21], $0x500  }
0x109: {  	[sflag:s21] =	ssyncset.done $0x0  }
0x10a: {  	[sflag:s21] =	ssyncadd.s32 $0xFFFFFB00  }
0x10b: {  	_ =	swait.ge [sflag:s21], $0x500  }
0x10c: {  	s5 =	simm.s32 $0x7C;
	[sflag:s21] =	ssyncset.done $0x0  }
.LBB2_10:
0x10d: {  	p0 =	sne.s32 s5, $0x1;
	s5 =	sadd.s32 $0xFFFFFFFF, s5;
	[sflag:s21] =	ssyncadd.s32 $0xFFFFFB00  }
.Ltmp4:
0x10e: {  	_ =	swait.ge [sflag:s21], $0x500;
	(pc) =	sbr.rel @p0 .LBB2_10-.Ltmp4, $4  }
0x10f: {  	[sflag:s21] =	ssyncset.done $0x0  }
0x110: {  	[sflag:s21] =	ssyncadd.s32 $0xFFFFFB00  }
0x111: {  	_ =	swait.ge [sflag:s21], $0x500  }
0x112: {  	[sflag:s21] =	ssyncset.done $0x0  }
0x113: {  	[sflag:s21] =	ssyncadd.s32 $0xFFFFFB00  }
0x114: {  	[bflag:$0x0] =	sbarrier.arrive $0xFFFF  }
0x115: {  	s30 =	rddreg [dreg:$0xa]  }
0x116: {  	[tilespmem:s1], [sflag:$0x6] =	stream.linear.gather [spmem:s30], $0x1F40, $0x38;
	[tilespmem:$0x1ACF0] =	vst v63  }
0x117: {  	_ =	swait.ge [sflag:s29], $0x1F40  }
0x118: {  	[sflag:s29] =	ssyncset.done $0x0  }
0x119: {  	s7 =	simm.s32 $0x9B00;
	s5 =	rddreg [dreg:$0xb];
	[sflag:s29] =	ssyncadd.s32 $0xFFFFE0C0  }
0x11a: {  	[tilespmem:s7], [sflag:$0x6] =	stream.linear.gather [spmem:s5], $0x7D0, $0x38;
	[tilespmem:$0x1ACF0] =	vst v63  }
0x11b: {  	_ =	swait.ge [sflag:s29], $0x7D0  }
0x11c: {  	[sflag:s29] =	ssyncset.done $0x0  }
0x11d: {  	s24 =	simm.s32 $0x0;
	[sflag:s29] =	ssyncadd.s32 $0xFFFFF830  }
0x11e: {  	v4 =	vld [tilespmem:s24+$0x9B00];
	_ =	sdelay $0x4  }
0x11f: {  	(erf) = vrcp.f32 v4;
	_ =	sdelay $0x4  }
0x120: {  	s5 =	simm.s32 $0x7BE0  }
0x121: {  	v5 =	vld [tilespmem:s5+$0xFFFFFFE0]  }
0x122: {  	v6 =	vld [tilespmem:s5+$0xFFFFFFF0]  }
0x123: {  	v7 =	vld [tilespmem:s5+$0x0]  }
0x124: {  	v8 =	vld [tilespmem:s5+$0x10];
	vm0 =	vgt.f32 v4, $0.0e+00;
	v4 =	vpop (erf)  }
0x125: {  	v4 =	vnsel vm0, $0x0, v4  }
0x126: {  	v5 =	vmul.f32 v4, v5  }
0x127: {  	v6 =	vmul.f32 v6, v4  }
0x128: {  	v7 =	vmul.f32 v7, v4;
	[tilespmem:s5+$0xFFFFFFE0] =	vst v5  }
0x129: {  	v4 =	vmul.f32 v8, v4;
	[tilespmem:s5+$0xFFFFFFF0] =	vst v6  }
0x12a: {  	s8 =	simm.s32 $0x10;
	[tilespmem:s5+$0x0] =	vst v7  }
0x12b: {  	s9 =	simm.s32 $0x2800;
	s22 =	simm.s32 $0x4F10;
	s7 =	simm.s32 $0x80;
	[tilespmem:s5+$0x10] =	vst v4  }
.LBB2_12:
0x12c: {  	p0 =	sne.s32 s7, $0x1F00;
	v4 =	vld [tilespmem:s8+$0x9B00];
	_ =	sdelay $0x4  }
0x12d: {  	(erf) = vrcp.f32 v4;
	_ =	sdelay $0x2  }
0x12e: {  	s5 =	sadd.s32 $0x40, s5  }
0x12f: {  	v5 =	vld [tilespmem:s5+$0xFFFFFFF0]  }
0x130: {  	v6 =	vld [tilespmem:s5+$0x10]  }
0x131: {  	v7 =	vld [tilespmem:s5+$0xFFFFFFE0]  }
0x132: {  	v8 =	vld [tilespmem:s5+$0x0];
	_ =	sdelay $0x1  }
0x133: {  	vm0 =	vgt.f32 v4, $0.0e+00;
	v4 =	vpop (erf)  }
0x134: {  	v4 =	vnsel vm0, $0x0, v4  }
0x135: {  	v7 =	vmul.f32 v4, v7;
	v5 =	vmul.f32 v5, v4  }
.Ltmp5:
0x136: {  	v8 =	vmul.f32 v8, v4;
	v4 =	vmul.f32 v6, v4;
	(pc) =	sbr.rel @p0 .LBB2_12-.Ltmp5, $4  }
0x137: {  	[tilespmem:s5+$0xFFFFFFE0] =	vst v7  }
0x138: {  	[tilespmem:s5+$0xFFFFFFF0] =	vst v5  }
0x139: {  	[tilespmem:s5+$0x0] =	vst v8  }
0x13a: {  	s8 =	sshra.s32 s7, $0x2;
	s7 =	sadd.s32 $0x40, s7;
	[tilespmem:s5+$0x10] =	vst v4  }
0x13b: {  	v4 =	vld [tilespmem:s8+$0x9B00];
	_ =	sdelay $0x4  }
0x13c: {  	(erf) = vrcp.f32 v4;
	_ =	sdelay $0x4  }
0x13d: {  	s5 =	sadd.s32 $0x40, s5  }
0x13e: {  	v5 =	vld [tilespmem:s5+$0xFFFFFFE0]  }
0x13f: {  	v6 =	vld [tilespmem:s5+$0xFFFFFFF0]  }
0x140: {  	v7 =	vld [tilespmem:s5+$0x0]  }
0x141: {  	v8 =	vld [tilespmem:s5+$0x10];
	vm0 =	vgt.f32 v4, $0.0e+00;
	v4 =	vpop (erf)  }
0x142: {  	v4 =	vnsel vm0, $0x0, v4  }
0x143: {  	v5 =	vmul.f32 v4, v5  }
0x144: {  	v6 =	vmul.f32 v6, v4  }
0x145: {  	v7 =	vmul.f32 v7, v4;
	[tilespmem:s5+$0xFFFFFFE0] =	vst v5  }
0x146: {  	v4 =	vmul.f32 v8, v4;
	[tilespmem:s5+$0xFFFFFFF0] =	vst v6  }
0x147: {  	[tilespmem:s5+$0x0] =	vst v7  }
0x148: {  	[tilespmem:s5+$0x10] =	vst v4  }
0x149: {  	[spmem:s30] =	stream.linear.scatter [tilespmem:s1], [sflag:$0x6], $0x1F40, $0x38;
	[tilespmem:$0x1ACF0] =	vst v63  }
0x14a: {  	_ =	swait.ge [sflag:s29], $0x1F40  }
0x14b: {  	[sflag:s29] =	ssyncset.done $0x0  }
0x14c: {  	[sflag:s29] =	ssyncadd.s32 $0xFFFFE0C0  }
0x14d: {  	[bflag:$0x0] =	sbarrier.arrive $0xFFFF  }
0x14e: {  	[tilespmem:s28], [sflag:$0x1] =	stream.indirect.gather [spmem:s2], $0x40, s22, s31, $0xb8;
	[tilespmem:$0x1ACF0] =	vst v63  }
0x14f: {  	s11 =	simm.s32 $0x1400;
	s7 =	simm.s32 $0x4F60;
	s15 =	simm.s32 $0x2  }
0x150: {  	[tilespmem:s11], [sflag:$0x2] =	stream.indirect.gather [spmem:s2], $0x40, s7, s31, $0xb8;
	[tilespmem:$0x1ACF0] =	vst v63  }
0x151: {  	s16 =	sand.u32 $0x1, s15;
	_ =	swait.ge [sflag:s10], $0x1400  }
0x152: {  	s20 =	simm.s32 $0x1;
	s17 =	sadd.s32 $0x3, s16;
	[sflag:s10] =	ssyncset.done $0x0  }
0x153: {  	s18 =	smul.u32 $0x5000, s16;
	s5 =	simm.s32 $0x4FB0;
	[sflag:s10] =	ssyncadd.s32 $0xFFFFEC00  }
0x154: {  	[spmem:s4] =	stream.indirect.scatter.add.f32 [tilespmem:s28], [sflag:$0x3], $0x40, s9, s31, $0xb8;
	[tilespmem:$0x1ACF0] =	vst v63  }
0x155: {  	s7 =	sadd.s32 $0x1, s16;
	s11 =	simm.s32 $0x3;
	_ =	swait.ge [sflag:s17], $0x1400  }
0x156: {  	s10 =	sand.u32 $0x1, s20;
	s9 =	sshrl.u32 s18, $0x2;
	[sflag:s17] =	ssyncset.done $0x0  }
0x157: {  	s24 =	smul.u32 $0x5000, s10;
	s8 =	sadd.s32 $0x1, s10;
	[sflag:s17] =	ssyncadd.s32 $0xFFFFEC00  }
0x158: {  	[tilespmem:s9], [sflag:s7] =	stream.indirect.gather [spmem:s2], $0x40, s5, s31, $0xb8;
	[tilespmem:$0x1ACF0] =	vst v63  }
0x159: {  	s16 =	sadd.s32 $0x3, s10;
	s10 =	simm.s32 $0x2850;
	_ =	swait.ge [sflag:s8], $0x1400  }
0x15a: {  	s15 =	sshrl.u32 s24, $0x2;
	s7 =	simm.s32 $0x2850;
	[sflag:s8] =	ssyncset.done $0x0  }
.LBB2_14:
0x15b: {  	[sflag:s8] =	ssyncadd.s32 $0xFFFFEC00  }
0x15c: {  	s7 =	sadd.s32 $0x50, s7;
	s5 =	sadd.s32 $0x50, s5;
	s8 =	smov.u32 s11  }
0x15d: {  	[spmem:s4] =	stream.indirect.scatter.add.f32 [tilespmem:s15], [sflag:s16], $0x40, s10, s31, $0xb8;
	[tilespmem:$0x1ACF0] =	vst v63  }
0x15e: {  	p0 =	sne.s32 s11, $0x7C;
	s11 =	sadd.s32 $0x1, s11;
	s9 =	sand.u32 $0x1, s8  }
0x15f: {  	s10 =	smov.u32 s7;
	s15 =	sadd.s32 $0x3, s9;
	s16 =	smul.u32 $0x5000, s9  }
0x160: {  	s8 =	sadd.s32 $0xFFFFFFFF, s8;
	_ =	swait.ge [sflag:s15], $0x1400  }
0x161: {  	s17 =	sand.u32 $0x1, s8;
	s16 =	sshrl.u32 s16, $0x2;
	[sflag:s15] =	ssyncset.done $0x0  }
.Ltmp6:
0x162: {  	s8 =	sadd.s32 $0x1, s9;
	[sflag:s15] =	ssyncadd.s32 $0xFFFFEC00;
	(pc) =	sbr.rel @p0 .LBB2_14-.Ltmp6, $4  }
0x163: {  	[tilespmem:s16], [sflag:s8] =	stream.indirect.gather [spmem:s2], $0x40, s5, s31, $0xb8;
	[tilespmem:$0x1ACF0] =	vst v63  }
0x164: {  	s9 =	smul.u32 $0x5000, s17;
	s8 =	sadd.s32 $0x1, s17  }
0x165: {  	_ =	swait.ge [sflag:s8], $0x1400  }
0x166: {  	s15 =	sshrl.u32 s9, $0x2;
	s16 =	sadd.s32 $0x3, s17;
	[sflag:s8] =	ssyncset.done $0x0  }
0x167: {  	[sflag:s8] =	ssyncadd.s32 $0xFFFFEC00  }
0x168: {  	[spmem:s4] =	stream.indirect.scatter.add.f32 [tilespmem:s15], [sflag:s16], $0x40, s10, s31, $0xb8;
	[tilespmem:$0x1ACF0] =	vst v63  }
0x169: {  	_ =	swait.ge [sflag:s16], $0x1400  }
0x16a: {  	[sflag:s16] =	ssyncset.done $0x0  }
0x16b: {  	s9 =	simm.s32 $0x1;
	[sflag:s16] =	ssyncadd.s32 $0xFFFFEC00  }
0x16c: {  	_ =	swait.ge [sflag:s9], $0x1400  }
0x16d: {  	s5 =	sadd.s32 $0x50, s7;
	[sflag:s9] =	ssyncset.done $0x0  }
0x16e: {  	s24 =	simm.s32 $0x3;
	s16 =	simm.s32 $0x0;
	[sflag:s9] =	ssyncadd.s32 $0xFFFFEC00  }
0x16f: {  	[spmem:s4] =	stream.indirect.scatter.add.f32 [tilespmem:s16], [sflag:$0x3], $0x40, s5, s31, $0xb8;
	[tilespmem:$0x1ACF0] =	vst v63  }
0x170: {  	_ =	swait.ge [sflag:s24], $0x1400  }
0x171: {  	[sflag:s24] =	ssyncset.done $0x0  }
0x172: {  	[sflag:s24] =	ssyncadd.s32 $0xFFFFEC00  }
0x173: {  	[bflag:$0x0] =	sbarrier.arrive $0xFFFF  }
.LBB2_16:
0x174: {  	s5 =	smul.u32 $0x7D, s16;
	_ =	sdelay $0x1  }
0x175: {  	s18 =	sadd.s32 s12, s5  }
0x176: {  	s5 =	sshll.u32 s18, $0x6  }
0x177: {  	s5 =	sand.u32 $0x3FFFFFC0, s5  }
0x178: {  	s5 =	sadd.s32 s5, s4  }
0x179: {  	[tilespmem:s1], [sflag:$0x6] =	stream.linear.gather [spmem:s5], $0x1F40, $0x38;
	[tilespmem:$0x1ACF0] =	vst v63  }
0x17a: {  	s24 =	sshll.u32 s18, $0x4;
	_ =	swait.ge [sflag:s29], $0x1F40  }
0x17b: {  	s5 =	sand.u32 $0x3FFFFFF0, s24;
	[sflag:s29] =	ssyncset.done $0x0  }
0x17c: {  	s20 =	simm.s32 $0x9B00;
	s5 =	sadd.s32 s5, s6;
	[sflag:s29] =	ssyncadd.s32 $0xFFFFE0C0  }
0x17d: {  	[tilespmem:s20], [sflag:$0x6] =	stream.linear.gather [spmem:s5], $0x7D0, $0x38;
	[tilespmem:$0x1ACF0] =	vst v63  }
0x17e: {  	_ =	swait.ge [sflag:s29], $0x7D0  }
0x17f: {  	[sflag:s29] =	ssyncset.done $0x0  }
0x180: {  	[sflag:s29] =	ssyncadd.s32 $0xFFFFF830  }
0x181: {  	v4 =	vld [tilespmem:s20+$0x0];
	_ =	sdelay $0x4  }
0x182: {  	(erf) = vrcp.f32 v4;
	_ =	sdelay $0x4  }
0x183: {  	s17 =	simm.s32 $0x0  }
0x184: {  	v5 =	vld [tilespmem:s17+$0x7BC0];
	_ =	sdelay $0x1  }
0x185: {  	v6 =	vld [tilespmem:$0xC210]  }
0x186: {  	vm0 =	vgt.f32 v4, $0.0e+00;
	v4 =	vpop (erf)  }
0x187: {  	v4 =	vnsel vm0, $0x0, v4  }
0x188: {  	v5 =	vmul.f32 v4, v5;
	_ =	sdelay $0x1  }
0x189: {  	v5 =	vadd.f32 v5, v6;
	_ =	sdelay $0x1  }
0x18a: {  	v7 =	vmul.f32 $9.999999770e-03, v5;
	_ =	sdelay $0x1  }
0x18b: {  	v5 =	vmax.f32 v5, v7;
	v7 =	vld [tilespmem:s17+$0x7BD0]  }
0x18c: {  	[tilespmem:s17+$0xA2D0] =	vst v5  }
0x18d: {  	v5 =	vld [tilespmem:$0xC220];
	_ =	sdelay $0x2  }
0x18e: {  	v7 =	vmul.f32 v7, v4;
	_ =	sdelay $0x1  }
0x18f: {  	v5 =	vadd.f32 v5, v7;
	_ =	sdelay $0x1  }
0x190: {  	v7 =	vmul.f32 $9.999999770e-03, v5;
	_ =	sdelay $0x1  }
0x191: {  	v6 =	vld [tilespmem:s17+$0x7BE0];
	v5 =	vmax.f32 v5, v7  }
0x192: {  	[tilespmem:s17+$0xA2E0] =	vst v5  }
0x193: {  	v5 =	vld [tilespmem:$0xC230];
	_ =	sdelay $0x2  }
0x194: {  	v6 =	vmul.f32 v6, v4;
	_ =	sdelay $0x1  }
0x195: {  	v5 =	vadd.f32 v5, v6;
	_ =	sdelay $0x1  }
0x196: {  	v6 =	vmul.f32 $9.999999770e-03, v5;
	_ =	sdelay $0x1  }
0x197: {  	v8 =	vld [tilespmem:s17+$0x7BF0];
	v5 =	vmax.f32 v5, v6  }
0x198: {  	[tilespmem:s17+$0xA2F0] =	vst v5  }
0x199: {  	v5 =	vld [tilespmem:$0xC240];
	_ =	sdelay $0x2  }
0x19a: {  	v4 =	vmul.f32 v8, v4;
	_ =	sdelay $0x1  }
0x19b: {  	v4 =	vadd.f32 v5, v4;
	_ =	sdelay $0x1  }
0x19c: {  	v5 =	vmul.f32 $9.999999770e-03, v4;
	_ =	sdelay $0x1  }
0x19d: {  	s11 =	simm.s32 $0x100;
	v4 =	vmax.f32 v4, v5  }
.LBB2_17:
0x19e: {  	p0 =	sne.s32 s11, $0x7C00  }
0x19f: {  	[tilespmem:s17+$0xA300] =	vst v4;
	s20 =	sadd.s32 $0x10, s20;
	s5 =	smov.u32 s11;
	s11 =	sadd.s32 $0x100, s11  }
0x1a0: {  	v4 =	vld [tilespmem:s20+$0x0];
	_ =	sdelay $0x4  }
0x1a1: {  	(erf) = vrcp.f32 v4;
	_ =	sdelay $0x4  }
0x1a2: {  	s17 =	sshra.s32 s5, $0x2  }
0x1a3: {  	v5 =	vld [tilespmem:s17+$0x7BC0]  }
0x1a4: {  	v6 =	vld [tilespmem:s17+$0x7BE0]  }
0x1a5: {  	v7 =	vld [tilespmem:$0xC210]  }
0x1a6: {  	vm0 =	vgt.f32 v4, $0.0e+00;
	v4 =	vld [tilespmem:s17+$0x7BF0];
	v8 =	vpop (erf)  }
0x1a7: {  	v8 =	vnsel vm0, $0x0, v8  }
0x1a8: {  	v5 =	vmul.f32 v8, v5  }
0x1a9: {  	v6 =	vmul.f32 v6, v8  }
0x1aa: {  	v5 =	vadd.f32 v5, v7  }
0x1ab: {  	v4 =	vmul.f32 v4, v8  }
0x1ac: {  	v7 =	vmul.f32 $9.999999770e-03, v5;
	_ =	sdelay $0x1  }
0x1ad: {  	v5 =	vmax.f32 v5, v7;
	v7 =	vld [tilespmem:s17+$0x7BD0]  }
0x1ae: {  	[tilespmem:s17+$0xA2D0] =	vst v5  }
0x1af: {  	v5 =	vld [tilespmem:$0xC220];
	_ =	sdelay $0x2  }
0x1b0: {  	v7 =	vmul.f32 v7, v8;
	_ =	sdelay $0x1  }
0x1b1: {  	v5 =	vadd.f32 v5, v7;
	_ =	sdelay $0x1  }
0x1b2: {  	v7 =	vmul.f32 $9.999999770e-03, v5;
	_ =	sdelay $0x1  }
0x1b3: {  	v5 =	vmax.f32 v5, v7  }
0x1b4: {  	[tilespmem:s17+$0xA2E0] =	vst v5  }
0x1b5: {  	v5 =	vld [tilespmem:$0xC230];
	_ =	sdelay $0x4  }
0x1b6: {  	v5 =	vadd.f32 v5, v6;
	_ =	sdelay $0x1  }
0x1b7: {  	v6 =	vmul.f32 $9.999999770e-03, v5;
	_ =	sdelay $0x1  }
0x1b8: {  	v5 =	vmax.f32 v5, v6  }
0x1b9: {  	[tilespmem:s17+$0xA2F0] =	vst v5  }
0x1ba: {  	v5 =	vld [tilespmem:$0xC240];
	_ =	sdelay $0x4  }
.Ltmp7:
0x1bb: {  	v4 =	vadd.f32 v5, v4;
	(pc) =	sbr.rel @p0 .LBB2_17-.Ltmp7, $3  }
0x1bc: {  	_ = 	snop  }
0x1bd: {  	v5 =	vmul.f32 $9.999999770e-03, v4;
	_ =	sdelay $0x1  }
0x1be: {  	v4 =	vmax.f32 v4, v5  }
0x1bf: {  	s16 =	sadd.s32 $0x1, s16  }
0x1c0: {  	s5 =	sshll.u32 s18, $0x5;
	p0 =	sne.s32 s16, $0x5  }
.Ltmp8:
0x1c1: {  	[tilespmem:s17+$0xA300] =	vst v4;
	s5 =	sadd.s32 s5, s13;
	(pc) =	sbr.rel @p0 .LBB2_16-.Ltmp8, $4  }
0x1c2: {  	[hbm4b:s5+s23] =	stream.strided.scatter [tilespmem:s26], [sflag:$0x6], $0x1F40, s25, s23, $0x38;
	[tilespmem:$0x1ACF0] =	vst v63  }
0x1c3: {  	_ =	swait.ge [sflag:s29], $0x1F40  }
0x1c4: {  	[sflag:s29] =	ssyncset.done $0x0  }
0x1c5: {  	[sflag:s29] =	ssyncadd.s32 $0xFFFFE0C0  }
0x1c6: {  	[bflag:$0x0] =	sbarrier.arrive $0xFFFF;
	s7 =	simm.s32 $0x100;
	s5 =	simm.s32 $0x0  }
.LBB2_20:
0x1c7: {  	p0 =	sne.s32 s7, $0x7C00;
	[tilespmem:s5+$0x7BF0] =	vst v3;
	s8 =	smov.u32 s7;
	s7 =	sadd.s32 $0x100, s7  }
.Ltmp9:
0x1c8: {  	[tilespmem:s5+$0x7BE0] =	vst v3;
	(pc) =	sbr.rel @p0 .LBB2_20-.Ltmp9, $3  }
0x1c9: {  	[tilespmem:s5+$0x7BC0] =	vst v3  }
0x1ca: {  	[tilespmem:s5+$0x7BD0] =	vst v3;
	_ =	sdelay $0x1  }
0x1cb: {  	s5 =	sshra.s32 s8, $0x2  }
0x1cc: {  	[tilespmem:s5+$0x7BF0] =	vst v3  }
0x1cd: {  	[tilespmem:s5+$0x7BE0] =	vst v3  }
0x1ce: {  	[tilespmem:s5+$0x7BC0] =	vst v3  }
0x1cf: {  	[tilespmem:s5+$0x7BD0] =	vst v3  }
0x1d0: {  	[spmem:s30] =	stream.linear.scatter [tilespmem:s1], [sflag:$0x6], $0x1F40, $0x38;
	[tilespmem:$0x1ACF0] =	vst v63  }
0x1d1: {  	_ =	swait.ge [sflag:s29], $0x1F40  }
0x1d2: {  	[sflag:s29] =	ssyncset.done $0x0  }
0x1d3: {  	s24 =	rddreg [dreg:$0xd];
	[sflag:s29] =	ssyncadd.s32 $0xFFFFE0C0  }
0x1d4: {  	[spmem:s24] =	stream.linear.scatter [tilespmem:s1], [sflag:$0x6], $0x1F40, $0x38;
	[tilespmem:$0x1ACF0] =	vst v63  }
0x1d5: {  	_ =	swait.ge [sflag:s29], $0x1F40  }
0x1d6: {  	[sflag:s29] =	ssyncset.done $0x0  }
0x1d7: {  	s7 =	rddreg [dreg:$0xf];
	[sflag:s29] =	ssyncadd.s32 $0xFFFFE0C0  }
0x1d8: {  	[spmem:s7] =	stream.linear.scatter [tilespmem:s1], [sflag:$0x6], $0x1F40, $0x38;
	[tilespmem:$0x1ACF0] =	vst v63  }
0x1d9: {  	_ =	swait.ge [sflag:s29], $0x1F40  }
0x1da: {  	[sflag:s29] =	ssyncset.done $0x0  }
0x1db: {  	s8 =	rddreg [dreg:$0x11];
	[sflag:s29] =	ssyncadd.s32 $0xFFFFE0C0  }
0x1dc: {  	[spmem:s8] =	stream.linear.scatter [tilespmem:s1], [sflag:$0x6], $0x1F40, $0x38;
	[tilespmem:$0x1ACF0] =	vst v63  }
0x1dd: {  	_ =	swait.ge [sflag:s29], $0x1F40  }
0x1de: {  	[sflag:s29] =	ssyncset.done $0x0  }
0x1df: {  	s10 =	rddreg [dreg:$0x13];
	[sflag:s29] =	ssyncadd.s32 $0xFFFFE0C0  }
0x1e0: {  	[spmem:s10] =	stream.linear.scatter [tilespmem:s1], [sflag:$0x6], $0x1F40, $0x38;
	[tilespmem:$0x1ACF0] =	vst v63  }
0x1e1: {  	_ =	swait.ge [sflag:s29], $0x1F40  }
0x1e2: {  	[sflag:s29] =	ssyncset.done $0x0  }
0x1e3: {  	s11 =	rddreg [dreg:$0x15];
	[sflag:s29] =	ssyncadd.s32 $0xFFFFE0C0  }
0x1e4: {  	[spmem:s11] =	stream.linear.scatter [tilespmem:s1], [sflag:$0x6], $0x1F40, $0x38;
	[tilespmem:$0x1ACF0] =	vst v63  }
0x1e5: {  	_ =	swait.ge [sflag:s29], $0x1F40  }
0x1e6: {  	[sflag:s29] =	ssyncset.done $0x0  }
0x1e7: {  	[sflag:s29] =	ssyncadd.s32 $0xFFFFE0C0  }
0x1e8: {  	[bflag:$0x0] =	sbarrier.arrive $0xFFFF  }
0x1e9: {  	v4 =	vld [tilespmem:$0x2800]  }
0x1ea: {  	v5 =	vld [tilespmem:$0x2810]  }
0x1eb: {  	v6 =	vld [tilespmem:$0x2820]  }
0x1ec: {  	v7 =	vld [tilespmem:$0x2830]  }
0x1ed: {  	v8 =	vld [tilespmem:$0x2840]  }
0x1ee: {  	v4 =	vshll.u32 v4, $0x2  }
0x1ef: {  	v5 =	vshll.u32 v5, $0x2;
	v4 =	vor.u32 v1, v4  }
0x1f0: {  	[tilespmem:$0x7620] =	vst v4;
	v4 =	vor.u32 v1, v5;
	v5 =	vshll.u32 v6, $0x2  }
0x1f1: {  	[tilespmem:$0x7630] =	vst v4;
	v4 =	vor.u32 v1, v5;
	v5 =	vshll.u32 v7, $0x2  }
0x1f2: {  	[tilespmem:$0x7640] =	vst v4;
	v4 =	vor.u32 v1, v5;
	v5 =	vshll.u32 v8, $0x2  }
0x1f3: {  	[tilespmem:$0x7650] =	vst v4;
	v4 =	vor.u32 v1, v5  }
0x1f4: {  	s15 =	simm.s32 $0x7620;
	[tilespmem:$0x7660] =	vst v4  }
0x1f5: {  	[tilespmem:s28], [sflag:$0x1] =	stream.indirect.gather [hbm4b:s0+s31], $0x40, s15, s31, $0xb8;
	[tilespmem:$0x1ACF0] =	vst v63  }
0x1f6: {  	v4 =	vld [tilespmem:$0x2850]  }
0x1f7: {  	v5 =	vld [tilespmem:$0x2860]  }
0x1f8: {  	v61 =	vld [tilespmem:$0x2870]  }
0x1f9: {  	v62 =	vld [tilespmem:$0x2880]  }
0x1fa: {  	v63 =	vld [tilespmem:$0x2890]  }
0x1fb: {  	v4 =	vshll.u32 v4, $0x2  }
0x1fc: {  	v5 =	vshll.u32 v5, $0x2;
	v4 =	vor.u32 v1, v4  }
0x1fd: {  	[tilespmem:$0x7670] =	vst v4;
	v4 =	vor.u32 v1, v5;
	v5 =	vshll.u32 v61, $0x2  }
0x1fe: {  	[tilespmem:$0x7680] =	vst v4;
	v4 =	vor.u32 v1, v5;
	v5 =	vshll.u32 v62, $0x2  }
0x1ff: {  	[tilespmem:$0x7690] =	vst v4;
	v4 =	vor.u32 v1, v5;
	v5 =	vshll.u32 v63, $0x2  }
0x200: {  	[tilespmem:$0x76A0] =	vst v4;
	v4 =	vor.u32 v1, v5  }
0x201: {  	s16 =	simm.s32 $0x7670;
	s7 =	simm.s32 $0x1400;
	[tilespmem:$0x76B0] =	vst v4  }
0x202: {  	[tilespmem:s7], [sflag:$0x2] =	stream.indirect.gather [hbm4b:s0+s31], $0x40, s16, s31, $0xb8;
	[tilespmem:$0x1ACF0] =	vst v63  }
0x203: {  	s17 =	simm.s32 $0x2;
	_ =	swait.ge [sflag:s9], $0x1400  }
0x204: {  	s5 =	sand.u32 $0x1, s17;
	[sflag:s9] =	ssyncset.done $0x0  }
0x205: {  	s18 =	sadd.s32 $0x3, s5;
	[sflag:s9] =	ssyncadd.s32 $0xFFFFEC00  }
0x206: {  	[spmem:s2] =	stream.indirect.scatter.add.f32 [tilespmem:s28], [sflag:$0x3], $0x40, s22, s31, $0xb8;
	[tilespmem:$0x1ACF0] =	vst v63  }
0x207: {  	_ =	swait.ge [sflag:s18], $0x1400  }
0x208: {  	[sflag:s18] =	ssyncset.done $0x0  }
0x209: {  	s8 =	simm.s32 $0x28E0;
	[sflag:s18] =	ssyncadd.s32 $0xFFFFEC00  }
0x20a: {  	v4 =	vld [tilespmem:s8+$0xFFFFFFC0];
	_ =	sdelay $0x3  }
0x20b: {  	s20 =	smul.u32 $0x140, s5  }
0x20c: {  	v4 =	vshll.u32 v4, $0x2  }
0x20d: {  	s22 =	sshrl.u32 s20, $0x2;
	v4 =	vor.u32 v1, v4  }
0x20e: {  	[tilespmem:s22+$0x7620] =	vst v4  }
0x20f: {  	v4 =	vld [tilespmem:s8+$0xFFFFFFD0];
	_ =	sdelay $0x4  }
0x210: {  	v4 =	vshll.u32 v4, $0x2  }
0x211: {  	v4 =	vor.u32 v1, v4  }
0x212: {  	[tilespmem:s22+$0x7630] =	vst v4  }
0x213: {  	v4 =	vld [tilespmem:s8+$0xFFFFFFE0];
	_ =	sdelay $0x4  }
0x214: {  	v4 =	vshll.u32 v4, $0x2  }
0x215: {  	v4 =	vor.u32 v1, v4  }
0x216: {  	[tilespmem:s22+$0x7640] =	vst v4  }
0x217: {  	v4 =	vld [tilespmem:s8+$0xFFFFFFF0];
	_ =	sdelay $0x4  }
0x218: {  	v4 =	vshll.u32 v4, $0x2  }
0x219: {  	v4 =	vor.u32 v1, v4  }
0x21a: {  	[tilespmem:s22+$0x7650] =	vst v4  }
0x21b: {  	v4 =	vld [tilespmem:s8+$0x0]  }
0x21c: {  	s10 =	simm.s32 $0x1  }
0x21d: {  	s10 =	sand.u32 $0x1, s10  }
0x21e: {  	s15 =	smul.u32 $0x5000, s10  }
0x21f: {  	s17 =	simm.s32 $0x4F60;
	s24 =	smul.u32 $0x5000, s5  }
0x220: {  	s5 =	sadd.s32 $0x1, s5;
	s15 =	sshrl.u32 s15, $0x2;
	s7 =	simm.s32 $0x4;
	v4 =	vshll.u32 v4, $0x2  }
0x221: {  	s16 =	simm.s32 $0x4FB0;
	s20 =	simm.s32 $0x2930;
	s11 =	sadd.s32 $0x7620, s22;
	v4 =	vor.u32 v1, v4  }
0x222: {  	s18 =	simm.s32 $0x3;
	s8 =	sshrl.u32 s24, $0x2;
	s24 =	sadd.s32 $0x1, s10;
	[tilespmem:s22+$0x7660] =	vst v4  }
0x223: {  	[tilespmem:s8], [sflag:s5] =	stream.indirect.gather [hbm4b:s0+s31], $0x40, s11, s31, $0xb8;
	[tilespmem:$0x1ACF0] =	vst v63  }
0x224: {  	s10 =	sadd.s32 $0x3, s10;
	s22 =	sand.u32 $0x1, s18;
	_ =	swait.ge [sflag:s24], $0x1400  }
.LBB2_22:
0x225: {  	s8 =	sadd.s32 $0x3, s22;
	[sflag:s24] =	ssyncset.done $0x0  }
0x226: {  	s5 =	smov.u32 s18;
	s18 =	smov.u32 s7;
	s11 =	sadd.s32 $0x1, s7  }
0x227: {  	p0 =	sne.s32 s7, $0x7C;
	[sflag:s24] =	ssyncadd.s32 $0xFFFFEC00  }
0x228: {  	[spmem:s2] =	stream.indirect.scatter.add.f32 [tilespmem:s15], [sflag:s10], $0x40, s17, s31, $0xb8;
	[tilespmem:$0x1ACF0] =	vst v63  }
0x229: {  	s17 =	smov.u32 s16;
	_ =	swait.ge [sflag:s8], $0x1400  }
0x22a: {  	[sflag:s8] =	ssyncset.done $0x0  }
0x22b: {  	[sflag:s8] =	ssyncadd.s32 $0xFFFFEC00  }
0x22c: {  	v4 =	vld [tilespmem:s20+$0xFFFFFFC0];
	_ =	sdelay $0x2  }
0x22d: {  	s7 =	smul.u32 $0x140, s22;
	_ =	sdelay $0x1  }
0x22e: {  	s7 =	sshrl.u32 s7, $0x2;
	v4 =	vshll.u32 v4, $0x2  }
0x22f: {  	v4 =	vor.u32 v1, v4  }
0x230: {  	[tilespmem:s7+$0x7620] =	vst v4  }
0x231: {  	v4 =	vld [tilespmem:s20+$0xFFFFFFD0];
	_ =	sdelay $0x4  }
0x232: {  	v4 =	vshll.u32 v4, $0x2  }
0x233: {  	v4 =	vor.u32 v1, v4  }
0x234: {  	[tilespmem:s7+$0x7630] =	vst v4  }
0x235: {  	v4 =	vld [tilespmem:s20+$0xFFFFFFE0];
	_ =	sdelay $0x4  }
0x236: {  	v4 =	vshll.u32 v4, $0x2  }
0x237: {  	v4 =	vor.u32 v1, v4  }
0x238: {  	[tilespmem:s7+$0x7640] =	vst v4  }
0x239: {  	v4 =	vld [tilespmem:s20+$0xFFFFFFF0];
	_ =	sdelay $0x4  }
0x23a: {  	v4 =	vshll.u32 v4, $0x2  }
0x23b: {  	v4 =	vor.u32 v1, v4  }
0x23c: {  	[tilespmem:s7+$0x7650] =	vst v4  }
0x23d: {  	v4 =	vld [tilespmem:s20+$0x0];
	_ =	sdelay $0x2  }
0x23e: {  	s5 =	sadd.s32 $0xFFFFFFFF, s5  }
0x23f: {  	s16 =	sadd.s32 $0x50, s16;
	s8 =	smul.u32 $0x5000, s22;
	s20 =	sadd.s32 $0x50, s20  }
.Ltmp10:
0x240: {  	s9 =	sadd.s32 $0x1, s22;
	s5 =	sand.u32 $0x1, s5;
	v4 =	vshll.u32 v4, $0x2;
	(pc) =	sbr.rel @p0 .LBB2_22-.Ltmp10, $4  }
0x241: {  	s15 =	sadd.s32 $0x7620, s7;
	s24 =	sadd.s32 $0x1, s5;
	s8 =	sshrl.u32 s8, $0x2;
	v4 =	vor.u32 v1, v4  }
0x242: {  	s10 =	sadd.s32 $0x3, s5;
	s22 =	sand.u32 $0x1, s18;
	[tilespmem:s7+$0x7660] =	vst v4;
	s7 =	smul.u32 $0x5000, s5  }
0x243: {  	[tilespmem:s8], [sflag:s9] =	stream.indirect.gather [hbm4b:s0+s31], $0x40, s15, s31, $0xb8;
	[tilespmem:$0x1ACF0] =	vst v63  }
0x244: {  	s15 =	sshrl.u32 s7, $0x2;
	_ =	swait.ge [sflag:s24], $0x1400;
	s7 =	smov.u32 s11  }
0x245: {  	[sflag:s24] =	ssyncset.done $0x0  }
0x246: {  	s5 =	sadd.s32 $0x3, s22;
	[sflag:s24] =	ssyncadd.s32 $0xFFFFEC00  }
0x247: {  	[spmem:s2] =	stream.indirect.scatter.add.f32 [tilespmem:s15], [sflag:s10], $0x40, s17, s31, $0xb8;
	[tilespmem:$0x1ACF0] =	vst v63  }
0x248: {  	_ =	swait.ge [sflag:s5], $0x1400  }
0x249: {  	[sflag:s5] =	ssyncset.done $0x0  }
0x24a: {  	[sflag:s5] =	ssyncadd.s32 $0xFFFFEC00  }
0x24b: {  	v4 =	vld [tilespmem:s20+$0xFFFFFFC0];
	_ =	sdelay $0x3  }
0x24c: {  	s17 =	smul.u32 $0x140, s22  }
0x24d: {  	v4 =	vshll.u32 v4, $0x2  }
0x24e: {  	s5 =	sshrl.u32 s17, $0x2;
	v4 =	vor.u32 v1, v4  }
0x24f: {  	[tilespmem:s5+$0x7620] =	vst v4  }
0x250: {  	v4 =	vld [tilespmem:s20+$0xFFFFFFD0];
	_ =	sdelay $0x4  }
0x251: {  	v4 =	vshll.u32 v4, $0x2  }
0x252: {  	v4 =	vor.u32 v1, v4  }
0x253: {  	[tilespmem:s5+$0x7630] =	vst v4  }
0x254: {  	v4 =	vld [tilespmem:s20+$0xFFFFFFE0];
	_ =	sdelay $0x4  }
0x255: {  	v4 =	vshll.u32 v4, $0x2  }
0x256: {  	v4 =	vor.u32 v1, v4  }
0x257: {  	[tilespmem:s5+$0x7640] =	vst v4  }
0x258: {  	v4 =	vld [tilespmem:s20+$0xFFFFFFF0];
	_ =	sdelay $0x4  }
0x259: {  	v4 =	vshll.u32 v4, $0x2  }
0x25a: {  	v4 =	vor.u32 v1, v4  }
0x25b: {  	[tilespmem:s5+$0x7650] =	vst v4  }
0x25c: {  	v4 =	vld [tilespmem:s20+$0x0];
	_ =	sdelay $0x4  }
0x25d: {  	s7 =	smul.u32 $0x5000, s22;
	s8 =	sadd.s32 $0xFFFFFFFF, s18;
	v4 =	vshll.u32 v4, $0x2  }
0x25e: {  	s9 =	sadd.s32 $0x1, s22;
	s8 =	sand.u32 $0x1, s8;
	v4 =	vor.u32 v1, v4  }
0x25f: {  	s7 =	sshrl.u32 s7, $0x2;
	s11 =	sadd.s32 $0x1, s8;
	s24 =	sadd.s32 $0x7620, s5;
	[tilespmem:s5+$0x7660] =	vst v4  }
0x260: {  	[tilespmem:s7], [sflag:s9] =	stream.indirect.gather [hbm4b:s0+s31], $0x40, s24, s31, $0xb8;
	[tilespmem:$0x1ACF0] =	vst v63  }
0x261: {  	s15 =	smul.u32 $0x5000, s8;
	_ =	swait.ge [sflag:s11], $0x1400  }
0x262: {  	[sflag:s11] =	ssyncset.done $0x0  }
0x263: {  	s8 =	sadd.s32 $0x3, s8;
	s7 =	sshrl.u32 s15, $0x2;
	[sflag:s11] =	ssyncadd.s32 $0xFFFFEC00  }
0x264: {  	[spmem:s2] =	stream.indirect.scatter.add.f32 [tilespmem:s7], [sflag:s8], $0x40, s16, s31, $0xb8;
	[tilespmem:$0x1ACF0] =	vst v63  }
0x265: {  	_ =	swait.ge [sflag:s8], $0x1400  }
0x266: {  	[sflag:s8] =	ssyncset.done $0x0  }
0x267: {  	s9 =	simm.s32 $0x1;
	[sflag:s8] =	ssyncadd.s32 $0xFFFFEC00  }
0x268: {  	_ =	swait.ge [sflag:s9], $0x1400  }
0x269: {  	s18 =	simm.s32 $0x3;
	[sflag:s9] =	ssyncset.done $0x0  }
0x26a: {  	s17 =	simm.s32 $0x0;
	s16 =	sadd.s32 $0x50, s16;
	[sflag:s9] =	ssyncadd.s32 $0xFFFFEC00  }
0x26b: {  	[spmem:s2] =	stream.indirect.scatter.add.f32 [tilespmem:s17], [sflag:$0x3], $0x40, s16, s31, $0xb8;
	[tilespmem:$0x1ACF0] =	vst v63  }
0x26c: {  	_ =	swait.ge [sflag:s18], $0x1400  }
0x26d: {  	[sflag:s18] =	ssyncset.done $0x0  }
0x26e: {  	[sflag:s18] =	ssyncadd.s32 $0xFFFFEC00  }
0x26f: {  	[bflag:$0x0] =	sbarrier.arrive $0xFFFF  }
0x270: {  	[tilespmem:s1], [sflag:$0x6] =	stream.linear.gather [spmem:s30], $0x1F40, $0x38;
	[tilespmem:$0x1ACF0] =	vst v63  }
0x271: {  	_ =	swait.ge [sflag:s29], $0x1F40  }
0x272: {  	[sflag:s29] =	ssyncset.done $0x0  }
0x273: {  	s22 =	simm.s32 $0x9B00;
	s20 =	rddreg [dreg:$0xb];
	[sflag:s29] =	ssyncadd.s32 $0xFFFFE0C0  }
0x274: {  	[tilespmem:s22], [sflag:$0x6] =	stream.linear.gather [spmem:s20], $0x7D0, $0x38;
	[tilespmem:$0x1ACF0] =	vst v63  }
0x275: {  	_ =	swait.ge [sflag:s29], $0x7D0  }
0x276: {  	[sflag:s29] =	ssyncset.done $0x0  }
0x277: {  	s24 =	simm.s32 $0x0;
	[sflag:s29] =	ssyncadd.s32 $0xFFFFF830  }
0x278: {  	v4 =	vld [tilespmem:s24+$0x9B00];
	_ =	sdelay $0x4  }
0x279: {  	(erf) = vrcp.f32 v4;
	_ =	sdelay $0x4  }
0x27a: {  	s5 =	simm.s32 $0x7BE0  }
0x27b: {  	v5 =	vld [tilespmem:s5+$0xFFFFFFE0]  }
0x27c: {  	v6 =	vld [tilespmem:s5+$0xFFFFFFF0]  }
0x27d: {  	v7 =	vld [tilespmem:s5+$0x0]  }
0x27e: {  	v8 =	vld [tilespmem:s5+$0x10];
	vm0 =	vgt.f32 v4, $0.0e+00;
	v4 =	vpop (erf)  }
0x27f: {  	v4 =	vnsel vm0, $0x0, v4  }
0x280: {  	v5 =	vmul.f32 v4, v5  }
0x281: {  	v6 =	vmul.f32 v6, v4  }
0x282: {  	v7 =	vmul.f32 v7, v4;
	[tilespmem:s5+$0xFFFFFFE0] =	vst v5  }
0x283: {  	v4 =	vmul.f32 v8, v4;
	[tilespmem:s5+$0xFFFFFFF0] =	vst v6  }
0x284: {  	[tilespmem:s5+$0x0] =	vst v7  }
0x285: {  	s7 =	simm.s32 $0x80;
	s8 =	simm.s32 $0x10;
	[tilespmem:s5+$0x10] =	vst v4  }
.LBB2_24:
0x286: {  	p0 =	sne.s32 s7, $0x1F00;
	v4 =	vld [tilespmem:s8+$0x9B00];
	_ =	sdelay $0x4  }
0x287: {  	(erf) = vrcp.f32 v4;
	_ =	sdelay $0x2  }
0x288: {  	s5 =	sadd.s32 $0x40, s5  }
0x289: {  	v5 =	vld [tilespmem:s5+$0xFFFFFFF0]  }
0x28a: {  	v6 =	vld [tilespmem:s5+$0x10]  }
0x28b: {  	v7 =	vld [tilespmem:s5+$0xFFFFFFE0]  }
0x28c: {  	v8 =	vld [tilespmem:s5+$0x0];
	_ =	sdelay $0x1  }
0x28d: {  	vm0 =	vgt.f32 v4, $0.0e+00;
	v4 =	vpop (erf)  }
0x28e: {  	v4 =	vnsel vm0, $0x0, v4  }
0x28f: {  	v7 =	vmul.f32 v4, v7;
	v5 =	vmul.f32 v5, v4  }
.Ltmp11:
0x290: {  	v8 =	vmul.f32 v8, v4;
	v4 =	vmul.f32 v6, v4;
	(pc) =	sbr.rel @p0 .LBB2_24-.Ltmp11, $4  }
0x291: {  	[tilespmem:s5+$0xFFFFFFE0] =	vst v7  }
0x292: {  	[tilespmem:s5+$0xFFFFFFF0] =	vst v5  }
0x293: {  	[tilespmem:s5+$0x0] =	vst v8  }
0x294: {  	s8 =	sshra.s32 s7, $0x2;
	s7 =	sadd.s32 $0x40, s7;
	[tilespmem:s5+$0x10] =	vst v4  }
0x295: {  	v4 =	vld [tilespmem:s8+$0x9B00];
	_ =	sdelay $0x4  }
0x296: {  	(erf) = vrcp.f32 v4;
	_ =	sdelay $0x4  }
0x297: {  	s5 =	sadd.s32 $0x40, s5  }
0x298: {  	v5 =	vld [tilespmem:s5+$0xFFFFFFE0]  }
0x299: {  	v6 =	vld [tilespmem:s5+$0xFFFFFFF0]  }
0x29a: {  	v7 =	vld [tilespmem:s5+$0x0]  }
0x29b: {  	v8 =	vld [tilespmem:s5+$0x10];
	vm0 =	vgt.f32 v4, $0.0e+00;
	v4 =	vpop (erf)  }
0x29c: {  	v4 =	vnsel vm0, $0x0, v4  }
0x29d: {  	v5 =	vmul.f32 v4, v5  }
0x29e: {  	v6 =	vmul.f32 v6, v4  }
0x29f: {  	v7 =	vmul.f32 v7, v4;
	[tilespmem:s5+$0xFFFFFFE0] =	vst v5  }
0x2a0: {  	v4 =	vmul.f32 v8, v4;
	[tilespmem:s5+$0xFFFFFFF0] =	vst v6  }
0x2a1: {  	[tilespmem:s5+$0x0] =	vst v7  }
0x2a2: {  	[tilespmem:s5+$0x10] =	vst v4  }
0x2a3: {  	[spmem:s30] =	stream.linear.scatter [tilespmem:s1], [sflag:$0x6], $0x1F40, $0x38;
	[tilespmem:$0x1ACF0] =	vst v63  }
0x2a4: {  	_ =	swait.ge [sflag:s29], $0x1F40  }
0x2a5: {  	[sflag:s29] =	ssyncset.done $0x0  }
0x2a6: {  	[sflag:s29] =	ssyncadd.s32 $0xFFFFE0C0  }
0x2a7: {  	s24 =	simm.s32 $0x4F10;
	[bflag:$0x0] =	sbarrier.arrive $0xFFFF  }
0x2a8: {  	[tilespmem:s28], [sflag:$0x1] =	stream.indirect.gather [spmem:s2], $0x40, s24, s31, $0xb8;
	[tilespmem:$0x1ACF0] =	vst v63  }
0x2a9: {  	s11 =	simm.s32 $0x1400;
	s7 =	simm.s32 $0x4F60;
	s22 =	simm.s32 $0x2800  }
0x2aa: {  	[tilespmem:s11], [sflag:$0x2] =	stream.indirect.gather [spmem:s2], $0x40, s7, s31, $0xb8;
	[tilespmem:$0x1ACF0] =	vst v63  }
0x2ab: {  	s15 =	simm.s32 $0x2;
	s10 =	simm.s32 $0x1;
	_ =	swait.ge [sflag:s9], $0x1400  }
0x2ac: {  	s16 =	sand.u32 $0x1, s15;
	s10 =	sand.u32 $0x1, s10;
	[sflag:s9] =	ssyncset.done $0x0  }
0x2ad: {  	s17 =	sadd.s32 $0x3, s16;
	s20 =	smul.u32 $0x5000, s10;
	[sflag:s9] =	ssyncadd.s32 $0xFFFFEC00  }
0x2ae: {  	[spmem:s4] =	stream.indirect.scatter.add.f32 [tilespmem:s28], [sflag:$0x3], $0x40, s22, s31, $0xb8;
	[tilespmem:$0x1ACF0] =	vst v63  }
0x2af: {  	s18 =	smul.u32 $0x5000, s16;
	s8 =	sadd.s32 $0x1, s10;
	_ =	swait.ge [sflag:s17], $0x1400  }
0x2b0: {  	s15 =	sshrl.u32 s20, $0x2;
	s5 =	simm.s32 $0x4FB0;
	[sflag:s17] =	ssyncset.done $0x0  }
0x2b1: {  	s7 =	sadd.s32 $0x1, s16;
	s9 =	sshrl.u32 s18, $0x2;
	[sflag:s17] =	ssyncadd.s32 $0xFFFFEC00  }
0x2b2: {  	[tilespmem:s9], [sflag:s7] =	stream.indirect.gather [spmem:s2], $0x40, s5, s31, $0xb8;
	[tilespmem:$0x1ACF0] =	vst v63  }
0x2b3: {  	s11 =	simm.s32 $0x3;
	s16 =	sadd.s32 $0x3, s10;
	_ =	swait.ge [sflag:s8], $0x1400  }
0x2b4: {  	s10 =	simm.s32 $0x2850;
	s7 =	simm.s32 $0x2850;
	[sflag:s8] =	ssyncset.done $0x0  }
.LBB2_26:
0x2b5: {  	[sflag:s8] =	ssyncadd.s32 $0xFFFFEC00  }
0x2b6: {  	s7 =	sadd.s32 $0x50, s7;
	s5 =	sadd.s32 $0x50, s5;
	s8 =	smov.u32 s11  }
0x2b7: {  	[spmem:s4] =	stream.indirect.scatter.add.f32 [tilespmem:s15], [sflag:s16], $0x40, s10, s31, $0xb8;
	[tilespmem:$0x1ACF0] =	vst v63  }
0x2b8: {  	p0 =	sne.s32 s11, $0x7C;
	s11 =	sadd.s32 $0x1, s11;
	s9 =	sand.u32 $0x1, s8  }
0x2b9: {  	s10 =	smov.u32 s7;
	s15 =	sadd.s32 $0x3, s9;
	s16 =	smul.u32 $0x5000, s9  }
0x2ba: {  	s8 =	sadd.s32 $0xFFFFFFFF, s8;
	_ =	swait.ge [sflag:s15], $0x1400  }
0x2bb: {  	s17 =	sand.u32 $0x1, s8;
	s16 =	sshrl.u32 s16, $0x2;
	[sflag:s15] =	ssyncset.done $0x0  }
.Ltmp12:
0x2bc: {  	s8 =	sadd.s32 $0x1, s9;
	[sflag:s15] =	ssyncadd.s32 $0xFFFFEC00;
	(pc) =	sbr.rel @p0 .LBB2_26-.Ltmp12, $4  }
0x2bd: {  	[tilespmem:s16], [sflag:s8] =	stream.indirect.gather [spmem:s2], $0x40, s5, s31, $0xb8;
	[tilespmem:$0x1ACF0] =	vst v63  }
0x2be: {  	s9 =	smul.u32 $0x5000, s17;
	s8 =	sadd.s32 $0x1, s17  }
0x2bf: {  	_ =	swait.ge [sflag:s8], $0x1400  }
0x2c0: {  	s15 =	sshrl.u32 s9, $0x2;
	s16 =	sadd.s32 $0x3, s17;
	[sflag:s8] =	ssyncset.done $0x0  }
0x2c1: {  	[sflag:s8] =	ssyncadd.s32 $0xFFFFEC00  }
0x2c2: {  	[spmem:s4] =	stream.indirect.scatter.add.f32 [tilespmem:s15], [sflag:s16], $0x40, s10, s31, $0xb8;
	[tilespmem:$0x1ACF0] =	vst v63  }
0x2c3: {  	_ =	swait.ge [sflag:s16], $0x1400  }
0x2c4: {  	[sflag:s16] =	ssyncset.done $0x0  }
0x2c5: {  	s9 =	simm.s32 $0x1;
	[sflag:s16] =	ssyncadd.s32 $0xFFFFEC00  }
0x2c6: {  	_ =	swait.ge [sflag:s9], $0x1400  }
0x2c7: {  	s5 =	sadd.s32 $0x50, s7;
	[sflag:s9] =	ssyncset.done $0x0  }
0x2c8: {  	s20 =	simm.s32 $0x3;
	s16 =	simm.s32 $0x0;
	[sflag:s9] =	ssyncadd.s32 $0xFFFFEC00  }
0x2c9: {  	[spmem:s4] =	stream.indirect.scatter.add.f32 [tilespmem:s16], [sflag:$0x3], $0x40, s5, s31, $0xb8;
	[tilespmem:$0x1ACF0] =	vst v63  }
0x2ca: {  	_ =	swait.ge [sflag:s20], $0x1400  }
0x2cb: {  	[sflag:s20] =	ssyncset.done $0x0  }
0x2cc: {  	[sflag:s20] =	ssyncadd.s32 $0xFFFFEC00  }
0x2cd: {  	[bflag:$0x0] =	sbarrier.arrive $0xFFFF  }
0x2ce: {  	s7 =	rddreg [dreg:$0x18]  }
.LBB2_28:
0x2cf: {  	s5 =	smul.u32 $0x7D, s16;
	_ =	sdelay $0x1  }
0x2d0: {  	s18 =	sadd.s32 s12, s5  }
0x2d1: {  	s5 =	sshll.u32 s18, $0x6  }
0x2d2: {  	s5 =	sand.u32 $0x3FFFFFC0, s5  }
0x2d3: {  	s5 =	sadd.s32 s5, s4  }
0x2d4: {  	[tilespmem:s1], [sflag:$0x6] =	stream.linear.gather [spmem:s5], $0x1F40, $0x38;
	[tilespmem:$0x1ACF0] =	vst v63  }
0x2d5: {  	s20 =	sshll.u32 s18, $0x4;
	_ =	swait.ge [sflag:s29], $0x1F40  }
0x2d6: {  	s5 =	sand.u32 $0x3FFFFFF0, s20;
	[sflag:s29] =	ssyncset.done $0x0  }
0x2d7: {  	s20 =	simm.s32 $0x9B00;
	s5 =	sadd.s32 s5, s6;
	[sflag:s29] =	ssyncadd.s32 $0xFFFFE0C0  }
0x2d8: {  	[tilespmem:s20], [sflag:$0x6] =	stream.linear.gather [spmem:s5], $0x7D0, $0x38;
	[tilespmem:$0x1ACF0] =	vst v63  }
0x2d9: {  	_ =	swait.ge [sflag:s29], $0x7D0  }
0x2da: {  	[sflag:s29] =	ssyncset.done $0x0  }
0x2db: {  	[sflag:s29] =	ssyncadd.s32 $0xFFFFF830  }
0x2dc: {  	v4 =	vld [tilespmem:s20+$0x0];
	_ =	sdelay $0x4  }
0x2dd: {  	(erf) = vrcp.f32 v4;
	_ =	sdelay $0x4  }
0x2de: {  	s17 =	simm.s32 $0x0  }
0x2df: {  	v5 =	vld [tilespmem:s17+$0x7BC0];
	_ =	sdelay $0x1  }
0x2e0: {  	v6 =	vld [tilespmem:$0xC250]  }
0x2e1: {  	vm0 =	vgt.f32 v4, $0.0e+00;
	v4 =	vpop (erf)  }
0x2e2: {  	v4 =	vnsel vm0, $0x0, v4  }
0x2e3: {  	v5 =	vmul.f32 v4, v5;
	_ =	sdelay $0x1  }
0x2e4: {  	v5 =	vadd.f32 v5, v6;
	_ =	sdelay $0x1  }
0x2e5: {  	v7 =	vmul.f32 $9.999999770e-03, v5;
	_ =	sdelay $0x1  }
0x2e6: {  	v5 =	vmax.f32 v5, v7;
	v7 =	vld [tilespmem:s17+$0x7BD0]  }
0x2e7: {  	[tilespmem:s17+$0xA2D0] =	vst v5  }
0x2e8: {  	v5 =	vld [tilespmem:$0xC260];
	_ =	sdelay $0x2  }
0x2e9: {  	v7 =	vmul.f32 v7, v4;
	_ =	sdelay $0x1  }
0x2ea: {  	v5 =	vadd.f32 v5, v7;
	_ =	sdelay $0x1  }
0x2eb: {  	v7 =	vmul.f32 $9.999999770e-03, v5;
	_ =	sdelay $0x1  }
0x2ec: {  	v6 =	vld [tilespmem:s17+$0x7BE0];
	v5 =	vmax.f32 v5, v7  }
0x2ed: {  	[tilespmem:s17+$0xA2E0] =	vst v5  }
0x2ee: {  	v5 =	vld [tilespmem:$0xC270];
	_ =	sdelay $0x2  }
0x2ef: {  	v6 =	vmul.f32 v6, v4;
	_ =	sdelay $0x1  }
0x2f0: {  	v5 =	vadd.f32 v5, v6;
	_ =	sdelay $0x1  }
0x2f1: {  	v6 =	vmul.f32 $9.999999770e-03, v5;
	_ =	sdelay $0x1  }
0x2f2: {  	v8 =	vld [tilespmem:s17+$0x7BF0];
	v5 =	vmax.f32 v5, v6  }
0x2f3: {  	[tilespmem:s17+$0xA2F0] =	vst v5  }
0x2f4: {  	v5 =	vld [tilespmem:$0xC280];
	_ =	sdelay $0x2  }
0x2f5: {  	v4 =	vmul.f32 v8, v4;
	_ =	sdelay $0x1  }
0x2f6: {  	v4 =	vadd.f32 v5, v4;
	_ =	sdelay $0x1  }
0x2f7: {  	v5 =	vmul.f32 $9.999999770e-03, v4;
	_ =	sdelay $0x1  }
0x2f8: {  	s11 =	simm.s32 $0x100;
	v4 =	vmax.f32 v4, v5  }
.LBB2_29:
0x2f9: {  	p0 =	sne.s32 s11, $0x7C00  }
0x2fa: {  	[tilespmem:s17+$0xA300] =	vst v4;
	s20 =	sadd.s32 $0x10, s20;
	s5 =	smov.u32 s11;
	s11 =	sadd.s32 $0x100, s11  }
0x2fb: {  	v4 =	vld [tilespmem:s20+$0x0];
	_ =	sdelay $0x4  }
0x2fc: {  	(erf) = vrcp.f32 v4;
	_ =	sdelay $0x4  }
0x2fd: {  	s17 =	sshra.s32 s5, $0x2  }
0x2fe: {  	v5 =	vld [tilespmem:s17+$0x7BC0]  }
0x2ff: {  	v6 =	vld [tilespmem:s17+$0x7BE0]  }
0x300: {  	v7 =	vld [tilespmem:$0xC250]  }
0x301: {  	vm0 =	vgt.f32 v4, $0.0e+00;
	v4 =	vld [tilespmem:s17+$0x7BF0];
	v8 =	vpop (erf)  }
0x302: {  	v8 =	vnsel vm0, $0x0, v8  }
0x303: {  	v5 =	vmul.f32 v8, v5  }
0x304: {  	v6 =	vmul.f32 v6, v8  }
0x305: {  	v5 =	vadd.f32 v5, v7  }
0x306: {  	v4 =	vmul.f32 v4, v8  }
0x307: {  	v7 =	vmul.f32 $9.999999770e-03, v5;
	_ =	sdelay $0x1  }
0x308: {  	v5 =	vmax.f32 v5, v7;
	v7 =	vld [tilespmem:s17+$0x7BD0]  }
0x309: {  	[tilespmem:s17+$0xA2D0] =	vst v5  }
0x30a: {  	v5 =	vld [tilespmem:$0xC260];
	_ =	sdelay $0x2  }
0x30b: {  	v7 =	vmul.f32 v7, v8;
	_ =	sdelay $0x1  }
0x30c: {  	v5 =	vadd.f32 v5, v7;
	_ =	sdelay $0x1  }
0x30d: {  	v7 =	vmul.f32 $9.999999770e-03, v5;
	_ =	sdelay $0x1  }
0x30e: {  	v5 =	vmax.f32 v5, v7  }
0x30f: {  	[tilespmem:s17+$0xA2E0] =	vst v5  }
0x310: {  	v5 =	vld [tilespmem:$0xC270];
	_ =	sdelay $0x4  }
0x311: {  	v5 =	vadd.f32 v5, v6;
	_ =	sdelay $0x1  }
0x312: {  	v6 =	vmul.f32 $9.999999770e-03, v5;
	_ =	sdelay $0x1  }
0x313: {  	v5 =	vmax.f32 v5, v6  }
0x314: {  	[tilespmem:s17+$0xA2F0] =	vst v5  }
0x315: {  	v5 =	vld [tilespmem:$0xC280];
	_ =	sdelay $0x4  }
.Ltmp13:
0x316: {  	v4 =	vadd.f32 v5, v4;
	(pc) =	sbr.rel @p0 .LBB2_29-.Ltmp13, $3  }
0x317: {  	_ = 	snop  }
0x318: {  	v5 =	vmul.f32 $9.999999770e-03, v4;
	_ =	sdelay $0x1  }
0x319: {  	v4 =	vmax.f32 v4, v5  }
0x31a: {  	s16 =	sadd.s32 $0x1, s16  }
0x31b: {  	s5 =	sshll.u32 s18, $0x5;
	p0 =	sne.s32 s16, $0x5  }
.Ltmp14:
0x31c: {  	[tilespmem:s17+$0xA300] =	vst v4;
	s5 =	sadd.s32 s5, s14;
	(pc) =	sbr.rel @p0 .LBB2_28-.Ltmp14, $4  }
0x31d: {  	[hbm4b:s5+s23] =	stream.strided.scatter [tilespmem:s26], [sflag:$0x6], $0x1F40, s25, s23, $0x38;
	[tilespmem:$0x1ACF0] =	vst v63  }
0x31e: {  	_ =	swait.ge [sflag:s29], $0x1F40  }
0x31f: {  	[sflag:s29] =	ssyncset.done $0x0  }
0x320: {  	[sflag:s29] =	ssyncadd.s32 $0xFFFFE0C0  }
0x321: {  	s7 =	sadd.s32 $0x1, s7;
	s5 =	rddreg [dreg:$0xc]  }
0x322: {  	p0 =	sne.s32 s7, s5  }
.Ltmp15:
0x323: {  	_ = 	snop;
	(pc) =	sbr.rel @p0 .LBB2_1-.Ltmp15, $1  }
0x324: {  	_ =	sdelay $0x3  }
0x325: {  	_ =	sfence.sel $0x180000  }
0x326: {  	[bflag:$0x0] =	sbarrier.arrive $0xFFFF  }
0x327: {  	_ =	strace $0x90000047  }
0x328: {  	s0 =	stileid.u32;
	[bflag:$0x2] =	sbarrier.arrive $0xFFFF  }
0x329: {  	p0 =	sne.s32 s0, $0x0;
	s0 =	rddreg [dreg:$0x7]  }
0x32a: {  	s0 =	sadd.s32 @!p0 $0x100000, s0  }
0x32b: {  	[sflag:s0] =	ssyncadd.tile.s32 @!p0 $0x1;
	_ =	shalt  }
.Lfunc_end2:
_tile_overlayer_lowered:
.L_overlay_start_2:
0x32c: {  	(tag) =	ssettag $0x2  }
0x32d: {  	s0 =	rddreg [dreg:$0x0];
	s2 =	stileid.u32  }
0x32e: {  	s1 =	rddreg [dreg:$0x1];
	p0 =	sne.s32 s2, $0x0  }
0x32f: {  	s3 =	rddreg [dreg:$0x2];
	[bflag:$0x3] =	sbarrier.arrive $0xFFFF;
	s2 =	simm.s32 @!p0 $0x1C06  }
0x330: {  	[timem:s3], [sflag:s2] =	dma.local @!p0 [hbm:s0], s1  }
0x331: {  	s0 =	simm.s32 @!p0 $0x6  }
0x332: {  	_ =	swait.ge @!p0 [sflag:s0], s1  }
0x333: {  	s1 =	ssub.s32 @!p0 $0x0, s1;
	[sflag:s0] =	ssyncset.done @!p0 $0x0  }
0x334: {  	[sflag:s0] =	ssyncadd.s32 @!p0 s1  }
0x335: {  	[bflag:$0x3] =	sbarrier.arrive $0xFFFF  }
0x336: {  	_ =	shalt  }

</sc_bundles>
